<compile_context>
chip_gen: v7x
topology: tpu7x:2x2x1
jax: 0.10.2.dev20260603
libtpu: 0.0.44.dev20260713+nightly
codegen_flags: <defaults>
</compile_context>

<pallas_src>
import functools

import jax
import jax.numpy as jnp
from jax import lax
from jax.experimental import pallas as pl
from jax.experimental.pallas import tpu as pltpu
from jax.experimental.pallas import tpu_sc as plsc

_N_NODES = 100000
_N_EDGES = 1600000
_NW = 32
_C = 512
_S = 128
_G = _C // 16
_NB = _C // _S
_NCHUNKS = _N_EDGES // _C
_CPW = -(-_NCHUNKS // _NW)
_NBLK = _N_EDGES // _S

_HALF_PI = 1.5707963267948966

_ATAN_C = (
    0.9999999937572801, -0.3333313797588716, 0.19993694079563193,
    -0.14211102809331508, 0.10667470050577645, -0.07556856634693432,
    0.04327764436731928, -0.01641277490593999, 0.00293264657519318,
)


def _f32(x):
    return jnp.float32(x)


def _recip(x):
    i = plsc.bitcast(x, jnp.int32)
    i = jnp.int32(0x7EF311C3) - i
    r = plsc.bitcast(i, jnp.float32)
    for _ in range(3):
        r = r * (_f32(2.0) - x * r)
    return r


def _rsqrt(a):
    i = plsc.bitcast(a, jnp.int32)
    i = jnp.int32(0x5F3759DF) - (i >> 1)
    y = plsc.bitcast(i, jnp.float32)
    for _ in range(3):
        y = y * (_f32(1.5) - _f32(0.5) * a * y * y)
    return y


def _atan01(z):
    u = z * z
    p = _f32(_ATAN_C[8])
    for k in range(7, -1, -1):
        p = p * u + _f32(_ATAN_C[k])
    return p * z


def _qmul(a, b):
    ax, ay, az, aw = a
    bx, by, bz, bw = b
    return (aw * bx + ax * bw + ay * bz - az * by,
            aw * by - ax * bz + ay * bw + az * bx,
            aw * bz + ax * by - ay * bx + az * bw,
            aw * bw - ax * bx - ay * by - az * bz)


def _qrot(q, v):
    qx, qy, qz, qw = q
    vx, vy, vz = v
    ux = qy * vz - qz * vy
    uy = qz * vx - qx * vz
    uz = qx * vy - qy * vx
    wx = qy * uz - qz * uy
    wy = qz * ux - qx * uz
    wz = qx * uy - qy * ux
    return (vx + _f32(2.0) * (qw * ux + wx),
            vy + _f32(2.0) * (qw * uy + wy),
            vz + _f32(2.0) * (qw * uz + wz))


def _edge_math(tp, qp, t1, q1, t2, q2):
    qpc = (-qp[0], -qp[1], -qp[2], qp[3])
    q1c = (-q1[0], -q1[1], -q1[2], q1[3])
    u = (t2[0] - t1[0], t2[1] - t1[1], t2[2] - t1[2])
    v1 = _qrot(q1c, u)
    wv = (v1[0] - tp[0], v1[1] - tp[1], v1[2] - tp[2])
    tT = _qrot(qpc, wv)
    qT = _qmul(_qmul(qpc, q1c), q2)

    x, y, z, w = qT
    sgn = jnp.where(w < _f32(0.0), _f32(-1.0), _f32(1.0))
    x = x * sgn
    y = y * sgn
    z = z * sgn
    w = w * sgn
    n2 = x * x + y * y + z * z
    a = n2 + _f32(1e-24)
    ry = _rsqrt(a)
    n = a * ry
    mn = jnp.minimum(n, w)
    mx = jnp.maximum(n, w)
    t = _atan01(mn * _recip(mx))
    half = jnp.where(n > w, _f32(_HALF_PI) - t, t)
    angle = _f32(2.0) * half
    small = n < _f32(1e-7)
    factor = jnp.where(small, _f32(2.0), angle * ry)
    px = x * factor
    py = y * factor
    pz = z * factor
    theta2 = px * px + py * py + pz * pz
    small2 = angle < _f32(1e-6)
    th = jnp.where(small2, _f32(1.0), angle)
    rth = _recip(th)
    coef = jnp.where(small2, _f32(1.0 / 12.0),
                     rth * rth - _f32(0.5) * w * ry * rth)
    tx, ty, tz = tT
    pt = px * tx + py * ty + pz * tz
    aa = _f32(1.0) - coef * theta2
    cx = py * tz - pz * ty
    cy = pz * tx - px * tz
    cz = px * ty - py * tx
    cp = coef * pt
    r0 = tx * aa - _f32(0.5) * cx + cp * px
    r1 = ty * aa - _f32(0.5) * cy + cp * py
    r2 = tz * aa - _f32(0.5) * cz + cp * pz
    return (r0, r1, r2, px, py, pz)


def _sc_body(edges_hbm, poses_hbm, nodes_hbm, out_hbm, *scratch):
    set_a = scratch[:7]
    set_b = scratch[7:]
    cid = lax.axis_index("c")
    sid = lax.axis_index("s")
    wid = sid * 2 + cid
    iota = lax.iota(jnp.int32, 16)
    cols = [jnp.full((16,), c, jnp.int32) for c in range(7)]

    def fire(st, c):
        idx1_v, idx2_v, pos_v, n1_v, n2_v, _, sem = st
        cps = []
        for k in range(_NB):
            cps.append(pltpu.async_copy(
                edges_hbm.at[pl.ds(c * _C * 2 + k * 2 * _S, _S)],
                idx1_v.at[k], sem))
            cps.append(pltpu.async_copy(
                edges_hbm.at[pl.ds(c * _C * 2 + (k * 2 + 1) * _S, _S)],
                idx2_v.at[k], sem))
        for cp in cps:
            cp.wait()
        pltpu.async_copy(poses_hbm.at[pl.ds(c * _NB, _NB)], pos_v, sem)
        for k in range(_NB):
            pltpu.async_copy(nodes_hbm.at[idx1_v.at[k]],
                             n1_v.at[pl.ds(k * _S, _S)], sem)
            pltpu.async_copy(nodes_hbm.at[idx2_v.at[k]],
                             n2_v.at[pl.ds(k * _S, _S)], sem)

    def drain(st, c):
        idx1_v, idx2_v, pos_v, n1_v, n2_v, _, sem = st
        pltpu.make_async_copy(poses_hbm.at[pl.ds(c * _NB, _NB)], pos_v,
                              sem).wait()
        for k in range(_NB):
            pltpu.make_async_copy(nodes_hbm.at[idx1_v.at[k]],
                                  n1_v.at[pl.ds(k * _S, _S)], sem).wait()
            pltpu.make_async_copy(nodes_hbm.at[idx2_v.at[k]],
                                  n2_v.at[pl.ds(k * _S, _S)], sem).wait()

    def compute(st, c):
        _, _, pos_v, n1_v, n2_v, out_v, _ = st

        def group(g, _):
            b = g // 8
            l0 = (g % 8) * 16
            rows = iota + g * 16
            tp = [pos_v[b, pl.ds(c2 * 128 + l0, 16)] for c2 in range(3)]
            qp = [pos_v[b, pl.ds(c2 * 128 + l0, 16)] for c2 in range(3, 7)]
            nn1 = [plsc.load_gather(n1_v, [rows, cols[c2]]) for c2 in range(7)]
            nn2 = [plsc.load_gather(n2_v, [rows, cols[c2]]) for c2 in range(7)]
            r6 = _edge_math(tp, qp, nn1[:3], nn1[3:], nn2[:3], nn2[3:])
            for oi in range(6):
                out_v[b, pl.ds(oi * 128 + l0, 16)] = r6[oi]

        lax.fori_loop(0, _G, group, None)
        pltpu.sync_copy(out_v, out_hbm.at[pl.ds(c * _NB, _NB)])

    fire(set_a, wid)

    def pair_body(j, _):
        c0 = wid + (2 * j) * _NW
        c1 = c0 + _NW
        c2 = c0 + 2 * _NW

        @pl.when(c1 < _NCHUNKS)
        def _():
            fire(set_b, c1)

        drain(set_a, c0)
        compute(set_a, c0)

        @pl.when(c2 < _NCHUNKS)
        def _():
            fire(set_a, c2)

        @pl.when(c1 < _NCHUNKS)
        def _():
            drain(set_b, c1)
            compute(set_b, c1)

    lax.fori_loop(0, _CPW // 2, pair_body, None)


_mesh = plsc.VectorSubcoreMesh(core_axis_name="c", subcore_axis_name="s")

_sc_call = functools.partial(
    pl.kernel,
    out_type=jax.ShapeDtypeStruct((_NBLK, 1024), jnp.float32),
    mesh=_mesh,
    scratch_types=[
        pltpu.VMEM((_NB, _S), jnp.int32),
        pltpu.VMEM((_NB, _S), jnp.int32),
        pltpu.VMEM((_NB, 1024), jnp.float32),
        pltpu.VMEM((_C, 16), jnp.float32),
        pltpu.VMEM((_C, 16), jnp.float32),
        pltpu.VMEM((_NB, 1024), jnp.float32),
        pltpu.SemaphoreType.DMA,
    ] * 2,
    compiler_params=pltpu.CompilerParams(
        needs_layout_passes=False, use_tc_tiling_on_sc=False),
)(_sc_body)


_TBLK = 1024


def _tc_matvec_body(inf_ref, r6_ref, out_ref):
    outs = []
    for i in range(6):
        s = inf_ref[i, 0, :].reshape(_TBLK // 128, 128) * r6_ref[:, pl.ds(0, 128)]
        for j in range(1, 6):
            s = s + (inf_ref[i, j, :].reshape(_TBLK // 128, 128)
                     * r6_ref[:, pl.ds(j * 128, 128)])
        outs.append(s.reshape(1, _TBLK))
    out_ref[...] = jnp.concatenate(outs, axis=0)


def _tc_matvec(infos_t, r6):
    return pl.pallas_call(
        _tc_matvec_body,
        out_shape=jax.ShapeDtypeStruct((6, _N_EDGES), jnp.float32),
        grid=(pl.cdiv(_N_EDGES, _TBLK),),
        in_specs=[
            pl.BlockSpec((6, 6, _TBLK), lambda b: (0, 0, b)),
            pl.BlockSpec((_TBLK // 128, 1024), lambda b: (b, 0)),
        ],
        out_specs=pl.BlockSpec((6, _TBLK), lambda b: (0, b)),
        compiler_params=pltpu.CompilerParams(
            dimension_semantics=("arbitrary",)),
    )(infos_t, r6)


def kernel(edges, poses, infos, nodes):
    edges_lin = (edges.astype(jnp.int32)
                 .reshape(_NBLK, _S, 2).transpose(0, 2, 1).reshape(-1))
    poses_til = (jnp.pad(poses, ((0, 0), (0, 1)))
                 .reshape(_NBLK, _S, 8).transpose(0, 2, 1).reshape(_NBLK, 1024))
    nodes_p = jnp.pad(nodes, ((0, 0), (0, 9)))
    infos_t = infos.transpose(1, 2, 0)
    r6 = _sc_call(edges_lin, poses_til, nodes_p)
    out = _tc_matvec(infos_t, r6)
    return out.T

# --- scband reference (transcript-rebuilt; emitter-appended) ---
"""Pipeline reference for scband-pose-graph-30399778521135 (READ-ONLY COPY).

The authoritative reference and input builder live on the scoring server;
editing this copy changes nothing except your own understanding.
"""

import jax, jax.numpy as jnp
import numpy as np

N_NODES = 100000
N_EDGES = 1600000


def _quat_mul(q, r):
    x1, y1, z1, w1 = q[..., 0], q[..., 1], q[..., 2], q[..., 3]
    x2, y2, z2, w2 = r[..., 0], r[..., 1], r[..., 2], r[..., 3]
    x = w1 * x2 + x1 * w2 + y1 * z2 - z1 * y2
    y = w1 * y2 - x1 * z2 + y1 * w2 + z1 * x2
    z = w1 * z2 + x1 * y2 - y1 * x2 + z1 * w2
    w = w1 * w2 - x1 * x2 - y1 * y2 - z1 * z2
    return jnp.stack([x, y, z, w], axis=-1)


def _quat_rotate(q, v):
    qv = q[..., :3]
    qw = q[..., 3:4]
    uv = jnp.cross(qv, v)
    uuv = jnp.cross(qv, uv)
    return v + 2.0 * (qw * uv + uuv)


def _se3_inv(pose):
    t = pose[..., :3]
    q = pose[..., 3:]
    qinv = q * jnp.array([-1.0, -1.0, -1.0, 1.0], dtype=pose.dtype)
    tinv = -_quat_rotate(qinv, t)
    return jnp.concatenate([tinv, qinv], axis=-1)


def _se3_mul(a, b):
    t1, q1 = a[..., :3], a[..., 3:]
    t2, q2 = b[..., :3], b[..., 3:]
    t = t1 + _quat_rotate(q1, t2)
    q = _quat_mul(q1, q2)
    return jnp.concatenate([t, q], axis=-1)


def _so3_log(q):
    qv = q[..., :3]
    qw = q[..., 3]
    sgn = jnp.where(qw < 0, -1.0, 1.0)
    qv = qv * sgn[..., None]
    qw = qw * sgn
    n2 = jnp.sum(qv * qv, axis=-1)
    n = jnp.sqrt(n2 + 1e-24)
    angle = 2.0 * jnp.arctan2(n, qw)
    small = n < 1e-7
    qw_safe = jnp.where(jnp.abs(qw) < 1e-12, 1.0, qw)
    factor = jnp.where(small, 2.0 / qw_safe, angle / n)
    return qv * factor[..., None]


def _hat(v):
    zeros = jnp.zeros_like(v[..., 0])
    row0 = jnp.stack([zeros, -v[..., 2], v[..., 1]], axis=-1)
    row1 = jnp.stack([v[..., 2], zeros, -v[..., 0]], axis=-1)
    row2 = jnp.stack([-v[..., 1], v[..., 0], zeros], axis=-1)
    return jnp.stack([row0, row1, row2], axis=-2)


def _se3_log(pose):
    t = pose[..., :3]
    q = pose[..., 3:]
    phi = _so3_log(q)
    theta2 = jnp.sum(phi * phi, axis=-1)
    theta = jnp.sqrt(theta2 + 1e-24)
    small = theta < 1e-6
    th = jnp.where(small, 1.0, theta)
    s = jnp.sin(th)
    s_safe = jnp.where(jnp.abs(s) < 1e-12, 1.0, s)
    coef = jnp.where(small, 1.0 / 12.0, 1.0 / (th * th) - (1.0 + jnp.cos(th)) / (2.0 * th * s_safe))
    K = _hat(phi)
    K2 = jnp.einsum('...ij,...jk->...ik', K, K)
    eye = jnp.eye(3, dtype=pose.dtype)
    Vinv = eye - 0.5 * K + coef[..., None, None] * K2
    rho = jnp.einsum('...ij,...j->...i', Vinv, t)
    return jnp.concatenate([rho, phi], axis=-1)


def _random_se3(key, n, trans_scale=1.0):
    kt, kq = jax.random.split(key)
    t = jax.random.normal(kt, (n, 3), dtype=jnp.float32) * trans_scale
    q = jax.random.normal(kq, (n, 4), dtype=jnp.float32)
    q = q / jnp.linalg.norm(q, axis=-1, keepdims=True)
    return jnp.concatenate([t, q], axis=-1)


def setup_inputs(seed: int = 0) -> dict:
    key = jax.random.key(seed)
    k1, k2, k3, k4 = jax.random.split(key, 4)
    nodes = _random_se3(k1, N_NODES)
    edges = jax.random.randint(k2, (N_EDGES, 2), 0, N_NODES)
    poses = _random_se3(k3, N_EDGES)
    infos = jax.random.normal(k4, (N_EDGES, 6, 6), dtype=jnp.float32)
    return {'edges': edges, 'poses': poses, 'infos': infos, 'nodes': nodes}


def reference(edges, poses, infos, nodes):
    node1 = jnp.take(nodes, edges[..., 0], axis=0)
    node2 = jnp.take(nodes, edges[..., 1], axis=0)
    T = _se3_mul(_se3_mul(_se3_inv(poses), _se3_inv(node1)), node2)
    residual = _se3_log(T)
    residual = jnp.einsum('...ij,...j->...i', infos, residual)
    return residual

if __name__ == "__main__":
    import jax
    _d = setup_inputs()
    print(jax.jit(kernel)(*tuple(_d.values())))

</pallas_src>

<mosaic_0001>
#map = affine_map<(d0, d1) -> (0)>
#map1 = affine_map<(d0, d1) -> (0, 0)>
module attributes {stable_mosaic.version = 14 : i64} {
  func.func @_sc_body(%arg0: i32, %arg1: i32, %arg2: memref<3200000xi32, #tpu.memory_space<hbm>>, %arg3: memref<12500x1024xf32, #tpu.memory_space<hbm>>, %arg4: memref<100000x16xf32, #tpu.memory_space<hbm>>, %arg5: memref<12500x1024xf32, #tpu.memory_space<hbm>>, %arg6: memref<4x128xi32, #tpu.memory_space<vmem>>, %arg7: memref<4x128xi32, #tpu.memory_space<vmem>>, %arg8: memref<4x1024xf32, #tpu.memory_space<vmem>>, %arg9: memref<512x16xf32, #tpu.memory_space<vmem>>, %arg10: memref<512x16xf32, #tpu.memory_space<vmem>>, %arg11: memref<4x1024xf32, #tpu.memory_space<vmem>>, %arg12: memref<!tpu.dma_semaphore, #tpu.memory_space<semaphore_mem>>, %arg13: memref<4x128xi32, #tpu.memory_space<vmem>>, %arg14: memref<4x128xi32, #tpu.memory_space<vmem>>, %arg15: memref<4x1024xf32, #tpu.memory_space<vmem>>, %arg16: memref<512x16xf32, #tpu.memory_space<vmem>>, %arg17: memref<512x16xf32, #tpu.memory_space<vmem>>, %arg18: memref<4x1024xf32, #tpu.memory_space<vmem>>, %arg19: memref<!tpu.dma_semaphore, #tpu.memory_space<semaphore_mem>>) attributes {dimension_semantics = [#tpu.dimension_semantics<core_parallel>, #tpu.dimension_semantics<subcore_parallel>], iteration_bounds = array<i64: 2, 16>, scalar_prefetch = 0 : i64, scratch_operands = 14 : i64, tpu.core_type = #tpu.core_type<sc_vector_subcore>, window_params = [{transform_indices = #map}, {transform_indices = #map1}, {transform_indices = #map1}, {transform_indices = #map1}]} {
    %mul3A = arith.constant 2 : i32
    %mul3A_0 = arith.muli %arg1, %mul3A : i32
    %add3A = arith.addi %mul3A_0, %arg0 : i32
    %iota3A = tpu.iota {dimensions = array<i32: 0>} : vector<16xi32>
    %broadcast_in_dim3A = arith.constant 0 : i32
    %broadcast_in_dim3A_1 = vector.broadcast %broadcast_in_dim3A : i32 to vector<16xi32>
    %broadcast_in_dim3A_2 = arith.constant 1 : i32
    %broadcast_in_dim3A_3 = vector.broadcast %broadcast_in_dim3A_2 : i32 to vector<16xi32>
    %broadcast_in_dim3A_4 = arith.constant 2 : i32
    %broadcast_in_dim3A_5 = vector.broadcast %broadcast_in_dim3A_4 : i32 to vector<16xi32>
    %broadcast_in_dim3A_6 = arith.constant 3 : i32
    %broadcast_in_dim3A_7 = vector.broadcast %broadcast_in_dim3A_6 : i32 to vector<16xi32>
    %broadcast_in_dim3A_8 = arith.constant 4 : i32
    %broadcast_in_dim3A_9 = vector.broadcast %broadcast_in_dim3A_8 : i32 to vector<16xi32>
    %broadcast_in_dim3A_10 = arith.constant 5 : i32
    %broadcast_in_dim3A_11 = vector.broadcast %broadcast_in_dim3A_10 : i32 to vector<16xi32>
    %broadcast_in_dim3A_12 = arith.constant 6 : i32
    %broadcast_in_dim3A_13 = vector.broadcast %broadcast_in_dim3A_12 : i32 to vector<16xi32>
    %mul3A_14 = arith.constant 512 : i32
    %mul3A_15 = arith.muli %add3A, %mul3A_14 : i32
    %mul3A_16 = arith.constant 2 : i32
    %mul3A_17 = arith.muli %mul3A_15, %mul3A_16 : i32
    %add3A_18 = arith.constant 0 : i32
    %add3A_19 = arith.addi %mul3A_17, %add3A_18 : i32
    %dma_start3A = arith.constant 0 : i32
    %dma_start3A_20 = arith.constant 0 : i32
    %dma_start3A_21 = tpu.memref_slice %arg6[%dma_start3A, %dma_start3A_20] : memref<4x128xi32, #tpu.memory_space<vmem>> -> memref<1x128xi32, #tpu.memory_space<vmem>>
    %dma_start3A_22 = tpu.memref_squeeze %dma_start3A_21 : memref<1x128xi32, #tpu.memory_space<vmem>> -> memref<128xi32, #tpu.memory_space<vmem>>
    %dma_start3A_23 = tpu.memref_slice %arg2[%add3A_19] : memref<3200000xi32, #tpu.memory_space<hbm>> -> memref<128xi32, #tpu.memory_space<hbm>>
    %dma_start3A_24 = arith.constant 0 : i32
    %dma_start3A_25 = tpu.memref_slice %arg6[%dma_start3A, %dma_start3A_24] : memref<4x128xi32, #tpu.memory_space<vmem>> -> memref<1x128xi32, #tpu.memory_space<vmem>>
    %dma_start3A_26 = tpu.memref_squeeze %dma_start3A_25 : memref<1x128xi32, #tpu.memory_space<vmem>> -> memref<128xi32, #tpu.memory_space<vmem>>
    %dma_start3A_27 = tpu.memref_slice %arg2[%add3A_19] : memref<3200000xi32, #tpu.memory_space<hbm>> -> memref<128xi32, #tpu.memory_space<hbm>>
    tpu.enqueue_dma source(%dma_start3A_27 : memref<128xi32, #tpu.memory_space<hbm>>) target(%dma_start3A_26 : memref<128xi32, #tpu.memory_space<vmem>>) target_semaphore(%arg12 : memref<!tpu.dma_semaphore, #tpu.memory_space<semaphore_mem>>)
    %mul3A_28 = arith.constant 512 : i32
    %mul3A_29 = arith.muli %add3A, %mul3A_28 : i32
    %mul3A_30 = arith.constant 2 : i32
    %mul3A_31 = arith.muli %mul3A_29, %mul3A_30 : i32
    %add3A_32 = arith.constant 128 : i32
    %add3A_33 = arith.addi %mul3A_31, %add3A_32 : i32
    %dma_start3A_34 = arith.constant 0 : i32
    %dma_start3A_35 = arith.constant 0 : i32
    %dma_start3A_36 = tpu.memref_slice %arg7[%dma_start3A_34, %dma_start3A_35] : memref<4x128xi32, #tpu.memory_space<vmem>> -> memref<1x128xi32, #tpu.memory_space<vmem>>
    %dma_start3A_37 = tpu.memref_squeeze %dma_start3A_36 : memref<1x128xi32, #tpu.memory_space<vmem>> -> memref<128xi32, #tpu.memory_space<vmem>>
    %dma_start3A_38 = tpu.memref_slice %arg2[%add3A_33] : memref<3200000xi32, #tpu.memory_space<hbm>> -> memref<128xi32, #tpu.memory_space<hbm>>
    %dma_start3A_39 = arith.constant 0 : i32
    %dma_start3A_40 = tpu.memref_slice %arg7[%dma_start3A_34, %dma_start3A_39] : memref<4x128xi32, #tpu.memory_space<vmem>> -> memref<1x128xi32, #tpu.memory_space<vmem>>
    %dma_start3A_41 = tpu.memref_squeeze %dma_start3A_40 : memref<1x128xi32, #tpu.memory_space<vmem>> -> memref<128xi32, #tpu.memory_space<vmem>>
    %dma_start3A_42 = tpu.memref_slice %arg2[%add3A_33] : memref<3200000xi32, #tpu.memory_space<hbm>> -> memref<128xi32, #tpu.memory_space<hbm>>
    tpu.enqueue_dma source(%dma_start3A_42 : memref<128xi32, #tpu.memory_space<hbm>>) target(%dma_start3A_41 : memref<128xi32, #tpu.memory_space<vmem>>) target_semaphore(%arg12 : memref<!tpu.dma_semaphore, #tpu.memory_space<semaphore_mem>>)
    %mul3A_43 = arith.constant 512 : i32
    %mul3A_44 = arith.muli %add3A, %mul3A_43 : i32
    %mul3A_45 = arith.constant 2 : i32
    %mul3A_46 = arith.muli %mul3A_44, %mul3A_45 : i32
    %add3A_47 = arith.constant 256 : i32
    %add3A_48 = arith.addi %mul3A_46, %add3A_47 : i32
    %dma_start3A_49 = arith.constant 1 : i32
    %dma_start3A_50 = arith.constant 0 : i32
    %dma_start3A_51 = tpu.memref_slice %arg6[%dma_start3A_49, %dma_start3A_50] : memref<4x128xi32, #tpu.memory_space<vmem>> -> memref<1x128xi32, #tpu.memory_space<vmem>>
    %dma_start3A_52 = tpu.memref_squeeze %dma_start3A_51 : memref<1x128xi32, #tpu.memory_space<vmem>> -> memref<128xi32, #tpu.memory_space<vmem>>
    %dma_start3A_53 = tpu.memref_slice %arg2[%add3A_48] : memref<3200000xi32, #tpu.memory_space<hbm>> -> memref<128xi32, #tpu.memory_space<hbm>>
    %dma_start3A_54 = arith.constant 0 : i32
    %dma_start3A_55 = tpu.memref_slice %arg6[%dma_start3A_49, %dma_start3A_54] : memref<4x128xi32, #tpu.memory_space<vmem>> -> memref<1x128xi32, #tpu.memory_space<vmem>>
    %dma_start3A_56 = tpu.memref_squeeze %dma_start3A_55 : memref<1x128xi32, #tpu.memory_space<vmem>> -> memref<128xi32, #tpu.memory_space<vmem>>
    %dma_start3A_57 = tpu.memref_slice %arg2[%add3A_48] : memref<3200000xi32, #tpu.memory_space<hbm>> -> memref<128xi32, #tpu.memory_space<hbm>>
    tpu.enqueue_dma source(%dma_start3A_57 : memref<128xi32, #tpu.memory_space<hbm>>) target(%dma_start3A_56 : memref<128xi32, #tpu.memory_space<vmem>>) target_semaphore(%arg12 : memref<!tpu.dma_semaphore, #tpu.memory_space<semaphore_mem>>)
    %mul3A_58 = arith.constant 512 : i32
    %mul3A_59 = arith.muli %add3A, %mul3A_58 : i32
    %mul3A_60 = arith.constant 2 : i32
    %mul3A_61 = arith.muli %mul3A_59, %mul3A_60 : i32
    %add3A_62 = arith.constant 384 : i32
    %add3A_63 = arith.addi %mul3A_61, %add3A_62 : i32
    %dma_start3A_64 = arith.constant 1 : i32
    %dma_start3A_65 = arith.constant 0 : i32
    %dma_start3A_66 = tpu.memref_slice %arg7[%dma_start3A_64, %dma_start3A_65] : memref<4x128xi32, #tpu.memory_space<vmem>> -> memref<1x128xi32, #tpu.memory_space<vmem>>
    %dma_start3A_67 = tpu.memref_squeeze %dma_start3A_66 : memref<1x128xi32, #tpu.memory_space<vmem>> -> memref<128xi32, #tpu.memory_space<vmem>>
    %dma_start3A_68 = tpu.memref_slice %arg2[%add3A_63] : memref<3200000xi32, #tpu.memory_space<hbm>> -> memref<128xi32, #tpu.memory_space<hbm>>
    %dma_start3A_69 = arith.constant 0 : i32
    %dma_start3A_70 = tpu.memref_slice %arg7[%dma_start3A_64, %dma_start3A_69] : memref<4x128xi32, #tpu.memory_space<vmem>> -> memref<1x128xi32, #tpu.memory_space<vmem>>
    %dma_start3A_71 = tpu.memref_squeeze %dma_start3A_70 : memref<1x128xi32, #tpu.memory_space<vmem>> -> memref<128xi32, #tpu.memory_space<vmem>>
    %dma_start3A_72 = tpu.memref_slice %arg2[%add3A_63] : memref<3200000xi32, #tpu.memory_space<hbm>> -> memref<128xi32, #tpu.memory_space<hbm>>
    tpu.enqueue_dma source(%dma_start3A_72 : memref<128xi32, #tpu.memory_space<hbm>>) target(%dma_start3A_71 : memref<128xi32, #tpu.memory_space<vmem>>) target_semaphore(%arg12 : memref<!tpu.dma_semaphore, #tpu.memory_space<semaphore_mem>>)
    %mul3A_73 = arith.constant 512 : i32
    %mul3A_74 = arith.muli %add3A, %mul3A_73 : i32
    %mul3A_75 = arith.constant 2 : i32
    %mul3A_76 = arith.muli %mul3A_74, %mul3A_75 : i32
    %add3A_77 = arith.constant 512 : i32
    %add3A_78 = arith.addi %mul3A_76, %add3A_77 : i32
    %dma_start3A_79 = arith.constant 2 : i32
    %dma_start3A_80 = arith.constant 0 : i32
    %dma_start3A_81 = tpu.memref_slice %arg6[%dma_start3A_79, %dma_start3A_80] : memref<4x128xi32, #tpu.memory_space<vmem>> -> memref<1x128xi32, #tpu.memory_space<vmem>>
    %dma_start3A_82 = tpu.memref_squeeze %dma_start3A_81 : memref<1x128xi32, #tpu.memory_space<vmem>> -> memref<128xi32, #tpu.memory_space<vmem>>
    %dma_start3A_83 = tpu.memref_slice %arg2[%add3A_78] : memref<3200000xi32, #tpu.memory_space<hbm>> -> memref<128xi32, #tpu.memory_space<hbm>>
    %dma_start3A_84 = arith.constant 0 : i32
    %dma_start3A_85 = tpu.memref_slice %arg6[%dma_start3A_79, %dma_start3A_84] : memref<4x128xi32, #tpu.memory_space<vmem>> -> memref<1x128xi32, #tpu.memory_space<vmem>>
    %dma_start3A_86 = tpu.memref_squeeze %dma_start3A_85 : memref<1x128xi32, #tpu.memory_space<vmem>> -> memref<128xi32, #tpu.memory_space<vmem>>
    %dma_start3A_87 = tpu.memref_slice %arg2[%add3A_78] : memref<3200000xi32, #tpu.memory_space<hbm>> -> memref<128xi32, #tpu.memory_space<hbm>>
    tpu.enqueue_dma source(%dma_start3A_87 : memref<128xi32, #tpu.memory_space<hbm>>) target(%dma_start3A_86 : memref<128xi32, #tpu.memory_space<vmem>>) target_semaphore(%arg12 : memref<!tpu.dma_semaphore, #tpu.memory_space<semaphore_mem>>)
    %mul3A_88 = arith.constant 512 : i32
    %mul3A_89 = arith.muli %add3A, %mul3A_88 : i32
    %mul3A_90 = arith.constant 2 : i32
    %mul3A_91 = arith.muli %mul3A_89, %mul3A_90 : i32
    %add3A_92 = arith.constant 640 : i32
    %add3A_93 = arith.addi %mul3A_91, %add3A_92 : i32
    %dma_start3A_94 = arith.constant 2 : i32
    %dma_start3A_95 = arith.constant 0 : i32
    %dma_start3A_96 = tpu.memref_slice %arg7[%dma_start3A_94, %dma_start3A_95] : memref<4x128xi32, #tpu.memory_space<vmem>> -> memref<1x128xi32, #tpu.memory_space<vmem>>
    %dma_start3A_97 = tpu.memref_squeeze %dma_start3A_96 : memref<1x128xi32, #tpu.memory_space<vmem>> -> memref<128xi32, #tpu.memory_space<vmem>>
    %dma_start3A_98 = tpu.memref_slice %arg2[%add3A_93] : memref<3200000xi32, #tpu.memory_space<hbm>> -> memref<128xi32, #tpu.memory_space<hbm>>
    %dma_start3A_99 = arith.constant 0 : i32
    %dma_start3A_100 = tpu.memref_slice %arg7[%dma_start3A_94, %dma_start3A_99] : memref<4x128xi32, #tpu.memory_space<vmem>> -> memref<1x128xi32, #tpu.memory_space<vmem>>
    %dma_start3A_101 = tpu.memref_squeeze %dma_start3A_100 : memref<1x128xi32, #tpu.memory_space<vmem>> -> memref<128xi32, #tpu.memory_space<vmem>>
    %dma_start3A_102 = tpu.memref_slice %arg2[%add3A_93] : memref<3200000xi32, #tpu.memory_space<hbm>> -> memref<128xi32, #tpu.memory_space<hbm>>
    tpu.enqueue_dma source(%dma_start3A_102 : memref<128xi32, #tpu.memory_space<hbm>>) target(%dma_start3A_101 : memref<128xi32, #tpu.memory_space<vmem>>) target_semaphore(%arg12 : memref<!tpu.dma_semaphore, #tpu.memory_space<semaphore_mem>>)
    %mul3A_103 = arith.constant 512 : i32
    %mul3A_104 = arith.muli %add3A, %mul3A_103 : i32
    %mul3A_105 = arith.constant 2 : i32
    %mul3A_106 = arith.muli %mul3A_104, %mul3A_105 : i32
    %add3A_107 = arith.constant 768 : i32
    %add3A_108 = arith.addi %mul3A_106, %add3A_107 : i32
    %dma_start3A_109 = arith.constant 3 : i32
    %dma_start3A_110 = arith.constant 0 : i32
    %dma_start3A_111 = tpu.memref_slice %arg6[%dma_start3A_109, %dma_start3A_110] : memref<4x128xi32, #tpu.memory_space<vmem>> -> memref<1x128xi32, #tpu.memory_space<vmem>>
    %dma_start3A_112 = tpu.memref_squeeze %dma_start3A_111 : memref<1x128xi32, #tpu.memory_space<vmem>> -> memref<128xi32, #tpu.memory_space<vmem>>
    %dma_start3A_113 = tpu.memref_slice %arg2[%add3A_108] : memref<3200000xi32, #tpu.memory_space<hbm>> -> memref<128xi32, #tpu.memory_space<hbm>>
    %dma_start3A_114 = arith.constant 0 : i32
    %dma_start3A_115 = tpu.memref_slice %arg6[%dma_start3A_109, %dma_start3A_114] : memref<4x128xi32, #tpu.memory_space<vmem>> -> memref<1x128xi32, #tpu.memory_space<vmem>>
    %dma_start3A_116 = tpu.memref_squeeze %dma_start3A_115 : memref<1x128xi32, #tpu.memory_space<vmem>> -> memref<128xi32, #tpu.memory_space<vmem>>
    %dma_start3A_117 = tpu.memref_slice %arg2[%add3A_108] : memref<3200000xi32, #tpu.memory_space<hbm>> -> memref<128xi32, #tpu.memory_space<hbm>>
    tpu.enqueue_dma source(%dma_start3A_117 : memref<128xi32, #tpu.memory_space<hbm>>) target(%dma_start3A_116 : memref<128xi32, #tpu.memory_space<vmem>>) target_semaphore(%arg12 : memref<!tpu.dma_semaphore, #tpu.memory_space<semaphore_mem>>)
    %mul3A_118 = arith.constant 512 : i32
    %mul3A_119 = arith.muli %add3A, %mul3A_118 : i32
    %mul3A_120 = arith.constant 2 : i32
    %mul3A_121 = arith.muli %mul3A_119, %mul3A_120 : i32
    %add3A_122 = arith.constant 896 : i32
    %add3A_123 = arith.addi %mul3A_121, %add3A_122 : i32
    %dma_start3A_124 = arith.constant 3 : i32
    %dma_start3A_125 = arith.constant 0 : i32
    %dma_start3A_126 = tpu.memref_slice %arg7[%dma_start3A_124, %dma_start3A_125] : memref<4x128xi32, #tpu.memory_space<vmem>> -> memref<1x128xi32, #tpu.memory_space<vmem>>
    %dma_start3A_127 = tpu.memref_squeeze %dma_start3A_126 : memref<1x128xi32, #tpu.memory_space<vmem>> -> memref<128xi32, #tpu.memory_space<vmem>>
    %dma_start3A_128 = tpu.memref_slice %arg2[%add3A_123] : memref<3200000xi32, #tpu.memory_space<hbm>> -> memref<128xi32, #tpu.memory_space<hbm>>
    %dma_start3A_129 = arith.constant 0 : i32
    %dma_start3A_130 = tpu.memref_slice %arg7[%dma_start3A_124, %dma_start3A_129] : memref<4x128xi32, #tpu.memory_space<vmem>> -> memref<1x128xi32, #tpu.memory_space<vmem>>
    %dma_start3A_131 = tpu.memref_squeeze %dma_start3A_130 : memref<1x128xi32, #tpu.memory_space<vmem>> -> memref<128xi32, #tpu.memory_space<vmem>>
    %dma_start3A_132 = tpu.memref_slice %arg2[%add3A_123] : memref<3200000xi32, #tpu.memory_space<hbm>> -> memref<128xi32, #tpu.memory_space<hbm>>
    tpu.enqueue_dma source(%dma_start3A_132 : memref<128xi32, #tpu.memory_space<hbm>>) target(%dma_start3A_131 : memref<128xi32, #tpu.memory_space<vmem>>) target_semaphore(%arg12 : memref<!tpu.dma_semaphore, #tpu.memory_space<semaphore_mem>>)
    %dma_wait3A = arith.constant 0 : i32
    %dma_wait3A_133 = arith.constant 0 : i32
    %dma_wait3A_134 = tpu.memref_slice %arg6[%dma_wait3A, %dma_wait3A_133] : memref<4x128xi32, #tpu.memory_space<vmem>> -> memref<1x128xi32, #tpu.memory_space<vmem>>
    %dma_wait3A_135 = tpu.memref_squeeze %dma_wait3A_134 : memref<1x128xi32, #tpu.memory_space<vmem>> -> memref<128xi32, #tpu.memory_space<vmem>>
    %dma_wait3A_136 = tpu.memref_slice %arg2[%add3A_19] : memref<3200000xi32, #tpu.memory_space<hbm>> -> memref<128xi32, #tpu.memory_space<hbm>>
    %dma_wait3A_137 = arith.constant 0 : i32
    %dma_wait3A_138 = tpu.memref_slice %arg6[%dma_wait3A, %dma_wait3A_137] : memref<4x128xi32, #tpu.memory_space<vmem>> -> memref<1x128xi32, #tpu.memory_space<vmem>>
    %dma_wait3A_139 = tpu.memref_squeeze %dma_wait3A_138 : memref<1x128xi32, #tpu.memory_space<vmem>> -> memref<128xi32, #tpu.memory_space<vmem>>
    %dma_wait3A_140 = tpu.memref_slice %arg2[%add3A_19] : memref<3200000xi32, #tpu.memory_space<hbm>> -> memref<128xi32, #tpu.memory_space<hbm>>
    tpu.wait_dma2 semaphore(%arg12 : memref<!tpu.dma_semaphore, #tpu.memory_space<semaphore_mem>>) src(%dma_wait3A_140 : memref<128xi32, #tpu.memory_space<hbm>>) dst(%dma_wait3A_139 : memref<128xi32, #tpu.memory_space<vmem>>)
    %dma_wait3A_141 = arith.constant 0 : i32
    %dma_wait3A_142 = arith.constant 0 : i32
    %dma_wait3A_143 = tpu.memref_slice %arg7[%dma_wait3A_141, %dma_wait3A_142] : memref<4x128xi32, #tpu.memory_space<vmem>> -> memref<1x128xi32, #tpu.memory_space<vmem>>
    %dma_wait3A_144 = tpu.memref_squeeze %dma_wait3A_143 : memref<1x128xi32, #tpu.memory_space<vmem>> -> memref<128xi32, #tpu.memory_space<vmem>>
    %dma_wait3A_145 = tpu.memref_slice %arg2[%add3A_33] : memref<3200000xi32, #tpu.memory_space<hbm>> -> memref<128xi32, #tpu.memory_space<hbm>>
    %dma_wait3A_146 = arith.constant 0 : i32
    %dma_wait3A_147 = tpu.memref_slice %arg7[%dma_wait3A_141, %dma_wait3A_146] : memref<4x128xi32, #tpu.memory_space<vmem>> -> memref<1x128xi32, #tpu.memory_space<vmem>>
    %dma_wait3A_148 = tpu.memref_squeeze %dma_wait3A_147 : memref<1x128xi32, #tpu.memory_space<vmem>> -> memref<128xi32, #tpu.memory_space<vmem>>
    %dma_wait3A_149 = tpu.memref_slice %arg2[%add3A_33] : memref<3200000xi32, #tpu.memory_space<hbm>> -> memref<128xi32, #tpu.memory_space<hbm>>
    tpu.wait_dma2 semaphore(%arg12 : memref<!tpu.dma_semaphore, #tpu.memory_space<semaphore_mem>>) src(%dma_wait3A_149 : memref<128xi32, #tpu.memory_space<hbm>>) dst(%dma_wait3A_148 : memref<128xi32, #tpu.memory_space<vmem>>)
    %dma_wait3A_150 = arith.constant 1 : i32
    %dma_wait3A_151 = arith.constant 0 : i32
    %dma_wait3A_152 = tpu.memref_slice %arg6[%dma_wait3A_150, %dma_wait3A_151] : memref<4x128xi32, #tpu.memory_space<vmem>> -> memref<1x128xi32, #tpu.memory_space<vmem>>
    %dma_wait3A_153 = tpu.memref_squeeze %dma_wait3A_152 : memref<1x128xi32, #tpu.memory_space<vmem>> -> memref<128xi32, #tpu.memory_space<vmem>>
    %dma_wait3A_154 = tpu.memref_slice %arg2[%add3A_48] : memref<3200000xi32, #tpu.memory_space<hbm>> -> memref<128xi32, #tpu.memory_space<hbm>>
    %dma_wait3A_155 = arith.constant 0 : i32
    %dma_wait3A_156 = tpu.memref_slice %arg6[%dma_wait3A_150, %dma_wait3A_155] : memref<4x128xi32, #tpu.memory_space<vmem>> -> memref<1x128xi32, #tpu.memory_space<vmem>>
    %dma_wait3A_157 = tpu.memref_squeeze %dma_wait3A_156 : memref<1x128xi32, #tpu.memory_space<vmem>> -> memref<128xi32, #tpu.memory_space<vmem>>
    %dma_wait3A_158 = tpu.memref_slice %arg2[%add3A_48] : memref<3200000xi32, #tpu.memory_space<hbm>> -> memref<128xi32, #tpu.memory_space<hbm>>
    tpu.wait_dma2 semaphore(%arg12 : memref<!tpu.dma_semaphore, #tpu.memory_space<semaphore_mem>>) src(%dma_wait3A_158 : memref<128xi32, #tpu.memory_space<hbm>>) dst(%dma_wait3A_157 : memref<128xi32, #tpu.memory_space<vmem>>)
    %dma_wait3A_159 = arith.constant 1 : i32
    %dma_wait3A_160 = arith.constant 0 : i32
    %dma_wait3A_161 = tpu.memref_slice %arg7[%dma_wait3A_159, %dma_wait3A_160] : memref<4x128xi32, #tpu.memory_space<vmem>> -> memref<1x128xi32, #tpu.memory_space<vmem>>
    %dma_wait3A_162 = tpu.memref_squeeze %dma_wait3A_161 : memref<1x128xi32, #tpu.memory_space<vmem>> -> memref<128xi32, #tpu.memory_space<vmem>>
    %dma_wait3A_163 = tpu.memref_slice %arg2[%add3A_63] : memref<3200000xi32, #tpu.memory_space<hbm>> -> memref<128xi32, #tpu.memory_space<hbm>>
    %dma_wait3A_164 = arith.constant 0 : i32
    %dma_wait3A_165 = tpu.memref_slice %arg7[%dma_wait3A_159, %dma_wait3A_164] : memref<4x128xi32, #tpu.memory_space<vmem>> -> memref<1x128xi32, #tpu.memory_space<vmem>>
    %dma_wait3A_166 = tpu.memref_squeeze %dma_wait3A_165 : memref<1x128xi32, #tpu.memory_space<vmem>> -> memref<128xi32, #tpu.memory_space<vmem>>
    %dma_wait3A_167 = tpu.memref_slice %arg2[%add3A_63] : memref<3200000xi32, #tpu.memory_space<hbm>> -> memref<128xi32, #tpu.memory_space<hbm>>
    tpu.wait_dma2 semaphore(%arg12 : memref<!tpu.dma_semaphore, #tpu.memory_space<semaphore_mem>>) src(%dma_wait3A_167 : memref<128xi32, #tpu.memory_space<hbm>>) dst(%dma_wait3A_166 : memref<128xi32, #tpu.memory_space<vmem>>)
    %dma_wait3A_168 = arith.constant 2 : i32
    %dma_wait3A_169 = arith.constant 0 : i32
    %dma_wait3A_170 = tpu.memref_slice %arg6[%dma_wait3A_168, %dma_wait3A_169] : memref<4x128xi32, #tpu.memory_space<vmem>> -> memref<1x128xi32, #tpu.memory_space<vmem>>
    %dma_wait3A_171 = tpu.memref_squeeze %dma_wait3A_170 : memref<1x128xi32, #tpu.memory_space<vmem>> -> memref<128xi32, #tpu.memory_space<vmem>>
    %dma_wait3A_172 = tpu.memref_slice %arg2[%add3A_78] : memref<3200000xi32, #tpu.memory_space<hbm>> -> memref<128xi32, #tpu.memory_space<hbm>>
    %dma_wait3A_173 = arith.constant 0 : i32
    %dma_wait3A_174 = tpu.memref_slice %arg6[%dma_wait3A_168, %dma_wait3A_173] : memref<4x128xi32, #tpu.memory_space<vmem>> -> memref<1x128xi32, #tpu.memory_space<vmem>>
    %dma_wait3A_175 = tpu.memref_squeeze %dma_wait3A_174 : memref<1x128xi32, #tpu.memory_space<vmem>> -> memref<128xi32, #tpu.memory_space<vmem>>
    %dma_wait3A_176 = tpu.memref_slice %arg2[%add3A_78] : memref<3200000xi32, #tpu.memory_space<hbm>> -> memref<128xi32, #tpu.memory_space<hbm>>
    tpu.wait_dma2 semaphore(%arg12 : memref<!tpu.dma_semaphore, #tpu.memory_space<semaphore_mem>>) src(%dma_wait3A_176 : memref<128xi32, #tpu.memory_space<hbm>>) dst(%dma_wait3A_175 : memref<128xi32, #tpu.memory_space<vmem>>)
    %dma_wait3A_177 = arith.constant 2 : i32
    %dma_wait3A_178 = arith.constant 0 : i32
    %dma_wait3A_179 = tpu.memref_slice %arg7[%dma_wait3A_177, %dma_wait3A_178] : memref<4x128xi32, #tpu.memory_space<vmem>> -> memref<1x128xi32, #tpu.memory_space<vmem>>
    %dma_wait3A_180 = tpu.memref_squeeze %dma_wait3A_179 : memref<1x128xi32, #tpu.memory_space<vmem>> -> memref<128xi32, #tpu.memory_space<vmem>>
    %dma_wait3A_181 = tpu.memref_slice %arg2[%add3A_93] : memref<3200000xi32, #tpu.memory_space<hbm>> -> memref<128xi32, #tpu.memory_space<hbm>>
    %dma_wait3A_182 = arith.constant 0 : i32
    %dma_wait3A_183 = tpu.memref_slice %arg7[%dma_wait3A_177, %dma_wait3A_182] : memref<4x128xi32, #tpu.memory_space<vmem>> -> memref<1x128xi32, #tpu.memory_space<vmem>>
    %dma_wait3A_184 = tpu.memref_squeeze %dma_wait3A_183 : memref<1x128xi32, #tpu.memory_space<vmem>> -> memref<128xi32, #tpu.memory_space<vmem>>
    %dma_wait3A_185 = tpu.memref_slice %arg2[%add3A_93] : memref<3200000xi32, #tpu.memory_space<hbm>> -> memref<128xi32, #tpu.memory_space<hbm>>
    tpu.wait_dma2 semaphore(%arg12 : memref<!tpu.dma_semaphore, #tpu.memory_space<semaphore_mem>>) src(%dma_wait3A_185 : memref<128xi32, #tpu.memory_space<hbm>>) dst(%dma_wait3A_184 : memref<128xi32, #tpu.memory_space<vmem>>)
    %dma_wait3A_186 = arith.constant 3 : i32
    %dma_wait3A_187 = arith.constant 0 : i32
    %dma_wait3A_188 = tpu.memref_slice %arg6[%dma_wait3A_186, %dma_wait3A_187] : memref<4x128xi32, #tpu.memory_space<vmem>> -> memref<1x128xi32, #tpu.memory_space<vmem>>
    %dma_wait3A_189 = tpu.memref_squeeze %dma_wait3A_188 : memref<1x128xi32, #tpu.memory_space<vmem>> -> memref<128xi32, #tpu.memory_space<vmem>>
    %dma_wait3A_190 = tpu.memref_slice %arg2[%add3A_108] : memref<3200000xi32, #tpu.memory_space<hbm>> -> memref<128xi32, #tpu.memory_space<hbm>>
    %dma_wait3A_191 = arith.constant 0 : i32
    %dma_wait3A_192 = tpu.memref_slice %arg6[%dma_wait3A_186, %dma_wait3A_191] : memref<4x128xi32, #tpu.memory_space<vmem>> -> memref<1x128xi32, #tpu.memory_space<vmem>>
    %dma_wait3A_193 = tpu.memref_squeeze %dma_wait3A_192 : memref<1x128xi32, #tpu.memory_space<vmem>> -> memref<128xi32, #tpu.memory_space<vmem>>
    %dma_wait3A_194 = tpu.memref_slice %arg2[%add3A_108] : memref<3200000xi32, #tpu.memory_space<hbm>> -> memref<128xi32, #tpu.memory_space<hbm>>
    tpu.wait_dma2 semaphore(%arg12 : memref<!tpu.dma_semaphore, #tpu.memory_space<semaphore_mem>>) src(%dma_wait3A_194 : memref<128xi32, #tpu.memory_space<hbm>>) dst(%dma_wait3A_193 : memref<128xi32, #tpu.memory_space<vmem>>)
    %dma_wait3A_195 = arith.constant 3 : i32
    %dma_wait3A_196 = arith.constant 0 : i32
    %dma_wait3A_197 = tpu.memref_slice %arg7[%dma_wait3A_195, %dma_wait3A_196] : memref<4x128xi32, #tpu.memory_space<vmem>> -> memref<1x128xi32, #tpu.memory_space<vmem>>
    %dma_wait3A_198 = tpu.memref_squeeze %dma_wait3A_197 : memref<1x128xi32, #tpu.memory_space<vmem>> -> memref<128xi32, #tpu.memory_space<vmem>>
    %dma_wait3A_199 = tpu.memref_slice %arg2[%add3A_123] : memref<3200000xi32, #tpu.memory_space<hbm>> -> memref<128xi32, #tpu.memory_space<hbm>>
    %dma_wait3A_200 = arith.constant 0 : i32
    %dma_wait3A_201 = tpu.memref_slice %arg7[%dma_wait3A_195, %dma_wait3A_200] : memref<4x128xi32, #tpu.memory_space<vmem>> -> memref<1x128xi32, #tpu.memory_space<vmem>>
    %dma_wait3A_202 = tpu.memref_squeeze %dma_wait3A_201 : memref<1x128xi32, #tpu.memory_space<vmem>> -> memref<128xi32, #tpu.memory_space<vmem>>
    %dma_wait3A_203 = tpu.memref_slice %arg2[%add3A_123] : memref<3200000xi32, #tpu.memory_space<hbm>> -> memref<128xi32, #tpu.memory_space<hbm>>
    tpu.wait_dma2 semaphore(%arg12 : memref<!tpu.dma_semaphore, #tpu.memory_space<semaphore_mem>>) src(%dma_wait3A_203 : memref<128xi32, #tpu.memory_space<hbm>>) dst(%dma_wait3A_202 : memref<128xi32, #tpu.memory_space<vmem>>)
    %mul3A_204 = arith.constant 4 : i32
    %mul3A_205 = arith.muli %add3A, %mul3A_204 : i32
    %dma_start3A_206 = arith.constant 0 : i32
    %dma_start3A_207 = tpu.memref_slice %arg3[%mul3A_205, %dma_start3A_206] : memref<12500x1024xf32, #tpu.memory_space<hbm>> -> memref<4x1024xf32, #tpu.memory_space<hbm>>
    %dma_start3A_208 = arith.constant 0 : i32
    %dma_start3A_209 = tpu.memref_slice %arg3[%mul3A_205, %dma_start3A_208] : memref<12500x1024xf32, #tpu.memory_space<hbm>> -> memref<4x1024xf32, #tpu.memory_space<hbm>>
    tpu.enqueue_dma source(%dma_start3A_209 : memref<4x1024xf32, #tpu.memory_space<hbm>>) target(%arg8 : memref<4x1024xf32, #tpu.memory_space<vmem>>) target_semaphore(%arg12 : memref<!tpu.dma_semaphore, #tpu.memory_space<semaphore_mem>>)
    %dma_start3A_210 = arith.constant 0 : i32
    %dma_start3A_211 = arith.constant 0 : i32
    %dma_start3A_212 = arith.constant 0 : i32
    %dma_start3A_213 = tpu.memref_slice %arg9[%dma_start3A_211, %dma_start3A_212] : memref<512x16xf32, #tpu.memory_space<vmem>> -> memref<128x16xf32, #tpu.memory_space<vmem>>
    %dma_start3A_214 = arith.constant 0 : i32
    %dma_start3A_215 = tpu.memref_slice %arg6[%dma_start3A_210, %dma_start3A_214] : memref<4x128xi32, #tpu.memory_space<vmem>> -> memref<1x128xi32, #tpu.memory_space<vmem>>
    %dma_start3A_216 = tpu.memref_squeeze %dma_start3A_215 : memref<1x128xi32, #tpu.memory_space<vmem>> -> memref<128xi32, #tpu.memory_space<vmem>>
    %dma_start3A_217 = arith.constant 0 : i32
    %dma_start3A_218 = arith.constant 0 : i32
    %dma_start3A_219 = tpu.memref_slice %arg4[%dma_start3A_217, %dma_start3A_218] : memref<100000x16xf32, #tpu.memory_space<hbm>> -> memref<100000x16xf32, #tpu.memory_space<hbm>>
    tpu.enqueue_indirect_dma source(%dma_start3A_219 : memref<100000x16xf32, #tpu.memory_space<hbm>>) target(%dma_start3A_213 : memref<128x16xf32, #tpu.memory_space<vmem>>) offsets(%dma_start3A_216 : memref<128xi32, #tpu.memory_space<vmem>>) semaphore(%arg12 : memref<!tpu.dma_semaphore, #tpu.memory_space<semaphore_mem>>)
    %dma_start3A_220 = arith.constant 0 : i32
    %dma_start3A_221 = arith.constant 0 : i32
    %dma_start3A_222 = arith.constant 0 : i32
    %dma_start3A_223 = tpu.memref_slice %arg10[%dma_start3A_221, %dma_start3A_222] : memref<512x16xf32, #tpu.memory_space<vmem>> -> memref<128x16xf32, #tpu.memory_space<vmem>>
    %dma_start3A_224 = arith.constant 0 : i32
    %dma_start3A_225 = tpu.memref_slice %arg7[%dma_start3A_220, %dma_start3A_224] : memref<4x128xi32, #tpu.memory_space<vmem>> -> memref<1x128xi32, #tpu.memory_space<vmem>>
    %dma_start3A_226 = tpu.memref_squeeze %dma_start3A_225 : memref<1x128xi32, #tpu.memory_space<vmem>> -> memref<128xi32, #tpu.memory_space<vmem>>
    %dma_start3A_227 = arith.constant 0 : i32
    %dma_start3A_228 = arith.constant 0 : i32
    %dma_start3A_229 = tpu.memref_slice %arg4[%dma_start3A_227, %dma_start3A_228] : memref<100000x16xf32, #tpu.memory_space<hbm>> -> memref<100000x16xf32, #tpu.memory_space<hbm>>
    tpu.enqueue_indirect_dma source(%dma_start3A_229 : memref<100000x16xf32, #tpu.memory_space<hbm>>) target(%dma_start3A_223 : memref<128x16xf32, #tpu.memory_space<vmem>>) offsets(%dma_start3A_226 : memref<128xi32, #tpu.memory_space<vmem>>) semaphore(%arg12 : memref<!tpu.dma_semaphore, #tpu.memory_space<semaphore_mem>>)
    %dma_start3A_230 = arith.constant 1 : i32
    %dma_start3A_231 = arith.constant 128 : i32
    %dma_start3A_232 = arith.constant 0 : i32
    %dma_start3A_233 = tpu.memref_slice %arg9[%dma_start3A_231, %dma_start3A_232] : memref<512x16xf32, #tpu.memory_space<vmem>> -> memref<128x16xf32, #tpu.memory_space<vmem>>
    %dma_start3A_234 = arith.constant 0 : i32
    %dma_start3A_235 = tpu.memref_slice %arg6[%dma_start3A_230, %dma_start3A_234] : memref<4x128xi32, #tpu.memory_space<vmem>> -> memref<1x128xi32, #tpu.memory_space<vmem>>
    %dma_start3A_236 = tpu.memref_squeeze %dma_start3A_235 : memref<1x128xi32, #tpu.memory_space<vmem>> -> memref<128xi32, #tpu.memory_space<vmem>>
    %dma_start3A_237 = arith.constant 0 : i32
    %dma_start3A_238 = arith.constant 0 : i32
    %dma_start3A_239 = tpu.memref_slice %arg4[%dma_start3A_237, %dma_start3A_238] : memref<100000x16xf32, #tpu.memory_space<hbm>> -> memref<100000x16xf32, #tpu.memory_space<hbm>>
    tpu.enqueue_indirect_dma source(%dma_start3A_239 : memref<100000x16xf32, #tpu.memory_space<hbm>>) target(%dma_start3A_233 : memref<128x16xf32, #tpu.memory_space<vmem>>) offsets(%dma_start3A_236 : memref<128xi32, #tpu.memory_space<vmem>>) semaphore(%arg12 : memref<!tpu.dma_semaphore, #tpu.memory_space<semaphore_mem>>)
    %dma_start3A_240 = arith.constant 1 : i32
    %dma_start3A_241 = arith.constant 128 : i32
    %dma_start3A_242 = arith.constant 0 : i32
    %dma_start3A_243 = tpu.memref_slice %arg10[%dma_start3A_241, %dma_start3A_242] : memref<512x16xf32, #tpu.memory_space<vmem>> -> memref<128x16xf32, #tpu.memory_space<vmem>>
    %dma_start3A_244 = arith.constant 0 : i32
    %dma_start3A_245 = tpu.memref_slice %arg7[%dma_start3A_240, %dma_start3A_244] : memref<4x128xi32, #tpu.memory_space<vmem>> -> memref<1x128xi32, #tpu.memory_space<vmem>>
    %dma_start3A_246 = tpu.memref_squeeze %dma_start3A_245 : memref<1x128xi32, #tpu.memory_space<vmem>> -> memref<128xi32, #tpu.memory_space<vmem>>
    %dma_start3A_247 = arith.constant 0 : i32
    %dma_start3A_248 = arith.constant 0 : i32
    %dma_start3A_249 = tpu.memref_slice %arg4[%dma_start3A_247, %dma_start3A_248] : memref<100000x16xf32, #tpu.memory_space<hbm>> -> memref<100000x16xf32, #tpu.memory_space<hbm>>
    tpu.enqueue_indirect_dma source(%dma_start3A_249 : memref<100000x16xf32, #tpu.memory_space<hbm>>) target(%dma_start3A_243 : memref<128x16xf32, #tpu.memory_space<vmem>>) offsets(%dma_start3A_246 : memref<128xi32, #tpu.memory_space<vmem>>) semaphore(%arg12 : memref<!tpu.dma_semaphore, #tpu.memory_space<semaphore_mem>>)
    %dma_start3A_250 = arith.constant 2 : i32
    %dma_start3A_251 = arith.constant 256 : i32
    %dma_start3A_252 = arith.constant 0 : i32
    %dma_start3A_253 = tpu.memref_slice %arg9[%dma_start3A_251, %dma_start3A_252] : memref<512x16xf32, #tpu.memory_space<vmem>> -> memref<128x16xf32, #tpu.memory_space<vmem>>
    %dma_start3A_254 = arith.constant 0 : i32
    %dma_start3A_255 = tpu.memref_slice %arg6[%dma_start3A_250, %dma_start3A_254] : memref<4x128xi32, #tpu.memory_space<vmem>> -> memref<1x128xi32, #tpu.memory_space<vmem>>
    %dma_start3A_256 = tpu.memref_squeeze %dma_start3A_255 : memref<1x128xi32, #tpu.memory_space<vmem>> -> memref<128xi32, #tpu.memory_space<vmem>>
    %dma_start3A_257 = arith.constant 0 : i32
    %dma_start3A_258 = arith.constant 0 : i32
    %dma_start3A_259 = tpu.memref_slice %arg4[%dma_start3A_257, %dma_start3A_258] : memref<100000x16xf32, #tpu.memory_space<hbm>> -> memref<100000x16xf32, #tpu.memory_space<hbm>>
    tpu.enqueue_indirect_dma source(%dma_start3A_259 : memref<100000x16xf32, #tpu.memory_space<hbm>>) target(%dma_start3A_253 : memref<128x16xf32, #tpu.memory_space<vmem>>) offsets(%dma_start3A_256 : memref<128xi32, #tpu.memory_space<vmem>>) semaphore(%arg12 : memref<!tpu.dma_semaphore, #tpu.memory_space<semaphore_mem>>)
    %dma_start3A_260 = arith.constant 2 : i32
    %dma_start3A_261 = arith.constant 256 : i32
    %dma_start3A_262 = arith.constant 0 : i32
    %dma_start3A_263 = tpu.memref_slice %arg10[%dma_start3A_261, %dma_start3A_262] : memref<512x16xf32, #tpu.memory_space<vmem>> -> memref<128x16xf32, #tpu.memory_space<vmem>>
    %dma_start3A_264 = arith.constant 0 : i32
    %dma_start3A_265 = tpu.memref_slice %arg7[%dma_start3A_260, %dma_start3A_264] : memref<4x128xi32, #tpu.memory_space<vmem>> -> memref<1x128xi32, #tpu.memory_space<vmem>>
    %dma_start3A_266 = tpu.memref_squeeze %dma_start3A_265 : memref<1x128xi32, #tpu.memory_space<vmem>> -> memref<128xi32, #tpu.memory_space<vmem>>
    %dma_start3A_267 = arith.constant 0 : i32
    %dma_start3A_268 = arith.constant 0 : i32
    %dma_start3A_269 = tpu.memref_slice %arg4[%dma_start3A_267, %dma_start3A_268] : memref<100000x16xf32, #tpu.memory_space<hbm>> -> memref<100000x16xf32, #tpu.memory_space<hbm>>
    tpu.enqueue_indirect_dma source(%dma_start3A_269 : memref<100000x16xf32, #tpu.memory_space<hbm>>) target(%dma_start3A_263 : memref<128x16xf32, #tpu.memory_space<vmem>>) offsets(%dma_start3A_266 : memref<128xi32, #tpu.memory_space<vmem>>) semaphore(%arg12 : memref<!tpu.dma_semaphore, #tpu.memory_space<semaphore_mem>>)
    %dma_start3A_270 = arith.constant 3 : i32
    %dma_start3A_271 = arith.constant 384 : i32
    %dma_start3A_272 = arith.constant 0 : i32
    %dma_start3A_273 = tpu.memref_slice %arg9[%dma_start3A_271, %dma_start3A_272] : memref<512x16xf32, #tpu.memory_space<vmem>> -> memref<128x16xf32, #tpu.memory_space<vmem>>
    %dma_start3A_274 = arith.constant 0 : i32
    %dma_start3A_275 = tpu.memref_slice %arg6[%dma_start3A_270, %dma_start3A_274] : memref<4x128xi32, #tpu.memory_space<vmem>> -> memref<1x128xi32, #tpu.memory_space<vmem>>
    %dma_start3A_276 = tpu.memref_squeeze %dma_start3A_275 : memref<1x128xi32, #tpu.memory_space<vmem>> -> memref<128xi32, #tpu.memory_space<vmem>>
    %dma_start3A_277 = arith.constant 0 : i32
    %dma_start3A_278 = arith.constant 0 : i32
    %dma_start3A_279 = tpu.memref_slice %arg4[%dma_start3A_277, %dma_start3A_278] : memref<100000x16xf32, #tpu.memory_space<hbm>> -> memref<100000x16xf32, #tpu.memory_space<hbm>>
    tpu.enqueue_indirect_dma source(%dma_start3A_279 : memref<100000x16xf32, #tpu.memory_space<hbm>>) target(%dma_start3A_273 : memref<128x16xf32, #tpu.memory_space<vmem>>) offsets(%dma_start3A_276 : memref<128xi32, #tpu.memory_space<vmem>>) semaphore(%arg12 : memref<!tpu.dma_semaphore, #tpu.memory_space<semaphore_mem>>)
    %dma_start3A_280 = arith.constant 3 : i32
    %dma_start3A_281 = arith.constant 384 : i32
    %dma_start3A_282 = arith.constant 0 : i32
    %dma_start3A_283 = tpu.memref_slice %arg10[%dma_start3A_281, %dma_start3A_282] : memref<512x16xf32, #tpu.memory_space<vmem>> -> memref<128x16xf32, #tpu.memory_space<vmem>>
    %dma_start3A_284 = arith.constant 0 : i32
    %dma_start3A_285 = tpu.memref_slice %arg7[%dma_start3A_280, %dma_start3A_284] : memref<4x128xi32, #tpu.memory_space<vmem>> -> memref<1x128xi32, #tpu.memory_space<vmem>>
    %dma_start3A_286 = tpu.memref_squeeze %dma_start3A_285 : memref<1x128xi32, #tpu.memory_space<vmem>> -> memref<128xi32, #tpu.memory_space<vmem>>
    %dma_start3A_287 = arith.constant 0 : i32
    %dma_start3A_288 = arith.constant 0 : i32
    %dma_start3A_289 = tpu.memref_slice %arg4[%dma_start3A_287, %dma_start3A_288] : memref<100000x16xf32, #tpu.memory_space<hbm>> -> memref<100000x16xf32, #tpu.memory_space<hbm>>
    tpu.enqueue_indirect_dma source(%dma_start3A_289 : memref<100000x16xf32, #tpu.memory_space<hbm>>) target(%dma_start3A_283 : memref<128x16xf32, #tpu.memory_space<vmem>>) offsets(%dma_start3A_286 : memref<128xi32, #tpu.memory_space<vmem>>) semaphore(%arg12 : memref<!tpu.dma_semaphore, #tpu.memory_space<semaphore_mem>>)
    %scan3A = arith.constant 0 : i32
    %scan3A_290 = arith.constant 49 : i32
    %scan3A_291 = arith.addi %scan3A, %scan3A_290 : i32
    %scan3A_292 = arith.constant 1 : i32
    scf.for %scan3A_294 = %scan3A to %scan3A_291 step %scan3A_292  : i32 {
      %mul3A_295 = arith.constant 2 : i32
      %mul3A_296 = arith.muli %mul3A_295, %scan3A_294 : i32
      %mul3A_297 = arith.constant 32 : i32
      %mul3A_298 = arith.muli %mul3A_296, %mul3A_297 : i32
      %add3A_299 = arith.addi %add3A, %mul3A_298 : i32
      %add3A_300 = arith.constant 32 : i32
      %add3A_301 = arith.addi %add3A_299, %add3A_300 : i32
      %add3A_302 = arith.constant 64 : i32
      %add3A_303 = arith.addi %add3A_299, %add3A_302 : i32
      %lt3A = arith.constant 3125 : i32
      %lt3A_304 = arith.cmpi slt, %add3A_301, %lt3A : i32
      %convert_element_type3A = arith.extui %lt3A_304 : i1 to i32
      %cond3A = arith.constant 0 : i32
      %cond3A_305 = arith.cmpi ne, %convert_element_type3A, %cond3A : i32
      scf.if %cond3A_305 {
        %mul3A_409 = arith.constant 512 : i32
        %mul3A_410 = arith.muli %add3A_301, %mul3A_409 : i32
        %mul3A_411 = arith.constant 2 : i32
        %mul3A_412 = arith.muli %mul3A_410, %mul3A_411 : i32
        %add3A_413 = arith.constant 0 : i32
        %add3A_414 = arith.addi %mul3A_412, %add3A_413 : i32
        %dma_start3A_415 = arith.constant 0 : i32
        %dma_start3A_416 = arith.constant 0 : i32
        %dma_start3A_417 = tpu.memref_slice %arg13[%dma_start3A_415, %dma_start3A_416] : memref<4x128xi32, #tpu.memory_space<vmem>> -> memref<1x128xi32, #tpu.memory_space<vmem>>
        %dma_start3A_418 = tpu.memref_squeeze %dma_start3A_417 : memref<1x128xi32, #tpu.memory_space<vmem>> -> memref<128xi32, #tpu.memory_space<vmem>>
        %dma_start3A_419 = tpu.memref_slice %arg2[%add3A_414] : memref<3200000xi32, #tpu.memory_space<hbm>> -> memref<128xi32, #tpu.memory_space<hbm>>
        %dma_start3A_420 = arith.constant 0 : i32
        %dma_start3A_421 = tpu.memref_slice %arg13[%dma_start3A_415, %dma_start3A_420] : memref<4x128xi32, #tpu.memory_space<vmem>> -> memref<1x128xi32, #tpu.memory_space<vmem>>
        %dma_start3A_422 = tpu.memref_squeeze %dma_start3A_421 : memref<1x128xi32, #tpu.memory_space<vmem>> -> memref<128xi32, #tpu.memory_space<vmem>>
        %dma_start3A_423 = tpu.memref_slice %arg2[%add3A_414] : memref<3200000xi32, #tpu.memory_space<hbm>> -> memref<128xi32, #tpu.memory_space<hbm>>
        tpu.enqueue_dma source(%dma_start3A_423 : memref<128xi32, #tpu.memory_space<hbm>>) target(%dma_start3A_422 : memref<128xi32, #tpu.memory_space<vmem>>) target_semaphore(%arg19 : memref<!tpu.dma_semaphore, #tpu.memory_space<semaphore_mem>>)
        %mul3A_424 = arith.constant 512 : i32
        %mul3A_425 = arith.muli %add3A_301, %mul3A_424 : i32
        %mul3A_426 = arith.constant 2 : i32
        %mul3A_427 = arith.muli %mul3A_425, %mul3A_426 : i32
        %add3A_428 = arith.constant 128 : i32
        %add3A_429 = arith.addi %mul3A_427, %add3A_428 : i32
        %dma_start3A_430 = arith.constant 0 : i32
        %dma_start3A_431 = arith.constant 0 : i32
        %dma_start3A_432 = tpu.memref_slice %arg14[%dma_start3A_430, %dma_start3A_431] : memref<4x128xi32, #tpu.memory_space<vmem>> -> memref<1x128xi32, #tpu.memory_space<vmem>>
        %dma_start3A_433 = tpu.memref_squeeze %dma_start3A_432 : memref<1x128xi32, #tpu.memory_space<vmem>> -> memref<128xi32, #tpu.memory_space<vmem>>
        %dma_start3A_434 = tpu.memref_slice %arg2[%add3A_429] : memref<3200000xi32, #tpu.memory_space<hbm>> -> memref<128xi32, #tpu.memory_space<hbm>>
        %dma_start3A_435 = arith.constant 0 : i32
        %dma_start3A_436 = tpu.memref_slice %arg14[%dma_start3A_430, %dma_start3A_435] : memref<4x128xi32, #tpu.memory_space<vmem>> -> memref<1x128xi32, #tpu.memory_space<vmem>>
        %dma_start3A_437 = tpu.memref_squeeze %dma_start3A_436 : memref<1x128xi32, #tpu.memory_space<vmem>> -> memref<128xi32, #tpu.memory_space<vmem>>
        %dma_start3A_438 = tpu.memref_slice %arg2[%add3A_429] : memref<3200000xi32, #tpu.memory_space<hbm>> -> memref<128xi32, #tpu.memory_space<hbm>>
        tpu.enqueue_dma source(%dma_start3A_438 : memref<128xi32, #tpu.memory_space<hbm>>) target(%dma_start3A_437 : memref<128xi32, #tpu.memory_space<vmem>>) target_semaphore(%arg19 : memref<!tpu.dma_semaphore, #tpu.memory_space<semaphore_mem>>)
        %mul3A_439 = arith.constant 512 : i32
        %mul3A_440 = arith.muli %add3A_301, %mul3A_439 : i32
        %mul3A_441 = arith.constant 2 : i32
        %mul3A_442 = arith.muli %mul3A_440, %mul3A_441 : i32
        %add3A_443 = arith.constant 256 : i32
        %add3A_444 = arith.addi %mul3A_442, %add3A_443 : i32
        %dma_start3A_445 = arith.constant 1 : i32
        %dma_start3A_446 = arith.constant 0 : i32
        %dma_start3A_447 = tpu.memref_slice %arg13[%dma_start3A_445, %dma_start3A_446] : memref<4x128xi32, #tpu.memory_space<vmem>> -> memref<1x128xi32, #tpu.memory_space<vmem>>
        %dma_start3A_448 = tpu.memref_squeeze %dma_start3A_447 : memref<1x128xi32, #tpu.memory_space<vmem>> -> memref<128xi32, #tpu.memory_space<vmem>>
        %dma_start3A_449 = tpu.memref_slice %arg2[%add3A_444] : memref<3200000xi32, #tpu.memory_space<hbm>> -> memref<128xi32, #tpu.memory_space<hbm>>
        %dma_start3A_450 = arith.constant 0 : i32
        %dma_start3A_451 = tpu.memref_slice %arg13[%dma_start3A_445, %dma_start3A_450] : memref<4x128xi32, #tpu.memory_space<vmem>> -> memref<1x128xi32, #tpu.memory_space<vmem>>
        %dma_start3A_452 = tpu.memref_squeeze %dma_start3A_451 : memref<1x128xi32, #tpu.memory_space<vmem>> -> memref<128xi32, #tpu.memory_space<vmem>>
        %dma_start3A_453 = tpu.memref_slice %arg2[%add3A_444] : memref<3200000xi32, #tpu.memory_space<hbm>> -> memref<128xi32, #tpu.memory_space<hbm>>
        tpu.enqueue_dma source(%dma_start3A_453 : memref<128xi32, #tpu.memory_space<hbm>>) target(%dma_start3A_452 : memref<128xi32, #tpu.memory_space<vmem>>) target_semaphore(%arg19 : memref<!tpu.dma_semaphore, #tpu.memory_space<semaphore_mem>>)
        %mul3A_454 = arith.constant 512 : i32
        %mul3A_455 = arith.muli %add3A_301, %mul3A_454 : i32
        %mul3A_456 = arith.constant 2 : i32
        %mul3A_457 = arith.muli %mul3A_455, %mul3A_456 : i32
        %add3A_458 = arith.constant 384 : i32
        %add3A_459 = arith.addi %mul3A_457, %add3A_458 : i32
        %dma_start3A_460 = arith.constant 1 : i32
        %dma_start3A_461 = arith.constant 0 : i32
        %dma_start3A_462 = tpu.memref_slice %arg14[%dma_start3A_460, %dma_start3A_461] : memref<4x128xi32, #tpu.memory_space<vmem>> -> memref<1x128xi32, #tpu.memory_space<vmem>>
        %dma_start3A_463 = tpu.memref_squeeze %dma_start3A_462 : memref<1x128xi32, #tpu.memory_space<vmem>> -> memref<128xi32, #tpu.memory_space<vmem>>
        %dma_start3A_464 = tpu.memref_slice %arg2[%add3A_459] : memref<3200000xi32, #tpu.memory_space<hbm>> -> memref<128xi32, #tpu.memory_space<hbm>>
        %dma_start3A_465 = arith.constant 0 : i32
        %dma_start3A_466 = tpu.memref_slice %arg14[%dma_start3A_460, %dma_start3A_465] : memref<4x128xi32, #tpu.memory_space<vmem>> -> memref<1x128xi32, #tpu.memory_space<vmem>>
        %dma_start3A_467 = tpu.memref_squeeze %dma_start3A_466 : memref<1x128xi32, #tpu.memory_space<vmem>> -> memref<128xi32, #tpu.memory_space<vmem>>
        %dma_start3A_468 = tpu.memref_slice %arg2[%add3A_459] : memref<3200000xi32, #tpu.memory_space<hbm>> -> memref<128xi32, #tpu.memory_space<hbm>>
        tpu.enqueue_dma source(%dma_start3A_468 : memref<128xi32, #tpu.memory_space<hbm>>) target(%dma_start3A_467 : memref<128xi32, #tpu.memory_space<vmem>>) target_semaphore(%arg19 : memref<!tpu.dma_semaphore, #tpu.memory_space<semaphore_mem>>)
        %mul3A_469 = arith.constant 512 : i32
        %mul3A_470 = arith.muli %add3A_301, %mul3A_469 : i32
        %mul3A_471 = arith.constant 2 : i32
        %mul3A_472 = arith.muli %mul3A_470, %mul3A_471 : i32
        %add3A_473 = arith.constant 512 : i32
        %add3A_474 = arith.addi %mul3A_472, %add3A_473 : i32
        %dma_start3A_475 = arith.constant 2 : i32
        %dma_start3A_476 = arith.constant 0 : i32
        %dma_start3A_477 = tpu.memref_slice %arg13[%dma_start3A_475, %dma_start3A_476] : memref<4x128xi32, #tpu.memory_space<vmem>> -> memref<1x128xi32, #tpu.memory_space<vmem>>
        %dma_start3A_478 = tpu.memref_squeeze %dma_start3A_477 : memref<1x128xi32, #tpu.memory_space<vmem>> -> memref<128xi32, #tpu.memory_space<vmem>>
        %dma_start3A_479 = tpu.memref_slice %arg2[%add3A_474] : memref<3200000xi32, #tpu.memory_space<hbm>> -> memref<128xi32, #tpu.memory_space<hbm>>
        %dma_start3A_480 = arith.constant 0 : i32
        %dma_start3A_481 = tpu.memref_slice %arg13[%dma_start3A_475, %dma_start3A_480] : memref<4x128xi32, #tpu.memory_space<vmem>> -> memref<1x128xi32, #tpu.memory_space<vmem>>
        %dma_start3A_482 = tpu.memref_squeeze %dma_start3A_481 : memref<1x128xi32, #tpu.memory_space<vmem>> -> memref<128xi32, #tpu.memory_space<vmem>>
        %dma_start3A_483 = tpu.memref_slice %arg2[%add3A_474] : memref<3200000xi32, #tpu.memory_space<hbm>> -> memref<128xi32, #tpu.memory_space<hbm>>
        tpu.enqueue_dma source(%dma_start3A_483 : memref<128xi32, #tpu.memory_space<hbm>>) target(%dma_start3A_482 : memref<128xi32, #tpu.memory_space<vmem>>) target_semaphore(%arg19 : memref<!tpu.dma_semaphore, #tpu.memory_space<semaphore_mem>>)
        %mul3A_484 = arith.constant 512 : i32
        %mul3A_485 = arith.muli %add3A_301, %mul3A_484 : i32
        %mul3A_486 = arith.constant 2 : i32
        %mul3A_487 = arith.muli %mul3A_485, %mul3A_486 : i32
        %add3A_488 = arith.constant 640 : i32
        %add3A_489 = arith.addi %mul3A_487, %add3A_488 : i32
        %dma_start3A_490 = arith.constant 2 : i32
        %dma_start3A_491 = arith.constant 0 : i32
        %dma_start3A_492 = tpu.memref_slice %arg14[%dma_start3A_490, %dma_start3A_491] : memref<4x128xi32, #tpu.memory_space<vmem>> -> memref<1x128xi32, #tpu.memory_space<vmem>>
        %dma_start3A_493 = tpu.memref_squeeze %dma_start3A_492 : memref<1x128xi32, #tpu.memory_space<vmem>> -> memref<128xi32, #tpu.memory_space<vmem>>
        %dma_start3A_494 = tpu.memref_slice %arg2[%add3A_489] : memref<3200000xi32, #tpu.memory_space<hbm>> -> memref<128xi32, #tpu.memory_space<hbm>>
        %dma_start3A_495 = arith.constant 0 : i32
        %dma_start3A_496 = tpu.memref_slice %arg14[%dma_start3A_490, %dma_start3A_495] : memref<4x128xi32, #tpu.memory_space<vmem>> -> memref<1x128xi32, #tpu.memory_space<vmem>>
        %dma_start3A_497 = tpu.memref_squeeze %dma_start3A_496 : memref<1x128xi32, #tpu.memory_space<vmem>> -> memref<128xi32, #tpu.memory_space<vmem>>
        %dma_start3A_498 = tpu.memref_slice %arg2[%add3A_489] : memref<3200000xi32, #tpu.memory_space<hbm>> -> memref<128xi32, #tpu.memory_space<hbm>>
        tpu.enqueue_dma source(%dma_start3A_498 : memref<128xi32, #tpu.memory_space<hbm>>) target(%dma_start3A_497 : memref<128xi32, #tpu.memory_space<vmem>>) target_semaphore(%arg19 : memref<!tpu.dma_semaphore, #tpu.memory_space<semaphore_mem>>)
        %mul3A_499 = arith.constant 512 : i32
        %mul3A_500 = arith.muli %add3A_301, %mul3A_499 : i32
        %mul3A_501 = arith.constant 2 : i32
        %mul3A_502 = arith.muli %mul3A_500, %mul3A_501 : i32
        %add3A_503 = arith.constant 768 : i32
        %add3A_504 = arith.addi %mul3A_502, %add3A_503 : i32
        %dma_start3A_505 = arith.constant 3 : i32
        %dma_start3A_506 = arith.constant 0 : i32
        %dma_start3A_507 = tpu.memref_slice %arg13[%dma_start3A_505, %dma_start3A_506] : memref<4x128xi32, #tpu.memory_space<vmem>> -> memref<1x128xi32, #tpu.memory_space<vmem>>
        %dma_start3A_508 = tpu.memref_squeeze %dma_start3A_507 : memref<1x128xi32, #tpu.memory_space<vmem>> -> memref<128xi32, #tpu.memory_space<vmem>>
        %dma_start3A_509 = tpu.memref_slice %arg2[%add3A_504] : memref<3200000xi32, #tpu.memory_space<hbm>> -> memref<128xi32, #tpu.memory_space<hbm>>
        %dma_start3A_510 = arith.constant 0 : i32
        %dma_start3A_511 = tpu.memref_slice %arg13[%dma_start3A_505, %dma_start3A_510] : memref<4x128xi32, #tpu.memory_space<vmem>> -> memref<1x128xi32, #tpu.memory_space<vmem>>
        %dma_start3A_512 = tpu.memref_squeeze %dma_start3A_511 : memref<1x128xi32, #tpu.memory_space<vmem>> -> memref<128xi32, #tpu.memory_space<vmem>>
        %dma_start3A_513 = tpu.memref_slice %arg2[%add3A_504] : memref<3200000xi32, #tpu.memory_space<hbm>> -> memref<128xi32, #tpu.memory_space<hbm>>
        tpu.enqueue_dma source(%dma_start3A_513 : memref<128xi32, #tpu.memory_space<hbm>>) target(%dma_start3A_512 : memref<128xi32, #tpu.memory_space<vmem>>) target_semaphore(%arg19 : memref<!tpu.dma_semaphore, #tpu.memory_space<semaphore_mem>>)
        %mul3A_514 = arith.constant 512 : i32
        %mul3A_515 = arith.muli %add3A_301, %mul3A_514 : i32
        %mul3A_516 = arith.constant 2 : i32
        %mul3A_517 = arith.muli %mul3A_515, %mul3A_516 : i32
        %add3A_518 = arith.constant 896 : i32
        %add3A_519 = arith.addi %mul3A_517, %add3A_518 : i32
        %dma_start3A_520 = arith.constant 3 : i32
        %dma_start3A_521 = arith.constant 0 : i32
        %dma_start3A_522 = tpu.memref_slice %arg14[%dma_start3A_520, %dma_start3A_521] : memref<4x128xi32, #tpu.memory_space<vmem>> -> memref<1x128xi32, #tpu.memory_space<vmem>>
        %dma_start3A_523 = tpu.memref_squeeze %dma_start3A_522 : memref<1x128xi32, #tpu.memory_space<vmem>> -> memref<128xi32, #tpu.memory_space<vmem>>
        %dma_start3A_524 = tpu.memref_slice %arg2[%add3A_519] : memref<3200000xi32, #tpu.memory_space<hbm>> -> memref<128xi32, #tpu.memory_space<hbm>>
        %dma_start3A_525 = arith.constant 0 : i32
        %dma_start3A_526 = tpu.memref_slice %arg14[%dma_start3A_520, %dma_start3A_525] : memref<4x128xi32, #tpu.memory_space<vmem>> -> memref<1x128xi32, #tpu.memory_space<vmem>>
        %dma_start3A_527 = tpu.memref_squeeze %dma_start3A_526 : memref<1x128xi32, #tpu.memory_space<vmem>> -> memref<128xi32, #tpu.memory_space<vmem>>
        %dma_start3A_528 = tpu.memref_slice %arg2[%add3A_519] : memref<3200000xi32, #tpu.memory_space<hbm>> -> memref<128xi32, #tpu.memory_space<hbm>>
        tpu.enqueue_dma source(%dma_start3A_528 : memref<128xi32, #tpu.memory_space<hbm>>) target(%dma_start3A_527 : memref<128xi32, #tpu.memory_space<vmem>>) target_semaphore(%arg19 : memref<!tpu.dma_semaphore, #tpu.memory_space<semaphore_mem>>)
        %dma_wait3A_529 = arith.constant 0 : i32
        %dma_wait3A_530 = arith.constant 0 : i32
        %dma_wait3A_531 = tpu.memref_slice %arg13[%dma_wait3A_529, %dma_wait3A_530] : memref<4x128xi32, #tpu.memory_space<vmem>> -> memref<1x128xi32, #tpu.memory_space<vmem>>
        %dma_wait3A_532 = tpu.memref_squeeze %dma_wait3A_531 : memref<1x128xi32, #tpu.memory_space<vmem>> -> memref<128xi32, #tpu.memory_space<vmem>>
        %dma_wait3A_533 = tpu.memref_slice %arg2[%add3A_414] : memref<3200000xi32, #tpu.memory_space<hbm>> -> memref<128xi32, #tpu.memory_space<hbm>>
        %dma_wait3A_534 = arith.constant 0 : i32
        %dma_wait3A_535 = tpu.memref_slice %arg13[%dma_wait3A_529, %dma_wait3A_534] : memref<4x128xi32, #tpu.memory_space<vmem>> -> memref<1x128xi32, #tpu.memory_space<vmem>>
        %dma_wait3A_536 = tpu.memref_squeeze %dma_wait3A_535 : memref<1x128xi32, #tpu.memory_space<vmem>> -> memref<128xi32, #tpu.memory_space<vmem>>
        %dma_wait3A_537 = tpu.memref_slice %arg2[%add3A_414] : memref<3200000xi32, #tpu.memory_space<hbm>> -> memref<128xi32, #tpu.memory_space<hbm>>
        tpu.wait_dma2 semaphore(%arg19 : memref<!tpu.dma_semaphore, #tpu.memory_space<semaphore_mem>>) src(%dma_wait3A_537 : memref<128xi32, #tpu.memory_space<hbm>>) dst(%dma_wait3A_536 : memref<128xi32, #tpu.memory_space<vmem>>)
        %dma_wait3A_538 = arith.constant 0 : i32
        %dma_wait3A_539 = arith.constant 0 : i32
        %dma_wait3A_540 = tpu.memref_slice %arg14[%dma_wait3A_538, %dma_wait3A_539] : memref<4x128xi32, #tpu.memory_space<vmem>> -> memref<1x128xi32, #tpu.memory_space<vmem>>
        %dma_wait3A_541 = tpu.memref_squeeze %dma_wait3A_540 : memref<1x128xi32, #tpu.memory_space<vmem>> -> memref<128xi32, #tpu.memory_space<vmem>>
        %dma_wait3A_542 = tpu.memref_slice %arg2[%add3A_429] : memref<3200000xi32, #tpu.memory_space<hbm>> -> memref<128xi32, #tpu.memory_space<hbm>>
        %dma_wait3A_543 = arith.constant 0 : i32
        %dma_wait3A_544 = tpu.memref_slice %arg14[%dma_wait3A_538, %dma_wait3A_543] : memref<4x128xi32, #tpu.memory_space<vmem>> -> memref<1x128xi32, #tpu.memory_space<vmem>>
        %dma_wait3A_545 = tpu.memref_squeeze %dma_wait3A_544 : memref<1x128xi32, #tpu.memory_space<vmem>> -> memref<128xi32, #tpu.memory_space<vmem>>
        %dma_wait3A_546 = tpu.memref_slice %arg2[%add3A_429] : memref<3200000xi32, #tpu.memory_space<hbm>> -> memref<128xi32, #tpu.memory_space<hbm>>
        tpu.wait_dma2 semaphore(%arg19 : memref<!tpu.dma_semaphore, #tpu.memory_space<semaphore_mem>>) src(%dma_wait3A_546 : memref<128xi32, #tpu.memory_space<hbm>>) dst(%dma_wait3A_545 : memref<128xi32, #tpu.memory_space<vmem>>)
        %dma_wait3A_547 = arith.constant 1 : i32
        %dma_wait3A_548 = arith.constant 0 : i32
        %dma_wait3A_549 = tpu.memref_slice %arg13[%dma_wait3A_547, %dma_wait3A_548] : memref<4x128xi32, #tpu.memory_space<vmem>> -> memref<1x128xi32, #tpu.memory_space<vmem>>
        %dma_wait3A_550 = tpu.memref_squeeze %dma_wait3A_549 : memref<1x128xi32, #tpu.memory_space<vmem>> -> memref<128xi32, #tpu.memory_space<vmem>>
        %dma_wait3A_551 = tpu.memref_slice %arg2[%add3A_444] : memref<3200000xi32, #tpu.memory_space<hbm>> -> memref<128xi32, #tpu.memory_space<hbm>>
        %dma_wait3A_552 = arith.constant 0 : i32
        %dma_wait3A_553 = tpu.memref_slice %arg13[%dma_wait3A_547, %dma_wait3A_552] : memref<4x128xi32, #tpu.memory_space<vmem>> -> memref<1x128xi32, #tpu.memory_space<vmem>>
        %dma_wait3A_554 = tpu.memref_squeeze %dma_wait3A_553 : memref<1x128xi32, #tpu.memory_space<vmem>> -> memref<128xi32, #tpu.memory_space<vmem>>
        %dma_wait3A_555 = tpu.memref_slice %arg2[%add3A_444] : memref<3200000xi32, #tpu.memory_space<hbm>> -> memref<128xi32, #tpu.memory_space<hbm>>
        tpu.wait_dma2 semaphore(%arg19 : memref<!tpu.dma_semaphore, #tpu.memory_space<semaphore_mem>>) src(%dma_wait3A_555 : memref<128xi32, #tpu.memory_space<hbm>>) dst(%dma_wait3A_554 : memref<128xi32, #tpu.memory_space<vmem>>)
        %dma_wait3A_556 = arith.constant 1 : i32
        %dma_wait3A_557 = arith.constant 0 : i32
        %dma_wait3A_558 = tpu.memref_slice %arg14[%dma_wait3A_556, %dma_wait3A_557] : memref<4x128xi32, #tpu.memory_space<vmem>> -> memref<1x128xi32, #tpu.memory_space<vmem>>
        %dma_wait3A_559 = tpu.memref_squeeze %dma_wait3A_558 : memref<1x128xi32, #tpu.memory_space<vmem>> -> memref<128xi32, #tpu.memory_space<vmem>>
        %dma_wait3A_560 = tpu.memref_slice %arg2[%add3A_459] : memref<3200000xi32, #tpu.memory_space<hbm>> -> memref<128xi32, #tpu.memory_space<hbm>>
        %dma_wait3A_561 = arith.constant 0 : i32
        %dma_wait3A_562 = tpu.memref_slice %arg14[%dma_wait3A_556, %dma_wait3A_561] : memref<4x128xi32, #tpu.memory_space<vmem>> -> memref<1x128xi32, #tpu.memory_space<vmem>>
        %dma_wait3A_563 = tpu.memref_squeeze %dma_wait3A_562 : memref<1x128xi32, #tpu.memory_space<vmem>> -> memref<128xi32, #tpu.memory_space<vmem>>
        %dma_wait3A_564 = tpu.memref_slice %arg2[%add3A_459] : memref<3200000xi32, #tpu.memory_space<hbm>> -> memref<128xi32, #tpu.memory_space<hbm>>
        tpu.wait_dma2 semaphore(%arg19 : memref<!tpu.dma_semaphore, #tpu.memory_space<semaphore_mem>>) src(%dma_wait3A_564 : memref<128xi32, #tpu.memory_space<hbm>>) dst(%dma_wait3A_563 : memref<128xi32, #tpu.memory_space<vmem>>)
        %dma_wait3A_565 = arith.constant 2 : i32
        %dma_wait3A_566 = arith.constant 0 : i32
        %dma_wait3A_567 = tpu.memref_slice %arg13[%dma_wait3A_565, %dma_wait3A_566] : memref<4x128xi32, #tpu.memory_space<vmem>> -> memref<1x128xi32, #tpu.memory_space<vmem>>
        %dma_wait3A_568 = tpu.memref_squeeze %dma_wait3A_567 : memref<1x128xi32, #tpu.memory_space<vmem>> -> memref<128xi32, #tpu.memory_space<vmem>>
        %dma_wait3A_569 = tpu.memref_slice %arg2[%add3A_474] : memref<3200000xi32, #tpu.memory_space<hbm>> -> memref<128xi32, #tpu.memory_space<hbm>>
        %dma_wait3A_570 = arith.constant 0 : i32
        %dma_wait3A_571 = tpu.memref_slice %arg13[%dma_wait3A_565, %dma_wait3A_570] : memref<4x128xi32, #tpu.memory_space<vmem>> -> memref<1x128xi32, #tpu.memory_space<vmem>>
        %dma_wait3A_572 = tpu.memref_squeeze %dma_wait3A_571 : memref<1x128xi32, #tpu.memory_space<vmem>> -> memref<128xi32, #tpu.memory_space<vmem>>
        %dma_wait3A_573 = tpu.memref_slice %arg2[%add3A_474] : memref<3200000xi32, #tpu.memory_space<hbm>> -> memref<128xi32, #tpu.memory_space<hbm>>
        tpu.wait_dma2 semaphore(%arg19 : memref<!tpu.dma_semaphore, #tpu.memory_space<semaphore_mem>>) src(%dma_wait3A_573 : memref<128xi32, #tpu.memory_space<hbm>>) dst(%dma_wait3A_572 : memref<128xi32, #tpu.memory_space<vmem>>)
        %dma_wait3A_574 = arith.constant 2 : i32
        %dma_wait3A_575 = arith.constant 0 : i32
        %dma_wait3A_576 = tpu.memref_slice %arg14[%dma_wait3A_574, %dma_wait3A_575] : memref<4x128xi32, #tpu.memory_space<vmem>> -> memref<1x128xi32, #tpu.memory_space<vmem>>
        %dma_wait3A_577 = tpu.memref_squeeze %dma_wait3A_576 : memref<1x128xi32, #tpu.memory_space<vmem>> -> memref<128xi32, #tpu.memory_space<vmem>>
        %dma_wait3A_578 = tpu.memref_slice %arg2[%add3A_489] : memref<3200000xi32, #tpu.memory_space<hbm>> -> memref<128xi32, #tpu.memory_space<hbm>>
        %dma_wait3A_579 = arith.constant 0 : i32
        %dma_wait3A_580 = tpu.memref_slice %arg14[%dma_wait3A_574, %dma_wait3A_579] : memref<4x128xi32, #tpu.memory_space<vmem>> -> memref<1x128xi32, #tpu.memory_space<vmem>>
        %dma_wait3A_581 = tpu.memref_squeeze %dma_wait3A_580 : memref<1x128xi32, #tpu.memory_space<vmem>> -> memref<128xi32, #tpu.memory_space<vmem>>
        %dma_wait3A_582 = tpu.memref_slice %arg2[%add3A_489] : memref<3200000xi32, #tpu.memory_space<hbm>> -> memref<128xi32, #tpu.memory_space<hbm>>
        tpu.wait_dma2 semaphore(%arg19 : memref<!tpu.dma_semaphore, #tpu.memory_space<semaphore_mem>>) src(%dma_wait3A_582 : memref<128xi32, #tpu.memory_space<hbm>>) dst(%dma_wait3A_581 : memref<128xi32, #tpu.memory_space<vmem>>)
        %dma_wait3A_583 = arith.constant 3 : i32
        %dma_wait3A_584 = arith.constant 0 : i32
        %dma_wait3A_585 = tpu.memref_slice %arg13[%dma_wait3A_583, %dma_wait3A_584] : memref<4x128xi32, #tpu.memory_space<vmem>> -> memref<1x128xi32, #tpu.memory_space<vmem>>
        %dma_wait3A_586 = tpu.memref_squeeze %dma_wait3A_585 : memref<1x128xi32, #tpu.memory_space<vmem>> -> memref<128xi32, #tpu.memory_space<vmem>>
        %dma_wait3A_587 = tpu.memref_slice %arg2[%add3A_504] : memref<3200000xi32, #tpu.memory_space<hbm>> -> memref<128xi32, #tpu.memory_space<hbm>>
        %dma_wait3A_588 = arith.constant 0 : i32
        %dma_wait3A_589 = tpu.memref_slice %arg13[%dma_wait3A_583, %dma_wait3A_588] : memref<4x128xi32, #tpu.memory_space<vmem>> -> memref<1x128xi32, #tpu.memory_space<vmem>>
        %dma_wait3A_590 = tpu.memref_squeeze %dma_wait3A_589 : memref<1x128xi32, #tpu.memory_space<vmem>> -> memref<128xi32, #tpu.memory_space<vmem>>
        %dma_wait3A_591 = tpu.memref_slice %arg2[%add3A_504] : memref<3200000xi32, #tpu.memory_space<hbm>> -> memref<128xi32, #tpu.memory_space<hbm>>
        tpu.wait_dma2 semaphore(%arg19 : memref<!tpu.dma_semaphore, #tpu.memory_space<semaphore_mem>>) src(%dma_wait3A_591 : memref<128xi32, #tpu.memory_space<hbm>>) dst(%dma_wait3A_590 : memref<128xi32, #tpu.memory_space<vmem>>)
        %dma_wait3A_592 = arith.constant 3 : i32
        %dma_wait3A_593 = arith.constant 0 : i32
        %dma_wait3A_594 = tpu.memref_slice %arg14[%dma_wait3A_592, %dma_wait3A_593] : memref<4x128xi32, #tpu.memory_space<vmem>> -> memref<1x128xi32, #tpu.memory_space<vmem>>
        %dma_wait3A_595 = tpu.memref_squeeze %dma_wait3A_594 : memref<1x128xi32, #tpu.memory_space<vmem>> -> memref<128xi32, #tpu.memory_space<vmem>>
        %dma_wait3A_596 = tpu.memref_slice %arg2[%add3A_519] : memref<3200000xi32, #tpu.memory_space<hbm>> -> memref<128xi32, #tpu.memory_space<hbm>>
        %dma_wait3A_597 = arith.constant 0 : i32
        %dma_wait3A_598 = tpu.memref_slice %arg14[%dma_wait3A_592, %dma_wait3A_597] : memref<4x128xi32, #tpu.memory_space<vmem>> -> memref<1x128xi32, #tpu.memory_space<vmem>>
        %dma_wait3A_599 = tpu.memref_squeeze %dma_wait3A_598 : memref<1x128xi32, #tpu.memory_space<vmem>> -> memref<128xi32, #tpu.memory_space<vmem>>
        %dma_wait3A_600 = tpu.memref_slice %arg2[%add3A_519] : memref<3200000xi32, #tpu.memory_space<hbm>> -> memref<128xi32, #tpu.memory_space<hbm>>
        tpu.wait_dma2 semaphore(%arg19 : memref<!tpu.dma_semaphore, #tpu.memory_space<semaphore_mem>>) src(%dma_wait3A_600 : memref<128xi32, #tpu.memory_space<hbm>>) dst(%dma_wait3A_599 : memref<128xi32, #tpu.memory_space<vmem>>)
        %mul3A_601 = arith.constant 4 : i32
        %mul3A_602 = arith.muli %add3A_301, %mul3A_601 : i32
        %dma_start3A_603 = arith.constant 0 : i32
        %dma_start3A_604 = tpu.memref_slice %arg3[%mul3A_602, %dma_start3A_603] : memref<12500x1024xf32, #tpu.memory_space<hbm>> -> memref<4x1024xf32, #tpu.memory_space<hbm>>
        %dma_start3A_605 = arith.constant 0 : i32
        %dma_start3A_606 = tpu.memref_slice %arg3[%mul3A_602, %dma_start3A_605] : memref<12500x1024xf32, #tpu.memory_space<hbm>> -> memref<4x1024xf32, #tpu.memory_space<hbm>>
        tpu.enqueue_dma source(%dma_start3A_606 : memref<4x1024xf32, #tpu.memory_space<hbm>>) target(%arg15 : memref<4x1024xf32, #tpu.memory_space<vmem>>) target_semaphore(%arg19 : memref<!tpu.dma_semaphore, #tpu.memory_space<semaphore_mem>>)
        %dma_start3A_607 = arith.constant 0 : i32
        %dma_start3A_608 = arith.constant 0 : i32
        %dma_start3A_609 = arith.constant 0 : i32
        %dma_start3A_610 = tpu.memref_slice %arg16[%dma_start3A_608, %dma_start3A_609] : memref<512x16xf32, #tpu.memory_space<vmem>> -> memref<128x16xf32, #tpu.memory_space<vmem>>
        %dma_start3A_611 = arith.constant 0 : i32
        %dma_start3A_612 = tpu.memref_slice %arg13[%dma_start3A_607, %dma_start3A_611] : memref<4x128xi32, #tpu.memory_space<vmem>> -> memref<1x128xi32, #tpu.memory_space<vmem>>
        %dma_start3A_613 = tpu.memref_squeeze %dma_start3A_612 : memref<1x128xi32, #tpu.memory_space<vmem>> -> memref<128xi32, #tpu.memory_space<vmem>>
        %dma_start3A_614 = arith.constant 0 : i32
        %dma_start3A_615 = arith.constant 0 : i32
        %dma_start3A_616 = tpu.memref_slice %arg4[%dma_start3A_614, %dma_start3A_615] : memref<100000x16xf32, #tpu.memory_space<hbm>> -> memref<100000x16xf32, #tpu.memory_space<hbm>>
        tpu.enqueue_indirect_dma source(%dma_start3A_616 : memref<100000x16xf32, #tpu.memory_space<hbm>>) target(%dma_start3A_610 : memref<128x16xf32, #tpu.memory_space<vmem>>) offsets(%dma_start3A_613 : memref<128xi32, #tpu.memory_space<vmem>>) semaphore(%arg19 : memref<!tpu.dma_semaphore, #tpu.memory_space<semaphore_mem>>)
        %dma_start3A_617 = arith.constant 0 : i32
        %dma_start3A_618 = arith.constant 0 : i32
        %dma_start3A_619 = arith.constant 0 : i32
        %dma_start3A_620 = tpu.memref_slice %arg17[%dma_start3A_618, %dma_start3A_619] : memref<512x16xf32, #tpu.memory_space<vmem>> -> memref<128x16xf32, #tpu.memory_space<vmem>>
        %dma_start3A_621 = arith.constant 0 : i32
        %dma_start3A_622 = tpu.memref_slice %arg14[%dma_start3A_617, %dma_start3A_621] : memref<4x128xi32, #tpu.memory_space<vmem>> -> memref<1x128xi32, #tpu.memory_space<vmem>>
        %dma_start3A_623 = tpu.memref_squeeze %dma_start3A_622 : memref<1x128xi32, #tpu.memory_space<vmem>> -> memref<128xi32, #tpu.memory_space<vmem>>
        %dma_start3A_624 = arith.constant 0 : i32
        %dma_start3A_625 = arith.constant 0 : i32
        %dma_start3A_626 = tpu.memref_slice %arg4[%dma_start3A_624, %dma_start3A_625] : memref<100000x16xf32, #tpu.memory_space<hbm>> -> memref<100000x16xf32, #tpu.memory_space<hbm>>
        tpu.enqueue_indirect_dma source(%dma_start3A_626 : memref<100000x16xf32, #tpu.memory_space<hbm>>) target(%dma_start3A_620 : memref<128x16xf32, #tpu.memory_space<vmem>>) offsets(%dma_start3A_623 : memref<128xi32, #tpu.memory_space<vmem>>) semaphore(%arg19 : memref<!tpu.dma_semaphore, #tpu.memory_space<semaphore_mem>>)
        %dma_start3A_627 = arith.constant 1 : i32
        %dma_start3A_628 = arith.constant 128 : i32
        %dma_start3A_629 = arith.constant 0 : i32
        %dma_start3A_630 = tpu.memref_slice %arg16[%dma_start3A_628, %dma_start3A_629] : memref<512x16xf32, #tpu.memory_space<vmem>> -> memref<128x16xf32, #tpu.memory_space<vmem>>
        %dma_start3A_631 = arith.constant 0 : i32
        %dma_start3A_632 = tpu.memref_slice %arg13[%dma_start3A_627, %dma_start3A_631] : memref<4x128xi32, #tpu.memory_space<vmem>> -> memref<1x128xi32, #tpu.memory_space<vmem>>
        %dma_start3A_633 = tpu.memref_squeeze %dma_start3A_632 : memref<1x128xi32, #tpu.memory_space<vmem>> -> memref<128xi32, #tpu.memory_space<vmem>>
        %dma_start3A_634 = arith.constant 0 : i32
        %dma_start3A_635 = arith.constant 0 : i32
        %dma_start3A_636 = tpu.memref_slice %arg4[%dma_start3A_634, %dma_start3A_635] : memref<100000x16xf32, #tpu.memory_space<hbm>> -> memref<100000x16xf32, #tpu.memory_space<hbm>>
        tpu.enqueue_indirect_dma source(%dma_start3A_636 : memref<100000x16xf32, #tpu.memory_space<hbm>>) target(%dma_start3A_630 : memref<128x16xf32, #tpu.memory_space<vmem>>) offsets(%dma_start3A_633 : memref<128xi32, #tpu.memory_space<vmem>>) semaphore(%arg19 : memref<!tpu.dma_semaphore, #tpu.memory_space<semaphore_mem>>)
        %dma_start3A_637 = arith.constant 1 : i32
        %dma_start3A_638 = arith.constant 128 : i32
        %dma_start3A_639 = arith.constant 0 : i32
        %dma_start3A_640 = tpu.memref_slice %arg17[%dma_start3A_638, %dma_start3A_639] : memref<512x16xf32, #tpu.memory_space<vmem>> -> memref<128x16xf32, #tpu.memory_space<vmem>>
        %dma_start3A_641 = arith.constant 0 : i32
        %dma_start3A_642 = tpu.memref_slice %arg14[%dma_start3A_637, %dma_start3A_641] : memref<4x128xi32, #tpu.memory_space<vmem>> -> memref<1x128xi32, #tpu.memory_space<vmem>>
        %dma_start3A_643 = tpu.memref_squeeze %dma_start3A_642 : memref<1x128xi32, #tpu.memory_space<vmem>> -> memref<128xi32, #tpu.memory_space<vmem>>
        %dma_start3A_644 = arith.constant 0 : i32
        %dma_start3A_645 = arith.constant 0 : i32
        %dma_start3A_646 = tpu.memref_slice %arg4[%dma_start3A_644, %dma_start3A_645] : memref<100000x16xf32, #tpu.memory_space<hbm>> -> memref<100000x16xf32, #tpu.memory_space<hbm>>
        tpu.enqueue_indirect_dma source(%dma_start3A_646 : memref<100000x16xf32, #tpu.memory_space<hbm>>) target(%dma_start3A_640 : memref<128x16xf32, #tpu.memory_space<vmem>>) offsets(%dma_start3A_643 : memref<128xi32, #tpu.memory_space<vmem>>) semaphore(%arg19 : memref<!tpu.dma_semaphore, #tpu.memory_space<semaphore_mem>>)
        %dma_start3A_647 = arith.constant 2 : i32
        %dma_start3A_648 = arith.constant 256 : i32
        %dma_start3A_649 = arith.constant 0 : i32
        %dma_start3A_650 = tpu.memref_slice %arg16[%dma_start3A_648, %dma_start3A_649] : memref<512x16xf32, #tpu.memory_space<vmem>> -> memref<128x16xf32, #tpu.memory_space<vmem>>
        %dma_start3A_651 = arith.constant 0 : i32
        %dma_start3A_652 = tpu.memref_slice %arg13[%dma_start3A_647, %dma_start3A_651] : memref<4x128xi32, #tpu.memory_space<vmem>> -> memref<1x128xi32, #tpu.memory_space<vmem>>
        %dma_start3A_653 = tpu.memref_squeeze %dma_start3A_652 : memref<1x128xi32, #tpu.memory_space<vmem>> -> memref<128xi32, #tpu.memory_space<vmem>>
        %dma_start3A_654 = arith.constant 0 : i32
        %dma_start3A_655 = arith.constant 0 : i32
        %dma_start3A_656 = tpu.memref_slice %arg4[%dma_start3A_654, %dma_start3A_655] : memref<100000x16xf32, #tpu.memory_space<hbm>> -> memref<100000x16xf32, #tpu.memory_space<hbm>>
        tpu.enqueue_indirect_dma source(%dma_start3A_656 : memref<100000x16xf32, #tpu.memory_space<hbm>>) target(%dma_start3A_650 : memref<128x16xf32, #tpu.memory_space<vmem>>) offsets(%dma_start3A_653 : memref<128xi32, #tpu.memory_space<vmem>>) semaphore(%arg19 : memref<!tpu.dma_semaphore, #tpu.memory_space<semaphore_mem>>)
        %dma_start3A_657 = arith.constant 2 : i32
        %dma_start3A_658 = arith.constant 256 : i32
        %dma_start3A_659 = arith.constant 0 : i32
        %dma_start3A_660 = tpu.memref_slice %arg17[%dma_start3A_658, %dma_start3A_659] : memref<512x16xf32, #tpu.memory_space<vmem>> -> memref<128x16xf32, #tpu.memory_space<vmem>>
        %dma_start3A_661 = arith.constant 0 : i32
        %dma_start3A_662 = tpu.memref_slice %arg14[%dma_start3A_657, %dma_start3A_661] : memref<4x128xi32, #tpu.memory_space<vmem>> -> memref<1x128xi32, #tpu.memory_space<vmem>>
        %dma_start3A_663 = tpu.memref_squeeze %dma_start3A_662 : memref<1x128xi32, #tpu.memory_space<vmem>> -> memref<128xi32, #tpu.memory_space<vmem>>
        %dma_start3A_664 = arith.constant 0 : i32
        %dma_start3A_665 = arith.constant 0 : i32
        %dma_start3A_666 = tpu.memref_slice %arg4[%dma_start3A_664, %dma_start3A_665] : memref<100000x16xf32, #tpu.memory_space<hbm>> -> memref<100000x16xf32, #tpu.memory_space<hbm>>
        tpu.enqueue_indirect_dma source(%dma_start3A_666 : memref<100000x16xf32, #tpu.memory_space<hbm>>) target(%dma_start3A_660 : memref<128x16xf32, #tpu.memory_space<vmem>>) offsets(%dma_start3A_663 : memref<128xi32, #tpu.memory_space<vmem>>) semaphore(%arg19 : memref<!tpu.dma_semaphore, #tpu.memory_space<semaphore_mem>>)
        %dma_start3A_667 = arith.constant 3 : i32
        %dma_start3A_668 = arith.constant 384 : i32
        %dma_start3A_669 = arith.constant 0 : i32
        %dma_start3A_670 = tpu.memref_slice %arg16[%dma_start3A_668, %dma_start3A_669] : memref<512x16xf32, #tpu.memory_space<vmem>> -> memref<128x16xf32, #tpu.memory_space<vmem>>
        %dma_start3A_671 = arith.constant 0 : i32
        %dma_start3A_672 = tpu.memref_slice %arg13[%dma_start3A_667, %dma_start3A_671] : memref<4x128xi32, #tpu.memory_space<vmem>> -> memref<1x128xi32, #tpu.memory_space<vmem>>
        %dma_start3A_673 = tpu.memref_squeeze %dma_start3A_672 : memref<1x128xi32, #tpu.memory_space<vmem>> -> memref<128xi32, #tpu.memory_space<vmem>>
        %dma_start3A_674 = arith.constant 0 : i32
        %dma_start3A_675 = arith.constant 0 : i32
        %dma_start3A_676 = tpu.memref_slice %arg4[%dma_start3A_674, %dma_start3A_675] : memref<100000x16xf32, #tpu.memory_space<hbm>> -> memref<100000x16xf32, #tpu.memory_space<hbm>>
        tpu.enqueue_indirect_dma source(%dma_start3A_676 : memref<100000x16xf32, #tpu.memory_space<hbm>>) target(%dma_start3A_670 : memref<128x16xf32, #tpu.memory_space<vmem>>) offsets(%dma_start3A_673 : memref<128xi32, #tpu.memory_space<vmem>>) semaphore(%arg19 : memref<!tpu.dma_semaphore, #tpu.memory_space<semaphore_mem>>)
        %dma_start3A_677 = arith.constant 3 : i32
        %dma_start3A_678 = arith.constant 384 : i32
        %dma_start3A_679 = arith.constant 0 : i32
        %dma_start3A_680 = tpu.memref_slice %arg17[%dma_start3A_678, %dma_start3A_679] : memref<512x16xf32, #tpu.memory_space<vmem>> -> memref<128x16xf32, #tpu.memory_space<vmem>>
        %dma_start3A_681 = arith.constant 0 : i32
        %dma_start3A_682 = tpu.memref_slice %arg14[%dma_start3A_677, %dma_start3A_681] : memref<4x128xi32, #tpu.memory_space<vmem>> -> memref<1x128xi32, #tpu.memory_space<vmem>>
        %dma_start3A_683 = tpu.memref_squeeze %dma_start3A_682 : memref<1x128xi32, #tpu.memory_space<vmem>> -> memref<128xi32, #tpu.memory_space<vmem>>
        %dma_start3A_684 = arith.constant 0 : i32
        %dma_start3A_685 = arith.constant 0 : i32
        %dma_start3A_686 = tpu.memref_slice %arg4[%dma_start3A_684, %dma_start3A_685] : memref<100000x16xf32, #tpu.memory_space<hbm>> -> memref<100000x16xf32, #tpu.memory_space<hbm>>
        tpu.enqueue_indirect_dma source(%dma_start3A_686 : memref<100000x16xf32, #tpu.memory_space<hbm>>) target(%dma_start3A_680 : memref<128x16xf32, #tpu.memory_space<vmem>>) offsets(%dma_start3A_683 : memref<128xi32, #tpu.memory_space<vmem>>) semaphore(%arg19 : memref<!tpu.dma_semaphore, #tpu.memory_space<semaphore_mem>>)
      } else {
      }
      %mul3A_306 = arith.constant 4 : i32
      %mul3A_307 = arith.muli %add3A_299, %mul3A_306 : i32
      %dma_wait3A_308 = arith.constant 0 : i32
      %dma_wait3A_309 = tpu.memref_slice %arg3[%mul3A_307, %dma_wait3A_308] : memref<12500x1024xf32, #tpu.memory_space<hbm>> -> memref<4x1024xf32, #tpu.memory_space<hbm>>
      %dma_wait3A_310 = arith.constant 0 : i32
      %dma_wait3A_311 = tpu.memref_slice %arg3[%mul3A_307, %dma_wait3A_310] : memref<12500x1024xf32, #tpu.memory_space<hbm>> -> memref<4x1024xf32, #tpu.memory_space<hbm>>
      tpu.wait_dma2 semaphore(%arg12 : memref<!tpu.dma_semaphore, #tpu.memory_space<semaphore_mem>>) src(%dma_wait3A_311 : memref<4x1024xf32, #tpu.memory_space<hbm>>) dst(%arg8 : memref<4x1024xf32, #tpu.memory_space<vmem>>)
      %dma_wait3A_312 = arith.constant 0 : i32
      %dma_wait3A_313 = arith.constant 0 : i32
      %dma_wait3A_314 = arith.constant 0 : i32
      %dma_wait3A_315 = tpu.memref_slice %arg9[%dma_wait3A_313, %dma_wait3A_314] : memref<512x16xf32, #tpu.memory_space<vmem>> -> memref<128x16xf32, #tpu.memory_space<vmem>>
      %dma_wait3A_316 = arith.constant 0 : i32
      %dma_wait3A_317 = tpu.memref_slice %arg6[%dma_wait3A_312, %dma_wait3A_316] : memref<4x128xi32, #tpu.memory_space<vmem>> -> memref<1x128xi32, #tpu.memory_space<vmem>>
      %dma_wait3A_318 = tpu.memref_squeeze %dma_wait3A_317 : memref<1x128xi32, #tpu.memory_space<vmem>> -> memref<128xi32, #tpu.memory_space<vmem>>
      %dma_wait3A_319 = arith.constant 0 : i32
      %dma_wait3A_320 = arith.constant 0 : i32
      %dma_wait3A_321 = tpu.memref_slice %arg4[%dma_wait3A_319, %dma_wait3A_320] : memref<100000x16xf32, #tpu.memory_space<hbm>> -> memref<100000x16xf32, #tpu.memory_space<hbm>>
      tpu.wait_indirect_dma semaphore(%arg12 : memref<!tpu.dma_semaphore, #tpu.memory_space<semaphore_mem>>) src(%dma_wait3A_321 : memref<100000x16xf32, #tpu.memory_space<hbm>>) dst(%dma_wait3A_315 : memref<128x16xf32, #tpu.memory_space<vmem>>)
      %dma_wait3A_322 = arith.constant 0 : i32
      %dma_wait3A_323 = arith.constant 0 : i32
      %dma_wait3A_324 = arith.constant 0 : i32
      %dma_wait3A_325 = tpu.memref_slice %arg10[%dma_wait3A_323, %dma_wait3A_324] : memref<512x16xf32, #tpu.memory_space<vmem>> -> memref<128x16xf32, #tpu.memory_space<vmem>>
      %dma_wait3A_326 = arith.constant 0 : i32
      %dma_wait3A_327 = tpu.memref_slice %arg7[%dma_wait3A_322, %dma_wait3A_326] : memref<4x128xi32, #tpu.memory_space<vmem>> -> memref<1x128xi32, #tpu.memory_space<vmem>>
      %dma_wait3A_328 = tpu.memref_squeeze %dma_wait3A_327 : memref<1x128xi32, #tpu.memory_space<vmem>> -> memref<128xi32, #tpu.memory_space<vmem>>
      %dma_wait3A_329 = arith.constant 0 : i32
      %dma_wait3A_330 = arith.constant 0 : i32
      %dma_wait3A_331 = tpu.memref_slice %arg4[%dma_wait3A_329, %dma_wait3A_330] : memref<100000x16xf32, #tpu.memory_space<hbm>> -> memref<100000x16xf32, #tpu.memory_space<hbm>>
      tpu.wait_indirect_dma semaphore(%arg12 : memref<!tpu.dma_semaphore, #tpu.memory_space<semaphore_mem>>) src(%dma_wait3A_331 : memref<100000x16xf32, #tpu.memory_space<hbm>>) dst(%dma_wait3A_325 : memref<128x16xf32, #tpu.memory_space<vmem>>)
      %dma_wait3A_332 = arith.constant 1 : i32
      %dma_wait3A_333 = arith.constant 128 : i32
      %dma_wait3A_334 = arith.constant 0 : i32
      %dma_wait3A_335 = tpu.memref_slice %arg9[%dma_wait3A_333, %dma_wait3A_334] : memref<512x16xf32, #tpu.memory_space<vmem>> -> memref<128x16xf32, #tpu.memory_space<vmem>>
      %dma_wait3A_336 = arith.constant 0 : i32
      %dma_wait3A_337 = tpu.memref_slice %arg6[%dma_wait3A_332, %dma_wait3A_336] : memref<4x128xi32, #tpu.memory_space<vmem>> -> memref<1x128xi32, #tpu.memory_space<vmem>>
      %dma_wait3A_338 = tpu.memref_squeeze %dma_wait3A_337 : memref<1x128xi32, #tpu.memory_space<vmem>> -> memref<128xi32, #tpu.memory_space<vmem>>
      %dma_wait3A_339 = arith.constant 0 : i32
      %dma_wait3A_340 = arith.constant 0 : i32
      %dma_wait3A_341 = tpu.memref_slice %arg4[%dma_wait3A_339, %dma_wait3A_340] : memref<100000x16xf32, #tpu.memory_space<hbm>> -> memref<100000x16xf32, #tpu.memory_space<hbm>>
      tpu.wait_indirect_dma semaphore(%arg12 : memref<!tpu.dma_semaphore, #tpu.memory_space<semaphore_mem>>) src(%dma_wait3A_341 : memref<100000x16xf32, #tpu.memory_space<hbm>>) dst(%dma_wait3A_335 : memref<128x16xf32, #tpu.memory_space<vmem>>)
      %dma_wait3A_342 = arith.constant 1 : i32
      %dma_wait3A_343 = arith.constant 128 : i32
      %dma_wait3A_344 = arith.constant 0 : i32
      %dma_wait3A_345 = tpu.memref_slice %arg10[%dma_wait3A_343, %dma_wait3A_344] : memref<512x16xf32, #tpu.memory_space<vmem>> -> memref<128x16xf32, #tpu.memory_space<vmem>>
      %dma_wait3A_346 = arith.constant 0 : i32
      %dma_wait3A_347 = tpu.memref_slice %arg7[%dma_wait3A_342, %dma_wait3A_346] : memref<4x128xi32, #tpu.memory_space<vmem>> -> memref<1x128xi32, #tpu.memory_space<vmem>>
      %dma_wait3A_348 = tpu.memref_squeeze %dma_wait3A_347 : memref<1x128xi32, #tpu.memory_space<vmem>> -> memref<128xi32, #tpu.memory_space<vmem>>
      %dma_wait3A_349 = arith.constant 0 : i32
      %dma_wait3A_350 = arith.constant 0 : i32
      %dma_wait3A_351 = tpu.memref_slice %arg4[%dma_wait3A_349, %dma_wait3A_350] : memref<100000x16xf32, #tpu.memory_space<hbm>> -> memref<100000x16xf32, #tpu.memory_space<hbm>>
      tpu.wait_indirect_dma semaphore(%arg12 : memref<!tpu.dma_semaphore, #tpu.memory_space<semaphore_mem>>) src(%dma_wait3A_351 : memref<100000x16xf32, #tpu.memory_space<hbm>>) dst(%dma_wait3A_345 : memref<128x16xf32, #tpu.memory_space<vmem>>)
      %dma_wait3A_352 = arith.constant 2 : i32
      %dma_wait3A_353 = arith.constant 256 : i32
      %dma_wait3A_354 = arith.constant 0 : i32
      %dma_wait3A_355 = tpu.memref_slice %arg9[%dma_wait3A_353, %dma_wait3A_354] : memref<512x16xf32, #tpu.memory_space<vmem>> -> memref<128x16xf32, #tpu.memory_space<vmem>>
      %dma_wait3A_356 = arith.constant 0 : i32
      %dma_wait3A_357 = tpu.memref_slice %arg6[%dma_wait3A_352, %dma_wait3A_356] : memref<4x128xi32, #tpu.memory_space<vmem>> -> memref<1x128xi32, #tpu.memory_space<vmem>>
      %dma_wait3A_358 = tpu.memref_squeeze %dma_wait3A_357 : memref<1x128xi32, #tpu.memory_space<vmem>> -> memref<128xi32, #tpu.memory_space<vmem>>
      %dma_wait3A_359 = arith.constant 0 : i32
      %dma_wait3A_360 = arith.constant 0 : i32
      %dma_wait3A_361 = tpu.memref_slice %arg4[%dma_wait3A_359, %dma_wait3A_360] : memref<100000x16xf32, #tpu.memory_space<hbm>> -> memref<100000x16xf32, #tpu.memory_space<hbm>>
      tpu.wait_indirect_dma semaphore(%arg12 : memref<!tpu.dma_semaphore, #tpu.memory_space<semaphore_mem>>) src(%dma_wait3A_361 : memref<100000x16xf32, #tpu.memory_space<hbm>>) dst(%dma_wait3A_355 : memref<128x16xf32, #tpu.memory_space<vmem>>)
      %dma_wait3A_362 = arith.constant 2 : i32
      %dma_wait3A_363 = arith.constant 256 : i32
      %dma_wait3A_364 = arith.constant 0 : i32
      %dma_wait3A_365 = tpu.memref_slice %arg10[%dma_wait3A_363, %dma_wait3A_364] : memref<512x16xf32, #tpu.memory_space<vmem>> -> memref<128x16xf32, #tpu.memory_space<vmem>>
      %dma_wait3A_366 = arith.constant 0 : i32
      %dma_wait3A_367 = tpu.memref_slice %arg7[%dma_wait3A_362, %dma_wait3A_366] : memref<4x128xi32, #tpu.memory_space<vmem>> -> memref<1x128xi32, #tpu.memory_space<vmem>>
      %dma_wait3A_368 = tpu.memref_squeeze %dma_wait3A_367 : memref<1x128xi32, #tpu.memory_space<vmem>> -> memref<128xi32, #tpu.memory_space<vmem>>
      %dma_wait3A_369 = arith.constant 0 : i32
      %dma_wait3A_370 = arith.constant 0 : i32
      %dma_wait3A_371 = tpu.memref_slice %arg4[%dma_wait3A_369, %dma_wait3A_370] : memref<100000x16xf32, #tpu.memory_space<hbm>> -> memref<100000x16xf32, #tpu.memory_space<hbm>>
      tpu.wait_indirect_dma semaphore(%arg12 : memref<!tpu.dma_semaphore, #tpu.memory_space<semaphore_mem>>) src(%dma_wait3A_371 : memref<100000x16xf32, #tpu.memory_space<hbm>>) dst(%dma_wait3A_365 : memref<128x16xf32, #tpu.memory_space<vmem>>)
      %dma_wait3A_372 = arith.constant 3 : i32
      %dma_wait3A_373 = arith.constant 384 : i32
      %dma_wait3A_374 = arith.constant 0 : i32
      %dma_wait3A_375 = tpu.memref_slice %arg9[%dma_wait3A_373, %dma_wait3A_374] : memref<512x16xf32, #tpu.memory_space<vmem>> -> memref<128x16xf32, #tpu.memory_space<vmem>>
      %dma_wait3A_376 = arith.constant 0 : i32
      %dma_wait3A_377 = tpu.memref_slice %arg6[%dma_wait3A_372, %dma_wait3A_376] : memref<4x128xi32, #tpu.memory_space<vmem>> -> memref<1x128xi32, #tpu.memory_space<vmem>>
      %dma_wait3A_378 = tpu.memref_squeeze %dma_wait3A_377 : memref<1x128xi32, #tpu.memory_space<vmem>> -> memref<128xi32, #tpu.memory_space<vmem>>
      %dma_wait3A_379 = arith.constant 0 : i32
      %dma_wait3A_380 = arith.constant 0 : i32
      %dma_wait3A_381 = tpu.memref_slice %arg4[%dma_wait3A_379, %dma_wait3A_380] : memref<100000x16xf32, #tpu.memory_space<hbm>> -> memref<100000x16xf32, #tpu.memory_space<hbm>>
      tpu.wait_indirect_dma semaphore(%arg12 : memref<!tpu.dma_semaphore, #tpu.memory_space<semaphore_mem>>) src(%dma_wait3A_381 : memref<100000x16xf32, #tpu.memory_space<hbm>>) dst(%dma_wait3A_375 : memref<128x16xf32, #tpu.memory_space<vmem>>)
      %dma_wait3A_382 = arith.constant 3 : i32
      %dma_wait3A_383 = arith.constant 384 : i32
      %dma_wait3A_384 = arith.constant 0 : i32
      %dma_wait3A_385 = tpu.memref_slice %arg10[%dma_wait3A_383, %dma_wait3A_384] : memref<512x16xf32, #tpu.memory_space<vmem>> -> memref<128x16xf32, #tpu.memory_space<vmem>>
      %dma_wait3A_386 = arith.constant 0 : i32
      %dma_wait3A_387 = tpu.memref_slice %arg7[%dma_wait3A_382, %dma_wait3A_386] : memref<4x128xi32, #tpu.memory_space<vmem>> -> memref<1x128xi32, #tpu.memory_space<vmem>>
      %dma_wait3A_388 = tpu.memref_squeeze %dma_wait3A_387 : memref<1x128xi32, #tpu.memory_space<vmem>> -> memref<128xi32, #tpu.memory_space<vmem>>
      %dma_wait3A_389 = arith.constant 0 : i32
      %dma_wait3A_390 = arith.constant 0 : i32
      %dma_wait3A_391 = tpu.memref_slice %arg4[%dma_wait3A_389, %dma_wait3A_390] : memref<100000x16xf32, #tpu.memory_space<hbm>> -> memref<100000x16xf32, #tpu.memory_space<hbm>>
      tpu.wait_indirect_dma semaphore(%arg12 : memref<!tpu.dma_semaphore, #tpu.memory_space<semaphore_mem>>) src(%dma_wait3A_391 : memref<100000x16xf32, #tpu.memory_space<hbm>>) dst(%dma_wait3A_385 : memref<128x16xf32, #tpu.memory_space<vmem>>)
      %scan3A_392 = arith.constant 0 : i32
      %scan3A_393 = arith.constant 32 : i32
      %scan3A_394 = arith.addi %scan3A_392, %scan3A_393 : i32
      %scan3A_395 = arith.constant 1 : i32
      scf.for %scan3A_409 = %scan3A_392 to %scan3A_394 step %scan3A_395  : i32 {
        %jit3A = arith.constant 8 : i32
        %div3A = arith.divsi %scan3A_409, %jit3A : i32
        %sign3A = arith.constant 0 : i32
        %sign3A_410 = arith.cmpi sgt, %scan3A_409, %sign3A : i32
        %sign3A_411 = arith.extui %sign3A_410 : i1 to i32
        %sign3A_412 = arith.constant 0 : i32
        %sign3A_413 = arith.cmpi slt, %scan3A_409, %sign3A_412 : i32
        %sign3A_414 = arith.extui %sign3A_413 : i1 to i32
        %sign3A_415 = arith.subi %sign3A_411, %sign3A_414 : i32
        %sign3A_416 = arith.constant 0 : i32
        %sign3A_417 = arith.cmpi sgt, %jit3A, %sign3A_416 : i32
        %sign3A_418 = arith.extui %sign3A_417 : i1 to i32
        %sign3A_419 = arith.constant 0 : i32
        %sign3A_420 = arith.cmpi slt, %jit3A, %sign3A_419 : i32
        %sign3A_421 = arith.extui %sign3A_420 : i1 to i32
        %sign3A_422 = arith.subi %sign3A_418, %sign3A_421 : i32
        %ne3A = arith.cmpi ne, %sign3A_415, %sign3A_422 : i32
        %rem3A = arith.remsi %scan3A_409, %jit3A : i32
        %ne3A_423 = arith.constant 0 : i32
        %ne3A_424 = arith.cmpi ne, %rem3A, %ne3A_423 : i32
        %and3A = arith.andi %ne3A, %ne3A_424 : i1
        %sub3A = arith.constant 1 : i32
        %sub3A_425 = arith.subi %div3A, %sub3A : i32
        %select_n3A = arith.select %and3A, %sub3A_425, %div3A : i32
        %jit3A_426 = arith.constant 8 : i32
        %eq3A = arith.constant 0 : i32
        %eq3A_427 = arith.cmpi eq, %jit3A_426, %eq3A : i32
        %jit3A_428 = arith.constant 1 : i32
        %select_n3A_429 = arith.select %eq3A_427, %jit3A_428, %jit3A_426 : i32
        %rem3A_430 = arith.remsi %scan3A_409, %select_n3A_429 : i32
        %ne3A_431 = arith.constant 0 : i32
        %ne3A_432 = arith.cmpi ne, %rem3A_430, %ne3A_431 : i32
        %lt3A_433 = arith.constant 0 : i32
        %lt3A_434 = arith.cmpi slt, %rem3A_430, %lt3A_433 : i32
        %lt3A_435 = arith.constant 0 : i32
        %lt3A_436 = arith.cmpi slt, %select_n3A_429, %lt3A_435 : i32
        %ne3A_437 = arith.xori %lt3A_434, %lt3A_436 : i1
        %and3A_438 = arith.andi %ne3A_437, %ne3A_432 : i1
        %add3A_439 = arith.addi %rem3A_430, %select_n3A_429 : i32
        %select_n3A_440 = arith.select %and3A_438, %add3A_439, %rem3A_430 : i32
        %mul3A_441 = arith.constant 16 : i32
        %mul3A_442 = arith.muli %select_n3A_440, %mul3A_441 : i32
        %mul3A_443 = arith.constant 16 : i32
        %mul3A_444 = arith.muli %scan3A_409, %mul3A_443 : i32
        %add3A_445 = vector.broadcast %mul3A_444 : i32 to vector<16xi32>
        %add3A_446 = arith.addi %iota3A, %add3A_445 : vector<16xi32>
        %add3A_447 = arith.constant 0 : i32
        %add3A_448 = arith.addi %add3A_447, %mul3A_442 : i32
        %get3A = arith.index_cast %select_n3A : i32 to index
        %get3A_449 = arith.index_cast %add3A_448 : i32 to index
        %get3A_450 = tpu.vector_load %arg8[%get3A, %get3A_449] {strides = array<i32>} : memref<4x1024xf32, #tpu.memory_space<vmem>>, vector<16xf32>,
        %add3A_451 = arith.constant 128 : i32
        %add3A_452 = arith.addi %add3A_451, %mul3A_442 : i32
        %get3A_453 = arith.index_cast %select_n3A : i32 to index
        %get3A_454 = arith.index_cast %add3A_452 : i32 to index
        %get3A_455 = tpu.vector_load %arg8[%get3A_453, %get3A_454] {strides = array<i32>} : memref<4x1024xf32, #tpu.memory_space<vmem>>, vector<16xf32>,
        %add3A_456 = arith.constant 256 : i32
        %add3A_457 = arith.addi %add3A_456, %mul3A_442 : i32
        %get3A_458 = arith.index_cast %select_n3A : i32 to index
        %get3A_459 = arith.index_cast %add3A_457 : i32 to index
        %get3A_460 = tpu.vector_load %arg8[%get3A_458, %get3A_459] {strides = array<i32>} : memref<4x1024xf32, #tpu.memory_space<vmem>>, vector<16xf32>,
        %add3A_461 = arith.constant 384 : i32
        %add3A_462 = arith.addi %add3A_461, %mul3A_442 : i32
        %get3A_463 = arith.index_cast %select_n3A : i32 to index
        %get3A_464 = arith.index_cast %add3A_462 : i32 to index
        %get3A_465 = tpu.vector_load %arg8[%get3A_463, %get3A_464] {strides = array<i32>} : memref<4x1024xf32, #tpu.memory_space<vmem>>, vector<16xf32>,
        %add3A_466 = arith.constant 512 : i32
        %add3A_467 = arith.addi %add3A_466, %mul3A_442 : i32
        %get3A_468 = arith.index_cast %select_n3A : i32 to index
        %get3A_469 = arith.index_cast %add3A_467 : i32 to index
        %get3A_470 = tpu.vector_load %arg8[%get3A_468, %get3A_469] {strides = array<i32>} : memref<4x1024xf32, #tpu.memory_space<vmem>>, vector<16xf32>,
        %add3A_471 = arith.constant 640 : i32
        %add3A_472 = arith.addi %add3A_471, %mul3A_442 : i32
        %get3A_473 = arith.index_cast %select_n3A : i32 to index
        %get3A_474 = arith.index_cast %add3A_472 : i32 to index
        %get3A_475 = tpu.vector_load %arg8[%get3A_473, %get3A_474] {strides = array<i32>} : memref<4x1024xf32, #tpu.memory_space<vmem>>, vector<16xf32>,
        %add3A_476 = arith.constant 768 : i32
        %add3A_477 = arith.addi %add3A_476, %mul3A_442 : i32
        %get3A_478 = arith.index_cast %select_n3A : i32 to index
        %get3A_479 = arith.index_cast %add3A_477 : i32 to index
        %get3A_480 = tpu.vector_load %arg8[%get3A_478, %get3A_479] {strides = array<i32>} : memref<4x1024xf32, #tpu.memory_space<vmem>>, vector<16xf32>,
        %gather3A = tpu.vector_load_idx %arg9[%add3A_446, %broadcast_in_dim3A_1] : memref<512x16xf32, #tpu.memory_space<vmem>>[vector<16xi32>, vector<16xi32>], vector<16xf32>,
        %gather3A_481 = tpu.vector_load_idx %arg9[%add3A_446, %broadcast_in_dim3A_3] : memref<512x16xf32, #tpu.memory_space<vmem>>[vector<16xi32>, vector<16xi32>], vector<16xf32>,
        %gather3A_482 = tpu.vector_load_idx %arg9[%add3A_446, %broadcast_in_dim3A_5] : memref<512x16xf32, #tpu.memory_space<vmem>>[vector<16xi32>, vector<16xi32>], vector<16xf32>,
        %gather3A_483 = tpu.vector_load_idx %arg9[%add3A_446, %broadcast_in_dim3A_7] : memref<512x16xf32, #tpu.memory_space<vmem>>[vector<16xi32>, vector<16xi32>], vector<16xf32>,
        %gather3A_484 = tpu.vector_load_idx %arg9[%add3A_446, %broadcast_in_dim3A_9] : memref<512x16xf32, #tpu.memory_space<vmem>>[vector<16xi32>, vector<16xi32>], vector<16xf32>,
        %gather3A_485 = tpu.vector_load_idx %arg9[%add3A_446, %broadcast_in_dim3A_11] : memref<512x16xf32, #tpu.memory_space<vmem>>[vector<16xi32>, vector<16xi32>], vector<16xf32>,
        %gather3A_486 = tpu.vector_load_idx %arg9[%add3A_446, %broadcast_in_dim3A_13] : memref<512x16xf32, #tpu.memory_space<vmem>>[vector<16xi32>, vector<16xi32>], vector<16xf32>,
        %gather3A_487 = tpu.vector_load_idx %arg10[%add3A_446, %broadcast_in_dim3A_1] : memref<512x16xf32, #tpu.memory_space<vmem>>[vector<16xi32>, vector<16xi32>], vector<16xf32>,
        %gather3A_488 = tpu.vector_load_idx %arg10[%add3A_446, %broadcast_in_dim3A_3] : memref<512x16xf32, #tpu.memory_space<vmem>>[vector<16xi32>, vector<16xi32>], vector<16xf32>,
        %gather3A_489 = tpu.vector_load_idx %arg10[%add3A_446, %broadcast_in_dim3A_5] : memref<512x16xf32, #tpu.memory_space<vmem>>[vector<16xi32>, vector<16xi32>], vector<16xf32>,
        %gather3A_490 = tpu.vector_load_idx %arg10[%add3A_446, %broadcast_in_dim3A_7] : memref<512x16xf32, #tpu.memory_space<vmem>>[vector<16xi32>, vector<16xi32>], vector<16xf32>,
        %gather3A_491 = tpu.vector_load_idx %arg10[%add3A_446, %broadcast_in_dim3A_9] : memref<512x16xf32, #tpu.memory_space<vmem>>[vector<16xi32>, vector<16xi32>], vector<16xf32>,
        %gather3A_492 = tpu.vector_load_idx %arg10[%add3A_446, %broadcast_in_dim3A_11] : memref<512x16xf32, #tpu.memory_space<vmem>>[vector<16xi32>, vector<16xi32>], vector<16xf32>,
        %gather3A_493 = tpu.vector_load_idx %arg10[%add3A_446, %broadcast_in_dim3A_13] : memref<512x16xf32, #tpu.memory_space<vmem>>[vector<16xi32>, vector<16xi32>], vector<16xf32>,
        %neg3A = arith.constant 0.000000e+00 : f32
        %neg3A_494 = vector.broadcast %neg3A : f32 to vector<16xf32>
        %neg3A_495 = arith.subf %neg3A_494, %get3A_465 : vector<16xf32>
        %neg3A_496 = arith.constant 0.000000e+00 : f32
        %neg3A_497 = vector.broadcast %neg3A_496 : f32 to vector<16xf32>
        %neg3A_498 = arith.subf %neg3A_497, %get3A_470 : vector<16xf32>
        %neg3A_499 = arith.constant 0.000000e+00 : f32
        %neg3A_500 = vector.broadcast %neg3A_499 : f32 to vector<16xf32>
        %neg3A_501 = arith.subf %neg3A_500, %get3A_475 : vector<16xf32>
        %neg3A_502 = arith.constant 0.000000e+00 : f32
        %neg3A_503 = vector.broadcast %neg3A_502 : f32 to vector<16xf32>
        %neg3A_504 = arith.subf %neg3A_503, %gather3A_483 : vector<16xf32>
        %neg3A_505 = arith.constant 0.000000e+00 : f32
        %neg3A_506 = vector.broadcast %neg3A_505 : f32 to vector<16xf32>
        %neg3A_507 = arith.subf %neg3A_506, %gather3A_484 : vector<16xf32>
        %neg3A_508 = arith.constant 0.000000e+00 : f32
        %neg3A_509 = vector.broadcast %neg3A_508 : f32 to vector<16xf32>
        %neg3A_510 = arith.subf %neg3A_509, %gather3A_485 : vector<16xf32>
        %sub3A_511 = arith.subf %gather3A_487, %gather3A : vector<16xf32>
        %sub3A_512 = arith.subf %gather3A_488, %gather3A_481 : vector<16xf32>
        %sub3A_513 = arith.subf %gather3A_489, %gather3A_482 : vector<16xf32>
        %mul3A_514 = arith.mulf %neg3A_507, %sub3A_513 : vector<16xf32>
        %mul3A_515 = arith.mulf %neg3A_510, %sub3A_512 : vector<16xf32>
        %sub3A_516 = arith.subf %mul3A_514, %mul3A_515 : vector<16xf32>
        %mul3A_517 = arith.mulf %neg3A_510, %sub3A_511 : vector<16xf32>
        %mul3A_518 = arith.mulf %neg3A_504, %sub3A_513 : vector<16xf32>
        %sub3A_519 = arith.subf %mul3A_517, %mul3A_518 : vector<16xf32>
        %mul3A_520 = arith.mulf %neg3A_504, %sub3A_512 : vector<16xf32>
        %mul3A_521 = arith.mulf %neg3A_507, %sub3A_511 : vector<16xf32>
        %sub3A_522 = arith.subf %mul3A_520, %mul3A_521 : vector<16xf32>
        %mul3A_523 = arith.mulf %neg3A_507, %sub3A_522 : vector<16xf32>
        %mul3A_524 = arith.mulf %neg3A_510, %sub3A_519 : vector<16xf32>
        %sub3A_525 = arith.subf %mul3A_523, %mul3A_524 : vector<16xf32>
        %mul3A_526 = arith.mulf %neg3A_510, %sub3A_516 : vector<16xf32>
        %mul3A_527 = arith.mulf %neg3A_504, %sub3A_522 : vector<16xf32>
        %sub3A_528 = arith.subf %mul3A_526, %mul3A_527 : vector<16xf32>
        %mul3A_529 = arith.mulf %neg3A_504, %sub3A_519 : vector<16xf32>
        %mul3A_530 = arith.mulf %neg3A_507, %sub3A_516 : vector<16xf32>
        %sub3A_531 = arith.subf %mul3A_529, %mul3A_530 : vector<16xf32>
        %mul3A_532 = arith.mulf %gather3A_486, %sub3A_516 : vector<16xf32>
        %add3A_533 = arith.addf %mul3A_532, %sub3A_525 : vector<16xf32>
        %mul3A_534 = arith.constant 2.000000e+00 : f32
        %mul3A_535 = vector.broadcast %mul3A_534 : f32 to vector<16xf32>
        %mul3A_536 = arith.mulf %mul3A_535, %add3A_533 : vector<16xf32>
        %add3A_537 = arith.addf %sub3A_511, %mul3A_536 : vector<16xf32>
        %mul3A_538 = arith.mulf %gather3A_486, %sub3A_519 : vector<16xf32>
        %add3A_539 = arith.addf %mul3A_538, %sub3A_528 : vector<16xf32>
        %mul3A_540 = arith.constant 2.000000e+00 : f32
        %mul3A_541 = vector.broadcast %mul3A_540 : f32 to vector<16xf32>
        %mul3A_542 = arith.mulf %mul3A_541, %add3A_539 : vector<16xf32>
        %add3A_543 = arith.addf %sub3A_512, %mul3A_542 : vector<16xf32>
        %mul3A_544 = arith.mulf %gather3A_486, %sub3A_522 : vector<16xf32>
        %add3A_545 = arith.addf %mul3A_544, %sub3A_531 : vector<16xf32>
        %mul3A_546 = arith.constant 2.000000e+00 : f32
        %mul3A_547 = vector.broadcast %mul3A_546 : f32 to vector<16xf32>
        %mul3A_548 = arith.mulf %mul3A_547, %add3A_545 : vector<16xf32>
        %add3A_549 = arith.addf %sub3A_513, %mul3A_548 : vector<16xf32>
        %sub3A_550 = arith.subf %add3A_537, %get3A_450 : vector<16xf32>
        %sub3A_551 = arith.subf %add3A_543, %get3A_455 : vector<16xf32>
        %sub3A_552 = arith.subf %add3A_549, %get3A_460 : vector<16xf32>
        %mul3A_553 = arith.mulf %neg3A_498, %sub3A_552 : vector<16xf32>
        %mul3A_554 = arith.mulf %neg3A_501, %sub3A_551 : vector<16xf32>
        %sub3A_555 = arith.subf %mul3A_553, %mul3A_554 : vector<16xf32>
        %mul3A_556 = arith.mulf %neg3A_501, %sub3A_550 : vector<16xf32>
        %mul3A_557 = arith.mulf %neg3A_495, %sub3A_552 : vector<16xf32>
        %sub3A_558 = arith.subf %mul3A_556, %mul3A_557 : vector<16xf32>
        %mul3A_559 = arith.mulf %neg3A_495, %sub3A_551 : vector<16xf32>
        %mul3A_560 = arith.mulf %neg3A_498, %sub3A_550 : vector<16xf32>
        %sub3A_561 = arith.subf %mul3A_559, %mul3A_560 : vector<16xf32>
        %mul3A_562 = arith.mulf %neg3A_498, %sub3A_561 : vector<16xf32>
        %mul3A_563 = arith.mulf %neg3A_501, %sub3A_558 : vector<16xf32>
        %sub3A_564 = arith.subf %mul3A_562, %mul3A_563 : vector<16xf32>
        %mul3A_565 = arith.mulf %neg3A_501, %sub3A_555 : vector<16xf32>
        %mul3A_566 = arith.mulf %neg3A_495, %sub3A_561 : vector<16xf32>
        %sub3A_567 = arith.subf %mul3A_565, %mul3A_566 : vector<16xf32>
        %mul3A_568 = arith.mulf %neg3A_495, %sub3A_558 : vector<16xf32>
        %mul3A_569 = arith.mulf %neg3A_498, %sub3A_555 : vector<16xf32>
        %sub3A_570 = arith.subf %mul3A_568, %mul3A_569 : vector<16xf32>
        %mul3A_571 = arith.mulf %get3A_480, %sub3A_555 : vector<16xf32>
        %add3A_572 = arith.addf %mul3A_571, %sub3A_564 : vector<16xf32>
        %mul3A_573 = arith.constant 2.000000e+00 : f32
        %mul3A_574 = vector.broadcast %mul3A_573 : f32 to vector<16xf32>
        %mul3A_575 = arith.mulf %mul3A_574, %add3A_572 : vector<16xf32>
        %add3A_576 = arith.addf %sub3A_550, %mul3A_575 : vector<16xf32>
        %mul3A_577 = arith.mulf %get3A_480, %sub3A_558 : vector<16xf32>
        %add3A_578 = arith.addf %mul3A_577, %sub3A_567 : vector<16xf32>
        %mul3A_579 = arith.constant 2.000000e+00 : f32
        %mul3A_580 = vector.broadcast %mul3A_579 : f32 to vector<16xf32>
        %mul3A_581 = arith.mulf %mul3A_580, %add3A_578 : vector<16xf32>
        %add3A_582 = arith.addf %sub3A_551, %mul3A_581 : vector<16xf32>
        %mul3A_583 = arith.mulf %get3A_480, %sub3A_561 : vector<16xf32>
        %add3A_584 = arith.addf %mul3A_583, %sub3A_570 : vector<16xf32>
        %mul3A_585 = arith.constant 2.000000e+00 : f32
        %mul3A_586 = vector.broadcast %mul3A_585 : f32 to vector<16xf32>
        %mul3A_587 = arith.mulf %mul3A_586, %add3A_584 : vector<16xf32>
        %add3A_588 = arith.addf %sub3A_552, %mul3A_587 : vector<16xf32>
        %mul3A_589 = arith.mulf %get3A_480, %neg3A_504 : vector<16xf32>
        %mul3A_590 = arith.mulf %neg3A_495, %gather3A_486 : vector<16xf32>
        %add3A_591 = arith.addf %mul3A_589, %mul3A_590 : vector<16xf32>
        %mul3A_592 = arith.mulf %neg3A_498, %neg3A_510 : vector<16xf32>
        %add3A_593 = arith.addf %add3A_591, %mul3A_592 : vector<16xf32>
        %mul3A_594 = arith.mulf %neg3A_501, %neg3A_507 : vector<16xf32>
        %sub3A_595 = arith.subf %add3A_593, %mul3A_594 : vector<16xf32>
        %mul3A_596 = arith.mulf %get3A_480, %neg3A_507 : vector<16xf32>
        %mul3A_597 = arith.mulf %neg3A_495, %neg3A_510 : vector<16xf32>
        %sub3A_598 = arith.subf %mul3A_596, %mul3A_597 : vector<16xf32>
        %mul3A_599 = arith.mulf %neg3A_498, %gather3A_486 : vector<16xf32>
        %add3A_600 = arith.addf %sub3A_598, %mul3A_599 : vector<16xf32>
        %mul3A_601 = arith.mulf %neg3A_501, %neg3A_504 : vector<16xf32>
        %add3A_602 = arith.addf %add3A_600, %mul3A_601 : vector<16xf32>
        %mul3A_603 = arith.mulf %get3A_480, %neg3A_510 : vector<16xf32>
        %mul3A_604 = arith.mulf %neg3A_495, %neg3A_507 : vector<16xf32>
        %add3A_605 = arith.addf %mul3A_603, %mul3A_604 : vector<16xf32>
        %mul3A_606 = arith.mulf %neg3A_498, %neg3A_504 : vector<16xf32>
        %sub3A_607 = arith.subf %add3A_605, %mul3A_606 : vector<16xf32>
        %mul3A_608 = arith.mulf %neg3A_501, %gather3A_486 : vector<16xf32>
        %add3A_609 = arith.addf %sub3A_607, %mul3A_608 : vector<16xf32>
        %mul3A_610 = arith.mulf %get3A_480, %gather3A_486 : vector<16xf32>
        %mul3A_611 = arith.mulf %neg3A_495, %neg3A_504 : vector<16xf32>
        %sub3A_612 = arith.subf %mul3A_610, %mul3A_611 : vector<16xf32>
        %mul3A_613 = arith.mulf %neg3A_498, %neg3A_507 : vector<16xf32>
        %sub3A_614 = arith.subf %sub3A_612, %mul3A_613 : vector<16xf32>
        %mul3A_615 = arith.mulf %neg3A_501, %neg3A_510 : vector<16xf32>
        %sub3A_616 = arith.subf %sub3A_614, %mul3A_615 : vector<16xf32>
        %mul3A_617 = arith.mulf %sub3A_616, %gather3A_490 : vector<16xf32>
        %mul3A_618 = arith.mulf %sub3A_595, %gather3A_493 : vector<16xf32>
        %add3A_619 = arith.addf %mul3A_617, %mul3A_618 : vector<16xf32>
        %mul3A_620 = arith.mulf %add3A_602, %gather3A_492 : vector<16xf32>
        %add3A_621 = arith.addf %add3A_619, %mul3A_620 : vector<16xf32>
        %mul3A_622 = arith.mulf %add3A_609, %gather3A_491 : vector<16xf32>
        %sub3A_623 = arith.subf %add3A_621, %mul3A_622 : vector<16xf32>
        %mul3A_624 = arith.mulf %sub3A_616, %gather3A_491 : vector<16xf32>
        %mul3A_625 = arith.mulf %sub3A_595, %gather3A_492 : vector<16xf32>
        %sub3A_626 = arith.subf %mul3A_624, %mul3A_625 : vector<16xf32>
        %mul3A_627 = arith.mulf %add3A_602, %gather3A_493 : vector<16xf32>
        %add3A_628 = arith.addf %sub3A_626, %mul3A_627 : vector<16xf32>
        %mul3A_629 = arith.mulf %add3A_609, %gather3A_490 : vector<16xf32>
        %add3A_630 = arith.addf %add3A_628, %mul3A_629 : vector<16xf32>
        %mul3A_631 = arith.mulf %sub3A_616, %gather3A_492 : vector<16xf32>
        %mul3A_632 = arith.mulf %sub3A_595, %gather3A_491 : vector<16xf32>
        %add3A_633 = arith.addf %mul3A_631, %mul3A_632 : vector<16xf32>
        %mul3A_634 = arith.mulf %add3A_602, %gather3A_490 : vector<16xf32>
        %sub3A_635 = arith.subf %add3A_633, %mul3A_634 : vector<16xf32>
        %mul3A_636 = arith.mulf %add3A_609, %gather3A_493 : vector<16xf32>
        %add3A_637 = arith.addf %sub3A_635, %mul3A_636 : vector<16xf32>
        %mul3A_638 = arith.mulf %sub3A_616, %gather3A_493 : vector<16xf32>
        %mul3A_639 = arith.mulf %sub3A_595, %gather3A_490 : vector<16xf32>
        %sub3A_640 = arith.subf %mul3A_638, %mul3A_639 : vector<16xf32>
        %mul3A_641 = arith.mulf %add3A_602, %gather3A_491 : vector<16xf32>
        %sub3A_642 = arith.subf %sub3A_640, %mul3A_641 : vector<16xf32>
        %mul3A_643 = arith.mulf %add3A_609, %gather3A_492 : vector<16xf32>
        %sub3A_644 = arith.subf %sub3A_642, %mul3A_643 : vector<16xf32>
        %lt3A_645 = arith.constant 0.000000e+00 : f32
        %lt3A_646 = vector.broadcast %lt3A_645 : f32 to vector<16xf32>
        %lt3A_647 = arith.cmpf olt, %sub3A_644, %lt3A_646 : vector<16xf32>
        %jit3A_648 = arith.constant -1.000000e+00 : f32
        %jit3A_649 = arith.constant 1.000000e+00 : f32
        %broadcast_in_dim3A_650 = vector.broadcast %jit3A_648 : f32 to vector<16xf32>
        %broadcast_in_dim3A_651 = vector.broadcast %jit3A_649 : f32 to vector<16xf32>
        %select_n3A_652 = arith.select %lt3A_647, %broadcast_in_dim3A_650, %broadcast_in_dim3A_651 : vector<16xi1>, vector<16xf32>
        %mul3A_653 = arith.mulf %sub3A_623, %select_n3A_652 : vector<16xf32>
        %mul3A_654 = arith.mulf %add3A_630, %select_n3A_652 : vector<16xf32>
        %mul3A_655 = arith.mulf %add3A_637, %select_n3A_652 : vector<16xf32>
        %mul3A_656 = arith.mulf %sub3A_644, %select_n3A_652 : vector<16xf32>
        %mul3A_657 = arith.mulf %mul3A_653, %mul3A_653 : vector<16xf32>
        %mul3A_658 = arith.mulf %mul3A_654, %mul3A_654 : vector<16xf32>
        %add3A_659 = arith.addf %mul3A_657, %mul3A_658 : vector<16xf32>
        %mul3A_660 = arith.mulf %mul3A_655, %mul3A_655 : vector<16xf32>
        %add3A_661 = arith.addf %add3A_659, %mul3A_660 : vector<16xf32>
        %add3A_662 = arith.constant 1.000000e-24 : f32
        %add3A_663 = vector.broadcast %add3A_662 : f32 to vector<16xf32>
        %add3A_664 = arith.addf %add3A_661, %add3A_663 : vector<16xf32>
        %bitcast3A = vector.bitcast %add3A_664 : vector<16xf32> to vector<16xi32>
        %shift_right_arithmetic3A = arith.constant 1 : i32
        %shift_right_arithmetic3A_665 = vector.broadcast %shift_right_arithmetic3A : i32 to vector<16xi32>
        %shift_right_arithmetic3A_666 = arith.shrsi %bitcast3A, %shift_right_arithmetic3A_665 : vector<16xi32>
        %sub3A_667 = arith.constant 1597463007 : i32
        %sub3A_668 = vector.broadcast %sub3A_667 : i32 to vector<16xi32>
        %sub3A_669 = arith.subi %sub3A_668, %shift_right_arithmetic3A_666 : vector<16xi32>
        %bitcast3A_670 = vector.bitcast %sub3A_669 : vector<16xi32> to vector<16xf32>
        %mul3A_671 = arith.constant 5.000000e-01 : f32
        %mul3A_672 = vector.broadcast %mul3A_671 : f32 to vector<16xf32>
        %mul3A_673 = arith.mulf %mul3A_672, %add3A_664 : vector<16xf32>
        %mul3A_674 = arith.mulf %mul3A_673, %bitcast3A_670 : vector<16xf32>
        %mul3A_675 = arith.mulf %mul3A_674, %bitcast3A_670 : vector<16xf32>
        %sub3A_676 = arith.constant 1.500000e+00 : f32
        %sub3A_677 = vector.broadcast %sub3A_676 : f32 to vector<16xf32>
        %sub3A_678 = arith.subf %sub3A_677, %mul3A_675 : vector<16xf32>
        %mul3A_679 = arith.mulf %bitcast3A_670, %sub3A_678 : vector<16xf32>
        %mul3A_680 = arith.constant 5.000000e-01 : f32
        %mul3A_681 = vector.broadcast %mul3A_680 : f32 to vector<16xf32>
        %mul3A_682 = arith.mulf %mul3A_681, %add3A_664 : vector<16xf32>
        %mul3A_683 = arith.mulf %mul3A_682, %mul3A_679 : vector<16xf32>
        %mul3A_684 = arith.mulf %mul3A_683, %mul3A_679 : vector<16xf32>
        %sub3A_685 = arith.constant 1.500000e+00 : f32
        %sub3A_686 = vector.broadcast %sub3A_685 : f32 to vector<16xf32>
        %sub3A_687 = arith.subf %sub3A_686, %mul3A_684 : vector<16xf32>
        %mul3A_688 = arith.mulf %mul3A_679, %sub3A_687 : vector<16xf32>
        %mul3A_689 = arith.constant 5.000000e-01 : f32
        %mul3A_690 = vector.broadcast %mul3A_689 : f32 to vector<16xf32>
        %mul3A_691 = arith.mulf %mul3A_690, %add3A_664 : vector<16xf32>
        %mul3A_692 = arith.mulf %mul3A_691, %mul3A_688 : vector<16xf32>
        %mul3A_693 = arith.mulf %mul3A_692, %mul3A_688 : vector<16xf32>
        %sub3A_694 = arith.constant 1.500000e+00 : f32
        %sub3A_695 = vector.broadcast %sub3A_694 : f32 to vector<16xf32>
        %sub3A_696 = arith.subf %sub3A_695, %mul3A_693 : vector<16xf32>
        %mul3A_697 = arith.mulf %mul3A_688, %sub3A_696 : vector<16xf32>
        %mul3A_698 = arith.mulf %add3A_664, %mul3A_697 : vector<16xf32>
        %min3A = arith.minimumf %mul3A_698, %mul3A_656 : vector<16xf32>
        %max3A = arith.maximumf %mul3A_698, %mul3A_656 : vector<16xf32>
        %bitcast3A_699 = vector.bitcast %max3A : vector<16xf32> to vector<16xi32>
        %sub3A_700 = arith.constant 2129859011 : i32
        %sub3A_701 = vector.broadcast %sub3A_700 : i32 to vector<16xi32>
        %sub3A_702 = arith.subi %sub3A_701, %bitcast3A_699 : vector<16xi32>
        %bitcast3A_703 = vector.bitcast %sub3A_702 : vector<16xi32> to vector<16xf32>
        %mul3A_704 = arith.mulf %max3A, %bitcast3A_703 : vector<16xf32>
        %sub3A_705 = arith.constant 2.000000e+00 : f32
        %sub3A_706 = vector.broadcast %sub3A_705 : f32 to vector<16xf32>
        %sub3A_707 = arith.subf %sub3A_706, %mul3A_704 : vector<16xf32>
        %mul3A_708 = arith.mulf %bitcast3A_703, %sub3A_707 : vector<16xf32>
        %mul3A_709 = arith.mulf %max3A, %mul3A_708 : vector<16xf32>
        %sub3A_710 = arith.constant 2.000000e+00 : f32
        %sub3A_711 = vector.broadcast %sub3A_710 : f32 to vector<16xf32>
        %sub3A_712 = arith.subf %sub3A_711, %mul3A_709 : vector<16xf32>
        %mul3A_713 = arith.mulf %mul3A_708, %sub3A_712 : vector<16xf32>
        %mul3A_714 = arith.mulf %max3A, %mul3A_713 : vector<16xf32>
        %sub3A_715 = arith.constant 2.000000e+00 : f32
        %sub3A_716 = vector.broadcast %sub3A_715 : f32 to vector<16xf32>
        %sub3A_717 = arith.subf %sub3A_716, %mul3A_714 : vector<16xf32>
        %mul3A_718 = arith.mulf %mul3A_713, %sub3A_717 : vector<16xf32>
        %mul3A_719 = arith.mulf %min3A, %mul3A_718 : vector<16xf32>
        %mul3A_720 = arith.mulf %mul3A_719, %mul3A_719 : vector<16xf32>
        %mul3A_721 = arith.constant 0.00293264654 : f32
        %mul3A_722 = vector.broadcast %mul3A_721 : f32 to vector<16xf32>
        %mul3A_723 = arith.mulf %mul3A_722, %mul3A_720 : vector<16xf32>
        %add3A_724 = arith.constant -0.0164127741 : f32
        %add3A_725 = vector.broadcast %add3A_724 : f32 to vector<16xf32>
        %add3A_726 = arith.addf %mul3A_723, %add3A_725 : vector<16xf32>
        %mul3A_727 = arith.mulf %add3A_726, %mul3A_720 : vector<16xf32>
        %add3A_728 = arith.constant 0.0432776436 : f32
        %add3A_729 = vector.broadcast %add3A_728 : f32 to vector<16xf32>
        %add3A_730 = arith.addf %mul3A_727, %add3A_729 : vector<16xf32>
        %mul3A_731 = arith.mulf %add3A_730, %mul3A_720 : vector<16xf32>
        %add3A_732 = arith.constant -0.0755685642 : f32
        %add3A_733 = vector.broadcast %add3A_732 : f32 to vector<16xf32>
        %add3A_734 = arith.addf %mul3A_731, %add3A_733 : vector<16xf32>
        %mul3A_735 = arith.mulf %add3A_734, %mul3A_720 : vector<16xf32>
        %add3A_736 = arith.constant 0.106674701 : f32
        %add3A_737 = vector.broadcast %add3A_736 : f32 to vector<16xf32>
        %add3A_738 = arith.addf %mul3A_735, %add3A_737 : vector<16xf32>
        %mul3A_739 = arith.mulf %add3A_738, %mul3A_720 : vector<16xf32>
        %add3A_740 = arith.constant -0.142111033 : f32
        %add3A_741 = vector.broadcast %add3A_740 : f32 to vector<16xf32>
        %add3A_742 = arith.addf %mul3A_739, %add3A_741 : vector<16xf32>
        %mul3A_743 = arith.mulf %add3A_742, %mul3A_720 : vector<16xf32>
        %add3A_744 = arith.constant 0.199936941 : f32
        %add3A_745 = vector.broadcast %add3A_744 : f32 to vector<16xf32>
        %add3A_746 = arith.addf %mul3A_743, %add3A_745 : vector<16xf32>
        %mul3A_747 = arith.mulf %add3A_746, %mul3A_720 : vector<16xf32>
        %add3A_748 = arith.constant -0.333331376 : f32
        %add3A_749 = vector.broadcast %add3A_748 : f32 to vector<16xf32>
        %add3A_750 = arith.addf %mul3A_747, %add3A_749 : vector<16xf32>
        %mul3A_751 = arith.mulf %add3A_750, %mul3A_720 : vector<16xf32>
        %add3A_752 = arith.constant 1.000000e+00 : f32
        %add3A_753 = vector.broadcast %add3A_752 : f32 to vector<16xf32>
        %add3A_754 = arith.addf %mul3A_751, %add3A_753 : vector<16xf32>
        %mul3A_755 = arith.mulf %add3A_754, %mul3A_719 : vector<16xf32>
        %gt3A = arith.cmpf ogt, %mul3A_698, %mul3A_656 : vector<16xf32>
        %sub3A_756 = arith.constant 1.57079637 : f32
        %sub3A_757 = vector.broadcast %sub3A_756 : f32 to vector<16xf32>
        %sub3A_758 = arith.subf %sub3A_757, %mul3A_755 : vector<16xf32>
        %select_n3A_759 = arith.select %gt3A, %sub3A_758, %mul3A_755 : vector<16xi1>, vector<16xf32>
        %mul3A_760 = arith.constant 2.000000e+00 : f32
        %mul3A_761 = vector.broadcast %mul3A_760 : f32 to vector<16xf32>
        %mul3A_762 = arith.mulf %mul3A_761, %select_n3A_759 : vector<16xf32>
        %lt3A_763 = arith.constant 1.000000e-07 : f32
        %lt3A_764 = vector.broadcast %lt3A_763 : f32 to vector<16xf32>
        %lt3A_765 = arith.cmpf olt, %mul3A_698, %lt3A_764 : vector<16xf32>
        %mul3A_766 = arith.mulf %mul3A_762, %mul3A_697 : vector<16xf32>
        %jit3A_767 = arith.constant 2.000000e+00 : f32
        %broadcast_in_dim3A_768 = vector.broadcast %jit3A_767 : f32 to vector<16xf32>
        %select_n3A_769 = arith.select %lt3A_765, %broadcast_in_dim3A_768, %mul3A_766 : vector<16xi1>, vector<16xf32>
        %mul3A_770 = arith.mulf %mul3A_653, %select_n3A_769 : vector<16xf32>
        %mul3A_771 = arith.mulf %mul3A_654, %select_n3A_769 : vector<16xf32>
        %mul3A_772 = arith.mulf %mul3A_655, %select_n3A_769 : vector<16xf32>
        %mul3A_773 = arith.mulf %mul3A_770, %mul3A_770 : vector<16xf32>
        %mul3A_774 = arith.mulf %mul3A_771, %mul3A_771 : vector<16xf32>
        %add3A_775 = arith.addf %mul3A_773, %mul3A_774 : vector<16xf32>
        %mul3A_776 = arith.mulf %mul3A_772, %mul3A_772 : vector<16xf32>
        %add3A_777 = arith.addf %add3A_775, %mul3A_776 : vector<16xf32>
        %lt3A_778 = arith.constant 9.99999997E-7 : f32
        %lt3A_779 = vector.broadcast %lt3A_778 : f32 to vector<16xf32>
        %lt3A_780 = arith.cmpf olt, %mul3A_762, %lt3A_779 : vector<16xf32>
        %jit3A_781 = arith.constant 1.000000e+00 : f32
        %broadcast_in_dim3A_782 = vector.broadcast %jit3A_781 : f32 to vector<16xf32>
        %select_n3A_783 = arith.select %lt3A_780, %broadcast_in_dim3A_782, %mul3A_762 : vector<16xi1>, vector<16xf32>
        %bitcast3A_784 = vector.bitcast %select_n3A_783 : vector<16xf32> to vector<16xi32>
        %sub3A_785 = arith.constant 2129859011 : i32
        %sub3A_786 = vector.broadcast %sub3A_785 : i32 to vector<16xi32>
        %sub3A_787 = arith.subi %sub3A_786, %bitcast3A_784 : vector<16xi32>
        %bitcast3A_788 = vector.bitcast %sub3A_787 : vector<16xi32> to vector<16xf32>
        %mul3A_789 = arith.mulf %select_n3A_783, %bitcast3A_788 : vector<16xf32>
        %sub3A_790 = arith.constant 2.000000e+00 : f32
        %sub3A_791 = vector.broadcast %sub3A_790 : f32 to vector<16xf32>
        %sub3A_792 = arith.subf %sub3A_791, %mul3A_789 : vector<16xf32>
        %mul3A_793 = arith.mulf %bitcast3A_788, %sub3A_792 : vector<16xf32>
        %mul3A_794 = arith.mulf %select_n3A_783, %mul3A_793 : vector<16xf32>
        %sub3A_795 = arith.constant 2.000000e+00 : f32
        %sub3A_796 = vector.broadcast %sub3A_795 : f32 to vector<16xf32>
        %sub3A_797 = arith.subf %sub3A_796, %mul3A_794 : vector<16xf32>
        %mul3A_798 = arith.mulf %mul3A_793, %sub3A_797 : vector<16xf32>
        %mul3A_799 = arith.mulf %select_n3A_783, %mul3A_798 : vector<16xf32>
        %sub3A_800 = arith.constant 2.000000e+00 : f32
        %sub3A_801 = vector.broadcast %sub3A_800 : f32 to vector<16xf32>
        %sub3A_802 = arith.subf %sub3A_801, %mul3A_799 : vector<16xf32>
        %mul3A_803 = arith.mulf %mul3A_798, %sub3A_802 : vector<16xf32>
        %mul3A_804 = arith.mulf %mul3A_803, %mul3A_803 : vector<16xf32>
        %mul3A_805 = arith.constant 5.000000e-01 : f32
        %mul3A_806 = vector.broadcast %mul3A_805 : f32 to vector<16xf32>
        %mul3A_807 = arith.mulf %mul3A_806, %mul3A_656 : vector<16xf32>
        %mul3A_808 = arith.mulf %mul3A_807, %mul3A_697 : vector<16xf32>
        %mul3A_809 = arith.mulf %mul3A_808, %mul3A_803 : vector<16xf32>
        %sub3A_810 = arith.subf %mul3A_804, %mul3A_809 : vector<16xf32>
        %jit3A_811 = arith.constant 0.0833333358 : f32
        %broadcast_in_dim3A_812 = vector.broadcast %jit3A_811 : f32 to vector<16xf32>
        %select_n3A_813 = arith.select %lt3A_780, %broadcast_in_dim3A_812, %sub3A_810 : vector<16xi1>, vector<16xf32>
        %mul3A_814 = arith.mulf %mul3A_770, %add3A_576 : vector<16xf32>
        %mul3A_815 = arith.mulf %mul3A_771, %add3A_582 : vector<16xf32>
        %add3A_816 = arith.addf %mul3A_814, %mul3A_815 : vector<16xf32>
        %mul3A_817 = arith.mulf %mul3A_772, %add3A_588 : vector<16xf32>
        %add3A_818 = arith.addf %add3A_816, %mul3A_817 : vector<16xf32>
        %mul3A_819 = arith.mulf %select_n3A_813, %add3A_777 : vector<16xf32>
        %sub3A_820 = arith.constant 1.000000e+00 : f32
        %sub3A_821 = vector.broadcast %sub3A_820 : f32 to vector<16xf32>
        %sub3A_822 = arith.subf %sub3A_821, %mul3A_819 : vector<16xf32>
        %mul3A_823 = arith.mulf %mul3A_771, %add3A_588 : vector<16xf32>
        %mul3A_824 = arith.mulf %mul3A_772, %add3A_582 : vector<16xf32>
        %sub3A_825 = arith.subf %mul3A_823, %mul3A_824 : vector<16xf32>
        %mul3A_826 = arith.mulf %mul3A_772, %add3A_576 : vector<16xf32>
        %mul3A_827 = arith.mulf %mul3A_770, %add3A_588 : vector<16xf32>
        %sub3A_828 = arith.subf %mul3A_826, %mul3A_827 : vector<16xf32>
        %mul3A_829 = arith.mulf %mul3A_770, %add3A_582 : vector<16xf32>
        %mul3A_830 = arith.mulf %mul3A_771, %add3A_576 : vector<16xf32>
        %sub3A_831 = arith.subf %mul3A_829, %mul3A_830 : vector<16xf32>
        %mul3A_832 = arith.mulf %select_n3A_813, %add3A_818 : vector<16xf32>
        %mul3A_833 = arith.mulf %add3A_576, %sub3A_822 : vector<16xf32>
        %mul3A_834 = arith.constant 5.000000e-01 : f32
        %mul3A_835 = vector.broadcast %mul3A_834 : f32 to vector<16xf32>
        %mul3A_836 = arith.mulf %mul3A_835, %sub3A_825 : vector<16xf32>
        %sub3A_837 = arith.subf %mul3A_833, %mul3A_836 : vector<16xf32>
        %mul3A_838 = arith.mulf %mul3A_832, %mul3A_770 : vector<16xf32>
        %add3A_839 = arith.addf %sub3A_837, %mul3A_838 : vector<16xf32>
        %mul3A_840 = arith.mulf %add3A_582, %sub3A_822 : vector<16xf32>
        %mul3A_841 = arith.constant 5.000000e-01 : f32
        %mul3A_842 = vector.broadcast %mul3A_841 : f32 to vector<16xf32>
        %mul3A_843 = arith.mulf %mul3A_842, %sub3A_828 : vector<16xf32>
        %sub3A_844 = arith.subf %mul3A_840, %mul3A_843 : vector<16xf32>
        %mul3A_845 = arith.mulf %mul3A_832, %mul3A_771 : vector<16xf32>
        %add3A_846 = arith.addf %sub3A_844, %mul3A_845 : vector<16xf32>
        %mul3A_847 = arith.mulf %add3A_588, %sub3A_822 : vector<16xf32>
        %mul3A_848 = arith.constant 5.000000e-01 : f32
        %mul3A_849 = vector.broadcast %mul3A_848 : f32 to vector<16xf32>
        %mul3A_850 = arith.mulf %mul3A_849, %sub3A_831 : vector<16xf32>
        %sub3A_851 = arith.subf %mul3A_847, %mul3A_850 : vector<16xf32>
        %mul3A_852 = arith.mulf %mul3A_832, %mul3A_772 : vector<16xf32>
        %add3A_853 = arith.addf %sub3A_851, %mul3A_852 : vector<16xf32>
        %add3A_854 = arith.constant 0 : i32
        %add3A_855 = arith.addi %add3A_854, %mul3A_442 : i32
        %swap3A = arith.index_cast %select_n3A : i32 to index
        %swap3A_856 = arith.index_cast %add3A_855 : i32 to index
        %swap3A_857 = tpu.vector_load %arg11[%swap3A, %swap3A_856] {strides = array<i32>} : memref<4x1024xf32, #tpu.memory_space<vmem>>, vector<16xf32>,
        tpu.vector_store %arg11[%swap3A, %swap3A_856], %add3A_839 {strides = array<i32>} : memref<4x1024xf32, #tpu.memory_space<vmem>>, vector<16xf32>,
        %add3A_858 = arith.constant 128 : i32
        %add3A_859 = arith.addi %add3A_858, %mul3A_442 : i32
        %swap3A_860 = arith.index_cast %select_n3A : i32 to index
        %swap3A_861 = arith.index_cast %add3A_859 : i32 to index
        %swap3A_862 = tpu.vector_load %arg11[%swap3A_860, %swap3A_861] {strides = array<i32>} : memref<4x1024xf32, #tpu.memory_space<vmem>>, vector<16xf32>,
        tpu.vector_store %arg11[%swap3A_860, %swap3A_861], %add3A_846 {strides = array<i32>} : memref<4x1024xf32, #tpu.memory_space<vmem>>, vector<16xf32>,
        %add3A_863 = arith.constant 256 : i32
        %add3A_864 = arith.addi %add3A_863, %mul3A_442 : i32
        %swap3A_865 = arith.index_cast %select_n3A : i32 to index
        %swap3A_866 = arith.index_cast %add3A_864 : i32 to index
        %swap3A_867 = tpu.vector_load %arg11[%swap3A_865, %swap3A_866] {strides = array<i32>} : memref<4x1024xf32, #tpu.memory_space<vmem>>, vector<16xf32>,
        tpu.vector_store %arg11[%swap3A_865, %swap3A_866], %add3A_853 {strides = array<i32>} : memref<4x1024xf32, #tpu.memory_space<vmem>>, vector<16xf32>,
        %add3A_868 = arith.constant 384 : i32
        %add3A_869 = arith.addi %add3A_868, %mul3A_442 : i32
        %swap3A_870 = arith.index_cast %select_n3A : i32 to index
        %swap3A_871 = arith.index_cast %add3A_869 : i32 to index
        %swap3A_872 = tpu.vector_load %arg11[%swap3A_870, %swap3A_871] {strides = array<i32>} : memref<4x1024xf32, #tpu.memory_space<vmem>>, vector<16xf32>,
        tpu.vector_store %arg11[%swap3A_870, %swap3A_871], %mul3A_770 {strides = array<i32>} : memref<4x1024xf32, #tpu.memory_space<vmem>>, vector<16xf32>,
        %add3A_873 = arith.constant 512 : i32
        %add3A_874 = arith.addi %add3A_873, %mul3A_442 : i32
        %swap3A_875 = arith.index_cast %select_n3A : i32 to index
        %swap3A_876 = arith.index_cast %add3A_874 : i32 to index
        %swap3A_877 = tpu.vector_load %arg11[%swap3A_875, %swap3A_876] {strides = array<i32>} : memref<4x1024xf32, #tpu.memory_space<vmem>>, vector<16xf32>,
        tpu.vector_store %arg11[%swap3A_875, %swap3A_876], %mul3A_771 {strides = array<i32>} : memref<4x1024xf32, #tpu.memory_space<vmem>>, vector<16xf32>,
        %add3A_878 = arith.constant 640 : i32
        %add3A_879 = arith.addi %add3A_878, %mul3A_442 : i32
        %swap3A_880 = arith.index_cast %select_n3A : i32 to index
        %swap3A_881 = arith.index_cast %add3A_879 : i32 to index
        %swap3A_882 = tpu.vector_load %arg11[%swap3A_880, %swap3A_881] {strides = array<i32>} : memref<4x1024xf32, #tpu.memory_space<vmem>>, vector<16xf32>,
        tpu.vector_store %arg11[%swap3A_880, %swap3A_881], %mul3A_772 {strides = array<i32>} : memref<4x1024xf32, #tpu.memory_space<vmem>>, vector<16xf32>,
      }
      %scan3A_396 = arith.constant 32 : i32
      %mul3A_397 = arith.constant 4 : i32
      %mul3A_398 = arith.muli %add3A_299, %mul3A_397 : i32
      "tpu.region"() ({
        %run_scoped3A = tpu.sem_alloc : memref<!tpu.dma_semaphore, #tpu.memory_space<semaphore_mem>>
        %dma_start3A_409 = arith.constant 0 : i32
        %dma_start3A_410 = tpu.memref_slice %arg5[%mul3A_398, %dma_start3A_409] : memref<12500x1024xf32, #tpu.memory_space<hbm>> -> memref<4x1024xf32, #tpu.memory_space<hbm>>
        %dma_start3A_411 = arith.constant 0 : i32
        %dma_start3A_412 = tpu.memref_slice %arg5[%mul3A_398, %dma_start3A_411] : memref<12500x1024xf32, #tpu.memory_space<hbm>> -> memref<4x1024xf32, #tpu.memory_space<hbm>>
        tpu.enqueue_dma source(%arg11 : memref<4x1024xf32, #tpu.memory_space<vmem>>) target(%dma_start3A_412 : memref<4x1024xf32, #tpu.memory_space<hbm>>) target_semaphore(%run_scoped3A : memref<!tpu.dma_semaphore, #tpu.memory_space<semaphore_mem>>)
        %dma_wait3A_413 = arith.constant 0 : i32
        %dma_wait3A_414 = tpu.memref_slice %arg5[%mul3A_398, %dma_wait3A_413] : memref<12500x1024xf32, #tpu.memory_space<hbm>> -> memref<4x1024xf32, #tpu.memory_space<hbm>>
        %dma_wait3A_415 = arith.constant 0 : i32
        %dma_wait3A_416 = tpu.memref_slice %arg5[%mul3A_398, %dma_wait3A_415] : memref<12500x1024xf32, #tpu.memory_space<hbm>> -> memref<4x1024xf32, #tpu.memory_space<hbm>>
        tpu.wait_dma2 semaphore(%run_scoped3A : memref<!tpu.dma_semaphore, #tpu.memory_space<semaphore_mem>>) src(%arg11 : memref<4x1024xf32, #tpu.memory_space<vmem>>) dst(%dma_wait3A_416 : memref<4x1024xf32, #tpu.memory_space<hbm>>)
        tpu.yield
      }) : () -> ()
      %lt3A_399 = arith.constant 3125 : i32
      %lt3A_400 = arith.cmpi slt, %add3A_303, %lt3A_399 : i32
      %convert_element_type3A_401 = arith.extui %lt3A_400 : i1 to i32
      %cond3A_402 = arith.constant 0 : i32
      %cond3A_403 = arith.cmpi ne, %convert_element_type3A_401, %cond3A_402 : i32
      scf.if %cond3A_403 {
        %mul3A_409 = arith.constant 512 : i32
        %mul3A_410 = arith.muli %add3A_303, %mul3A_409 : i32
        %mul3A_411 = arith.constant 2 : i32
        %mul3A_412 = arith.muli %mul3A_410, %mul3A_411 : i32
        %add3A_413 = arith.constant 0 : i32
        %add3A_414 = arith.addi %mul3A_412, %add3A_413 : i32
        %dma_start3A_415 = arith.constant 0 : i32
        %dma_start3A_416 = arith.constant 0 : i32
        %dma_start3A_417 = tpu.memref_slice %arg6[%dma_start3A_415, %dma_start3A_416] : memref<4x128xi32, #tpu.memory_space<vmem>> -> memref<1x128xi32, #tpu.memory_space<vmem>>
        %dma_start3A_418 = tpu.memref_squeeze %dma_start3A_417 : memref<1x128xi32, #tpu.memory_space<vmem>> -> memref<128xi32, #tpu.memory_space<vmem>>
        %dma_start3A_419 = tpu.memref_slice %arg2[%add3A_414] : memref<3200000xi32, #tpu.memory_space<hbm>> -> memref<128xi32, #tpu.memory_space<hbm>>
        %dma_start3A_420 = arith.constant 0 : i32
        %dma_start3A_421 = tpu.memref_slice %arg6[%dma_start3A_415, %dma_start3A_420] : memref<4x128xi32, #tpu.memory_space<vmem>> -> memref<1x128xi32, #tpu.memory_space<vmem>>
        %dma_start3A_422 = tpu.memref_squeeze %dma_start3A_421 : memref<1x128xi32, #tpu.memory_space<vmem>> -> memref<128xi32, #tpu.memory_space<vmem>>
        %dma_start3A_423 = tpu.memref_slice %arg2[%add3A_414] : memref<3200000xi32, #tpu.memory_space<hbm>> -> memref<128xi32, #tpu.memory_space<hbm>>
        tpu.enqueue_dma source(%dma_start3A_423 : memref<128xi32, #tpu.memory_space<hbm>>) target(%dma_start3A_422 : memref<128xi32, #tpu.memory_space<vmem>>) target_semaphore(%arg12 : memref<!tpu.dma_semaphore, #tpu.memory_space<semaphore_mem>>)
        %mul3A_424 = arith.constant 512 : i32
        %mul3A_425 = arith.muli %add3A_303, %mul3A_424 : i32
        %mul3A_426 = arith.constant 2 : i32
        %mul3A_427 = arith.muli %mul3A_425, %mul3A_426 : i32
        %add3A_428 = arith.constant 128 : i32
        %add3A_429 = arith.addi %mul3A_427, %add3A_428 : i32
        %dma_start3A_430 = arith.constant 0 : i32
        %dma_start3A_431 = arith.constant 0 : i32
        %dma_start3A_432 = tpu.memref_slice %arg7[%dma_start3A_430, %dma_start3A_431] : memref<4x128xi32, #tpu.memory_space<vmem>> -> memref<1x128xi32, #tpu.memory_space<vmem>>
        %dma_start3A_433 = tpu.memref_squeeze %dma_start3A_432 : memref<1x128xi32, #tpu.memory_space<vmem>> -> memref<128xi32, #tpu.memory_space<vmem>>
        %dma_start3A_434 = tpu.memref_slice %arg2[%add3A_429] : memref<3200000xi32, #tpu.memory_space<hbm>> -> memref<128xi32, #tpu.memory_space<hbm>>
        %dma_start3A_435 = arith.constant 0 : i32
        %dma_start3A_436 = tpu.memref_slice %arg7[%dma_start3A_430, %dma_start3A_435] : memref<4x128xi32, #tpu.memory_space<vmem>> -> memref<1x128xi32, #tpu.memory_space<vmem>>
        %dma_start3A_437 = tpu.memref_squeeze %dma_start3A_436 : memref<1x128xi32, #tpu.memory_space<vmem>> -> memref<128xi32, #tpu.memory_space<vmem>>
        %dma_start3A_438 = tpu.memref_slice %arg2[%add3A_429] : memref<3200000xi32, #tpu.memory_space<hbm>> -> memref<128xi32, #tpu.memory_space<hbm>>
        tpu.enqueue_dma source(%dma_start3A_438 : memref<128xi32, #tpu.memory_space<hbm>>) target(%dma_start3A_437 : memref<128xi32, #tpu.memory_space<vmem>>) target_semaphore(%arg12 : memref<!tpu.dma_semaphore, #tpu.memory_space<semaphore_mem>>)
        %mul3A_439 = arith.constant 512 : i32
        %mul3A_440 = arith.muli %add3A_303, %mul3A_439 : i32
        %mul3A_441 = arith.constant 2 : i32
        %mul3A_442 = arith.muli %mul3A_440, %mul3A_441 : i32
        %add3A_443 = arith.constant 256 : i32
        %add3A_444 = arith.addi %mul3A_442, %add3A_443 : i32
        %dma_start3A_445 = arith.constant 1 : i32
        %dma_start3A_446 = arith.constant 0 : i32
        %dma_start3A_447 = tpu.memref_slice %arg6[%dma_start3A_445, %dma_start3A_446] : memref<4x128xi32, #tpu.memory_space<vmem>> -> memref<1x128xi32, #tpu.memory_space<vmem>>
        %dma_start3A_448 = tpu.memref_squeeze %dma_start3A_447 : memref<1x128xi32, #tpu.memory_space<vmem>> -> memref<128xi32, #tpu.memory_space<vmem>>
        %dma_start3A_449 = tpu.memref_slice %arg2[%add3A_444] : memref<3200000xi32, #tpu.memory_space<hbm>> -> memref<128xi32, #tpu.memory_space<hbm>>
        %dma_start3A_450 = arith.constant 0 : i32
        %dma_start3A_451 = tpu.memref_slice %arg6[%dma_start3A_445, %dma_start3A_450] : memref<4x128xi32, #tpu.memory_space<vmem>> -> memref<1x128xi32, #tpu.memory_space<vmem>>
        %dma_start3A_452 = tpu.memref_squeeze %dma_start3A_451 : memref<1x128xi32, #tpu.memory_space<vmem>> -> memref<128xi32, #tpu.memory_space<vmem>>
        %dma_start3A_453 = tpu.memref_slice %arg2[%add3A_444] : memref<3200000xi32, #tpu.memory_space<hbm>> -> memref<128xi32, #tpu.memory_space<hbm>>
        tpu.enqueue_dma source(%dma_start3A_453 : memref<128xi32, #tpu.memory_space<hbm>>) target(%dma_start3A_452 : memref<128xi32, #tpu.memory_space<vmem>>) target_semaphore(%arg12 : memref<!tpu.dma_semaphore, #tpu.memory_space<semaphore_mem>>)
        %mul3A_454 = arith.constant 512 : i32
        %mul3A_455 = arith.muli %add3A_303, %mul3A_454 : i32
        %mul3A_456 = arith.constant 2 : i32
        %mul3A_457 = arith.muli %mul3A_455, %mul3A_456 : i32
        %add3A_458 = arith.constant 384 : i32
        %add3A_459 = arith.addi %mul3A_457, %add3A_458 : i32
        %dma_start3A_460 = arith.constant 1 : i32
        %dma_start3A_461 = arith.constant 0 : i32
        %dma_start3A_462 = tpu.memref_slice %arg7[%dma_start3A_460, %dma_start3A_461] : memref<4x128xi32, #tpu.memory_space<vmem>> -> memref<1x128xi32, #tpu.memory_space<vmem>>
        %dma_start3A_463 = tpu.memref_squeeze %dma_start3A_462 : memref<1x128xi32, #tpu.memory_space<vmem>> -> memref<128xi32, #tpu.memory_space<vmem>>
        %dma_start3A_464 = tpu.memref_slice %arg2[%add3A_459] : memref<3200000xi32, #tpu.memory_space<hbm>> -> memref<128xi32, #tpu.memory_space<hbm>>
        %dma_start3A_465 = arith.constant 0 : i32
        %dma_start3A_466 = tpu.memref_slice %arg7[%dma_start3A_460, %dma_start3A_465] : memref<4x128xi32, #tpu.memory_space<vmem>> -> memref<1x128xi32, #tpu.memory_space<vmem>>
        %dma_start3A_467 = tpu.memref_squeeze %dma_start3A_466 : memref<1x128xi32, #tpu.memory_space<vmem>> -> memref<128xi32, #tpu.memory_space<vmem>>
        %dma_start3A_468 = tpu.memref_slice %arg2[%add3A_459] : memref<3200000xi32, #tpu.memory_space<hbm>> -> memref<128xi32, #tpu.memory_space<hbm>>
        tpu.enqueue_dma source(%dma_start3A_468 : memref<128xi32, #tpu.memory_space<hbm>>) target(%dma_start3A_467 : memref<128xi32, #tpu.memory_space<vmem>>) target_semaphore(%arg12 : memref<!tpu.dma_semaphore, #tpu.memory_space<semaphore_mem>>)
        %mul3A_469 = arith.constant 512 : i32
        %mul3A_470 = arith.muli %add3A_303, %mul3A_469 : i32
        %mul3A_471 = arith.constant 2 : i32
        %mul3A_472 = arith.muli %mul3A_470, %mul3A_471 : i32
        %add3A_473 = arith.constant 512 : i32
        %add3A_474 = arith.addi %mul3A_472, %add3A_473 : i32
        %dma_start3A_475 = arith.constant 2 : i32
        %dma_start3A_476 = arith.constant 0 : i32
        %dma_start3A_477 = tpu.memref_slice %arg6[%dma_start3A_475, %dma_start3A_476] : memref<4x128xi32, #tpu.memory_space<vmem>> -> memref<1x128xi32, #tpu.memory_space<vmem>>
        %dma_start3A_478 = tpu.memref_squeeze %dma_start3A_477 : memref<1x128xi32, #tpu.memory_space<vmem>> -> memref<128xi32, #tpu.memory_space<vmem>>
        %dma_start3A_479 = tpu.memref_slice %arg2[%add3A_474] : memref<3200000xi32, #tpu.memory_space<hbm>> -> memref<128xi32, #tpu.memory_space<hbm>>
        %dma_start3A_480 = arith.constant 0 : i32
        %dma_start3A_481 = tpu.memref_slice %arg6[%dma_start3A_475, %dma_start3A_480] : memref<4x128xi32, #tpu.memory_space<vmem>> -> memref<1x128xi32, #tpu.memory_space<vmem>>
        %dma_start3A_482 = tpu.memref_squeeze %dma_start3A_481 : memref<1x128xi32, #tpu.memory_space<vmem>> -> memref<128xi32, #tpu.memory_space<vmem>>
        %dma_start3A_483 = tpu.memref_slice %arg2[%add3A_474] : memref<3200000xi32, #tpu.memory_space<hbm>> -> memref<128xi32, #tpu.memory_space<hbm>>
        tpu.enqueue_dma source(%dma_start3A_483 : memref<128xi32, #tpu.memory_space<hbm>>) target(%dma_start3A_482 : memref<128xi32, #tpu.memory_space<vmem>>) target_semaphore(%arg12 : memref<!tpu.dma_semaphore, #tpu.memory_space<semaphore_mem>>)
        %mul3A_484 = arith.constant 512 : i32
        %mul3A_485 = arith.muli %add3A_303, %mul3A_484 : i32
        %mul3A_486 = arith.constant 2 : i32
        %mul3A_487 = arith.muli %mul3A_485, %mul3A_486 : i32
        %add3A_488 = arith.constant 640 : i32
        %add3A_489 = arith.addi %mul3A_487, %add3A_488 : i32
        %dma_start3A_490 = arith.constant 2 : i32
        %dma_start3A_491 = arith.constant 0 : i32
        %dma_start3A_492 = tpu.memref_slice %arg7[%dma_start3A_490, %dma_start3A_491] : memref<4x128xi32, #tpu.memory_space<vmem>> -> memref<1x128xi32, #tpu.memory_space<vmem>>
        %dma_start3A_493 = tpu.memref_squeeze %dma_start3A_492 : memref<1x128xi32, #tpu.memory_space<vmem>> -> memref<128xi32, #tpu.memory_space<vmem>>
        %dma_start3A_494 = tpu.memref_slice %arg2[%add3A_489] : memref<3200000xi32, #tpu.memory_space<hbm>> -> memref<128xi32, #tpu.memory_space<hbm>>
        %dma_start3A_495 = arith.constant 0 : i32
        %dma_start3A_496 = tpu.memref_slice %arg7[%dma_start3A_490, %dma_start3A_495] : memref<4x128xi32, #tpu.memory_space<vmem>> -> memref<1x128xi32, #tpu.memory_space<vmem>>
        %dma_start3A_497 = tpu.memref_squeeze %dma_start3A_496 : memref<1x128xi32, #tpu.memory_space<vmem>> -> memref<128xi32, #tpu.memory_space<vmem>>
        %dma_start3A_498 = tpu.memref_slice %arg2[%add3A_489] : memref<3200000xi32, #tpu.memory_space<hbm>> -> memref<128xi32, #tpu.memory_space<hbm>>
        tpu.enqueue_dma source(%dma_start3A_498 : memref<128xi32, #tpu.memory_space<hbm>>) target(%dma_start3A_497 : memref<128xi32, #tpu.memory_space<vmem>>) target_semaphore(%arg12 : memref<!tpu.dma_semaphore, #tpu.memory_space<semaphore_mem>>)
        %mul3A_499 = arith.constant 512 : i32
        %mul3A_500 = arith.muli %add3A_303, %mul3A_499 : i32
        %mul3A_501 = arith.constant 2 : i32
        %mul3A_502 = arith.muli %mul3A_500, %mul3A_501 : i32
        %add3A_503 = arith.constant 768 : i32
        %add3A_504 = arith.addi %mul3A_502, %add3A_503 : i32
        %dma_start3A_505 = arith.constant 3 : i32
        %dma_start3A_506 = arith.constant 0 : i32
        %dma_start3A_507 = tpu.memref_slice %arg6[%dma_start3A_505, %dma_start3A_506] : memref<4x128xi32, #tpu.memory_space<vmem>> -> memref<1x128xi32, #tpu.memory_space<vmem>>
        %dma_start3A_508 = tpu.memref_squeeze %dma_start3A_507 : memref<1x128xi32, #tpu.memory_space<vmem>> -> memref<128xi32, #tpu.memory_space<vmem>>
        %dma_start3A_509 = tpu.memref_slice %arg2[%add3A_504] : memref<3200000xi32, #tpu.memory_space<hbm>> -> memref<128xi32, #tpu.memory_space<hbm>>
        %dma_start3A_510 = arith.constant 0 : i32
        %dma_start3A_511 = tpu.memref_slice %arg6[%dma_start3A_505, %dma_start3A_510] : memref<4x128xi32, #tpu.memory_space<vmem>> -> memref<1x128xi32, #tpu.memory_space<vmem>>
        %dma_start3A_512 = tpu.memref_squeeze %dma_start3A_511 : memref<1x128xi32, #tpu.memory_space<vmem>> -> memref<128xi32, #tpu.memory_space<vmem>>
        %dma_start3A_513 = tpu.memref_slice %arg2[%add3A_504] : memref<3200000xi32, #tpu.memory_space<hbm>> -> memref<128xi32, #tpu.memory_space<hbm>>
        tpu.enqueue_dma source(%dma_start3A_513 : memref<128xi32, #tpu.memory_space<hbm>>) target(%dma_start3A_512 : memref<128xi32, #tpu.memory_space<vmem>>) target_semaphore(%arg12 : memref<!tpu.dma_semaphore, #tpu.memory_space<semaphore_mem>>)
        %mul3A_514 = arith.constant 512 : i32
        %mul3A_515 = arith.muli %add3A_303, %mul3A_514 : i32
        %mul3A_516 = arith.constant 2 : i32
        %mul3A_517 = arith.muli %mul3A_515, %mul3A_516 : i32
        %add3A_518 = arith.constant 896 : i32
        %add3A_519 = arith.addi %mul3A_517, %add3A_518 : i32
        %dma_start3A_520 = arith.constant 3 : i32
        %dma_start3A_521 = arith.constant 0 : i32
        %dma_start3A_522 = tpu.memref_slice %arg7[%dma_start3A_520, %dma_start3A_521] : memref<4x128xi32, #tpu.memory_space<vmem>> -> memref<1x128xi32, #tpu.memory_space<vmem>>
        %dma_start3A_523 = tpu.memref_squeeze %dma_start3A_522 : memref<1x128xi32, #tpu.memory_space<vmem>> -> memref<128xi32, #tpu.memory_space<vmem>>
        %dma_start3A_524 = tpu.memref_slice %arg2[%add3A_519] : memref<3200000xi32, #tpu.memory_space<hbm>> -> memref<128xi32, #tpu.memory_space<hbm>>
        %dma_start3A_525 = arith.constant 0 : i32
        %dma_start3A_526 = tpu.memref_slice %arg7[%dma_start3A_520, %dma_start3A_525] : memref<4x128xi32, #tpu.memory_space<vmem>> -> memref<1x128xi32, #tpu.memory_space<vmem>>
        %dma_start3A_527 = tpu.memref_squeeze %dma_start3A_526 : memref<1x128xi32, #tpu.memory_space<vmem>> -> memref<128xi32, #tpu.memory_space<vmem>>
        %dma_start3A_528 = tpu.memref_slice %arg2[%add3A_519] : memref<3200000xi32, #tpu.memory_space<hbm>> -> memref<128xi32, #tpu.memory_space<hbm>>
        tpu.enqueue_dma source(%dma_start3A_528 : memref<128xi32, #tpu.memory_space<hbm>>) target(%dma_start3A_527 : memref<128xi32, #tpu.memory_space<vmem>>) target_semaphore(%arg12 : memref<!tpu.dma_semaphore, #tpu.memory_space<semaphore_mem>>)
        %dma_wait3A_529 = arith.constant 0 : i32
        %dma_wait3A_530 = arith.constant 0 : i32
        %dma_wait3A_531 = tpu.memref_slice %arg6[%dma_wait3A_529, %dma_wait3A_530] : memref<4x128xi32, #tpu.memory_space<vmem>> -> memref<1x128xi32, #tpu.memory_space<vmem>>
        %dma_wait3A_532 = tpu.memref_squeeze %dma_wait3A_531 : memref<1x128xi32, #tpu.memory_space<vmem>> -> memref<128xi32, #tpu.memory_space<vmem>>
        %dma_wait3A_533 = tpu.memref_slice %arg2[%add3A_414] : memref<3200000xi32, #tpu.memory_space<hbm>> -> memref<128xi32, #tpu.memory_space<hbm>>
        %dma_wait3A_534 = arith.constant 0 : i32
        %dma_wait3A_535 = tpu.memref_slice %arg6[%dma_wait3A_529, %dma_wait3A_534] : memref<4x128xi32, #tpu.memory_space<vmem>> -> memref<1x128xi32, #tpu.memory_space<vmem>>
        %dma_wait3A_536 = tpu.memref_squeeze %dma_wait3A_535 : memref<1x128xi32, #tpu.memory_space<vmem>> -> memref<128xi32, #tpu.memory_space<vmem>>
        %dma_wait3A_537 = tpu.memref_slice %arg2[%add3A_414] : memref<3200000xi32, #tpu.memory_space<hbm>> -> memref<128xi32, #tpu.memory_space<hbm>>
        tpu.wait_dma2 semaphore(%arg12 : memref<!tpu.dma_semaphore, #tpu.memory_space<semaphore_mem>>) src(%dma_wait3A_537 : memref<128xi32, #tpu.memory_space<hbm>>) dst(%dma_wait3A_536 : memref<128xi32, #tpu.memory_space<vmem>>)
        %dma_wait3A_538 = arith.constant 0 : i32
        %dma_wait3A_539 = arith.constant 0 : i32
        %dma_wait3A_540 = tpu.memref_slice %arg7[%dma_wait3A_538, %dma_wait3A_539] : memref<4x128xi32, #tpu.memory_space<vmem>> -> memref<1x128xi32, #tpu.memory_space<vmem>>
        %dma_wait3A_541 = tpu.memref_squeeze %dma_wait3A_540 : memref<1x128xi32, #tpu.memory_space<vmem>> -> memref<128xi32, #tpu.memory_space<vmem>>
        %dma_wait3A_542 = tpu.memref_slice %arg2[%add3A_429] : memref<3200000xi32, #tpu.memory_space<hbm>> -> memref<128xi32, #tpu.memory_space<hbm>>
        %dma_wait3A_543 = arith.constant 0 : i32
        %dma_wait3A_544 = tpu.memref_slice %arg7[%dma_wait3A_538, %dma_wait3A_543] : memref<4x128xi32, #tpu.memory_space<vmem>> -> memref<1x128xi32, #tpu.memory_space<vmem>>
        %dma_wait3A_545 = tpu.memref_squeeze %dma_wait3A_544 : memref<1x128xi32, #tpu.memory_space<vmem>> -> memref<128xi32, #tpu.memory_space<vmem>>
        %dma_wait3A_546 = tpu.memref_slice %arg2[%add3A_429] : memref<3200000xi32, #tpu.memory_space<hbm>> -> memref<128xi32, #tpu.memory_space<hbm>>
        tpu.wait_dma2 semaphore(%arg12 : memref<!tpu.dma_semaphore, #tpu.memory_space<semaphore_mem>>) src(%dma_wait3A_546 : memref<128xi32, #tpu.memory_space<hbm>>) dst(%dma_wait3A_545 : memref<128xi32, #tpu.memory_space<vmem>>)
        %dma_wait3A_547 = arith.constant 1 : i32
        %dma_wait3A_548 = arith.constant 0 : i32
        %dma_wait3A_549 = tpu.memref_slice %arg6[%dma_wait3A_547, %dma_wait3A_548] : memref<4x128xi32, #tpu.memory_space<vmem>> -> memref<1x128xi32, #tpu.memory_space<vmem>>
        %dma_wait3A_550 = tpu.memref_squeeze %dma_wait3A_549 : memref<1x128xi32, #tpu.memory_space<vmem>> -> memref<128xi32, #tpu.memory_space<vmem>>
        %dma_wait3A_551 = tpu.memref_slice %arg2[%add3A_444] : memref<3200000xi32, #tpu.memory_space<hbm>> -> memref<128xi32, #tpu.memory_space<hbm>>
        %dma_wait3A_552 = arith.constant 0 : i32
        %dma_wait3A_553 = tpu.memref_slice %arg6[%dma_wait3A_547, %dma_wait3A_552] : memref<4x128xi32, #tpu.memory_space<vmem>> -> memref<1x128xi32, #tpu.memory_space<vmem>>
        %dma_wait3A_554 = tpu.memref_squeeze %dma_wait3A_553 : memref<1x128xi32, #tpu.memory_space<vmem>> -> memref<128xi32, #tpu.memory_space<vmem>>
        %dma_wait3A_555 = tpu.memref_slice %arg2[%add3A_444] : memref<3200000xi32, #tpu.memory_space<hbm>> -> memref<128xi32, #tpu.memory_space<hbm>>
        tpu.wait_dma2 semaphore(%arg12 : memref<!tpu.dma_semaphore, #tpu.memory_space<semaphore_mem>>) src(%dma_wait3A_555 : memref<128xi32, #tpu.memory_space<hbm>>) dst(%dma_wait3A_554 : memref<128xi32, #tpu.memory_space<vmem>>)
        %dma_wait3A_556 = arith.constant 1 : i32
        %dma_wait3A_557 = arith.constant 0 : i32
        %dma_wait3A_558 = tpu.memref_slice %arg7[%dma_wait3A_556, %dma_wait3A_557] : memref<4x128xi32, #tpu.memory_space<vmem>> -> memref<1x128xi32, #tpu.memory_space<vmem>>
        %dma_wait3A_559 = tpu.memref_squeeze %dma_wait3A_558 : memref<1x128xi32, #tpu.memory_space<vmem>> -> memref<128xi32, #tpu.memory_space<vmem>>
        %dma_wait3A_560 = tpu.memref_slice %arg2[%add3A_459] : memref<3200000xi32, #tpu.memory_space<hbm>> -> memref<128xi32, #tpu.memory_space<hbm>>
        %dma_wait3A_561 = arith.constant 0 : i32
        %dma_wait3A_562 = tpu.memref_slice %arg7[%dma_wait3A_556, %dma_wait3A_561] : memref<4x128xi32, #tpu.memory_space<vmem>> -> memref<1x128xi32, #tpu.memory_space<vmem>>
        %dma_wait3A_563 = tpu.memref_squeeze %dma_wait3A_562 : memref<1x128xi32, #tpu.memory_space<vmem>> -> memref<128xi32, #tpu.memory_space<vmem>>
        %dma_wait3A_564 = tpu.memref_slice %arg2[%add3A_459] : memref<3200000xi32, #tpu.memory_space<hbm>> -> memref<128xi32, #tpu.memory_space<hbm>>
        tpu.wait_dma2 semaphore(%arg12 : memref<!tpu.dma_semaphore, #tpu.memory_space<semaphore_mem>>) src(%dma_wait3A_564 : memref<128xi32, #tpu.memory_space<hbm>>) dst(%dma_wait3A_563 : memref<128xi32, #tpu.memory_space<vmem>>)
        %dma_wait3A_565 = arith.constant 2 : i32
        %dma_wait3A_566 = arith.constant 0 : i32
        %dma_wait3A_567 = tpu.memref_slice %arg6[%dma_wait3A_565, %dma_wait3A_566] : memref<4x128xi32, #tpu.memory_space<vmem>> -> memref<1x128xi32, #tpu.memory_space<vmem>>
        %dma_wait3A_568 = tpu.memref_squeeze %dma_wait3A_567 : memref<1x128xi32, #tpu.memory_space<vmem>> -> memref<128xi32, #tpu.memory_space<vmem>>
        %dma_wait3A_569 = tpu.memref_slice %arg2[%add3A_474] : memref<3200000xi32, #tpu.memory_space<hbm>> -> memref<128xi32, #tpu.memory_space<hbm>>
        %dma_wait3A_570 = arith.constant 0 : i32
        %dma_wait3A_571 = tpu.memref_slice %arg6[%dma_wait3A_565, %dma_wait3A_570] : memref<4x128xi32, #tpu.memory_space<vmem>> -> memref<1x128xi32, #tpu.memory_space<vmem>>
        %dma_wait3A_572 = tpu.memref_squeeze %dma_wait3A_571 : memref<1x128xi32, #tpu.memory_space<vmem>> -> memref<128xi32, #tpu.memory_space<vmem>>
        %dma_wait3A_573 = tpu.memref_slice %arg2[%add3A_474] : memref<3200000xi32, #tpu.memory_space<hbm>> -> memref<128xi32, #tpu.memory_space<hbm>>
        tpu.wait_dma2 semaphore(%arg12 : memref<!tpu.dma_semaphore, #tpu.memory_space<semaphore_mem>>) src(%dma_wait3A_573 : memref<128xi32, #tpu.memory_space<hbm>>) dst(%dma_wait3A_572 : memref<128xi32, #tpu.memory_space<vmem>>)
        %dma_wait3A_574 = arith.constant 2 : i32
        %dma_wait3A_575 = arith.constant 0 : i32
        %dma_wait3A_576 = tpu.memref_slice %arg7[%dma_wait3A_574, %dma_wait3A_575] : memref<4x128xi32, #tpu.memory_space<vmem>> -> memref<1x128xi32, #tpu.memory_space<vmem>>
        %dma_wait3A_577 = tpu.memref_squeeze %dma_wait3A_576 : memref<1x128xi32, #tpu.memory_space<vmem>> -> memref<128xi32, #tpu.memory_space<vmem>>
        %dma_wait3A_578 = tpu.memref_slice %arg2[%add3A_489] : memref<3200000xi32, #tpu.memory_space<hbm>> -> memref<128xi32, #tpu.memory_space<hbm>>
        %dma_wait3A_579 = arith.constant 0 : i32
        %dma_wait3A_580 = tpu.memref_slice %arg7[%dma_wait3A_574, %dma_wait3A_579] : memref<4x128xi32, #tpu.memory_space<vmem>> -> memref<1x128xi32, #tpu.memory_space<vmem>>
        %dma_wait3A_581 = tpu.memref_squeeze %dma_wait3A_580 : memref<1x128xi32, #tpu.memory_space<vmem>> -> memref<128xi32, #tpu.memory_space<vmem>>
        %dma_wait3A_582 = tpu.memref_slice %arg2[%add3A_489] : memref<3200000xi32, #tpu.memory_space<hbm>> -> memref<128xi32, #tpu.memory_space<hbm>>
        tpu.wait_dma2 semaphore(%arg12 : memref<!tpu.dma_semaphore, #tpu.memory_space<semaphore_mem>>) src(%dma_wait3A_582 : memref<128xi32, #tpu.memory_space<hbm>>) dst(%dma_wait3A_581 : memref<128xi32, #tpu.memory_space<vmem>>)
        %dma_wait3A_583 = arith.constant 3 : i32
        %dma_wait3A_584 = arith.constant 0 : i32
        %dma_wait3A_585 = tpu.memref_slice %arg6[%dma_wait3A_583, %dma_wait3A_584] : memref<4x128xi32, #tpu.memory_space<vmem>> -> memref<1x128xi32, #tpu.memory_space<vmem>>
        %dma_wait3A_586 = tpu.memref_squeeze %dma_wait3A_585 : memref<1x128xi32, #tpu.memory_space<vmem>> -> memref<128xi32, #tpu.memory_space<vmem>>
        %dma_wait3A_587 = tpu.memref_slice %arg2[%add3A_504] : memref<3200000xi32, #tpu.memory_space<hbm>> -> memref<128xi32, #tpu.memory_space<hbm>>
        %dma_wait3A_588 = arith.constant 0 : i32
        %dma_wait3A_589 = tpu.memref_slice %arg6[%dma_wait3A_583, %dma_wait3A_588] : memref<4x128xi32, #tpu.memory_space<vmem>> -> memref<1x128xi32, #tpu.memory_space<vmem>>
        %dma_wait3A_590 = tpu.memref_squeeze %dma_wait3A_589 : memref<1x128xi32, #tpu.memory_space<vmem>> -> memref<128xi32, #tpu.memory_space<vmem>>
        %dma_wait3A_591 = tpu.memref_slice %arg2[%add3A_504] : memref<3200000xi32, #tpu.memory_space<hbm>> -> memref<128xi32, #tpu.memory_space<hbm>>
        tpu.wait_dma2 semaphore(%arg12 : memref<!tpu.dma_semaphore, #tpu.memory_space<semaphore_mem>>) src(%dma_wait3A_591 : memref<128xi32, #tpu.memory_space<hbm>>) dst(%dma_wait3A_590 : memref<128xi32, #tpu.memory_space<vmem>>)
        %dma_wait3A_592 = arith.constant 3 : i32
        %dma_wait3A_593 = arith.constant 0 : i32
        %dma_wait3A_594 = tpu.memref_slice %arg7[%dma_wait3A_592, %dma_wait3A_593] : memref<4x128xi32, #tpu.memory_space<vmem>> -> memref<1x128xi32, #tpu.memory_space<vmem>>
        %dma_wait3A_595 = tpu.memref_squeeze %dma_wait3A_594 : memref<1x128xi32, #tpu.memory_space<vmem>> -> memref<128xi32, #tpu.memory_space<vmem>>
        %dma_wait3A_596 = tpu.memref_slice %arg2[%add3A_519] : memref<3200000xi32, #tpu.memory_space<hbm>> -> memref<128xi32, #tpu.memory_space<hbm>>
        %dma_wait3A_597 = arith.constant 0 : i32
        %dma_wait3A_598 = tpu.memref_slice %arg7[%dma_wait3A_592, %dma_wait3A_597] : memref<4x128xi32, #tpu.memory_space<vmem>> -> memref<1x128xi32, #tpu.memory_space<vmem>>
        %dma_wait3A_599 = tpu.memref_squeeze %dma_wait3A_598 : memref<1x128xi32, #tpu.memory_space<vmem>> -> memref<128xi32, #tpu.memory_space<vmem>>
        %dma_wait3A_600 = tpu.memref_slice %arg2[%add3A_519] : memref<3200000xi32, #tpu.memory_space<hbm>> -> memref<128xi32, #tpu.memory_space<hbm>>
        tpu.wait_dma2 semaphore(%arg12 : memref<!tpu.dma_semaphore, #tpu.memory_space<semaphore_mem>>) src(%dma_wait3A_600 : memref<128xi32, #tpu.memory_space<hbm>>) dst(%dma_wait3A_599 : memref<128xi32, #tpu.memory_space<vmem>>)
        %mul3A_601 = arith.constant 4 : i32
        %mul3A_602 = arith.muli %add3A_303, %mul3A_601 : i32
        %dma_start3A_603 = arith.constant 0 : i32
        %dma_start3A_604 = tpu.memref_slice %arg3[%mul3A_602, %dma_start3A_603] : memref<12500x1024xf32, #tpu.memory_space<hbm>> -> memref<4x1024xf32, #tpu.memory_space<hbm>>
        %dma_start3A_605 = arith.constant 0 : i32
        %dma_start3A_606 = tpu.memref_slice %arg3[%mul3A_602, %dma_start3A_605] : memref<12500x1024xf32, #tpu.memory_space<hbm>> -> memref<4x1024xf32, #tpu.memory_space<hbm>>
        tpu.enqueue_dma source(%dma_start3A_606 : memref<4x1024xf32, #tpu.memory_space<hbm>>) target(%arg8 : memref<4x1024xf32, #tpu.memory_space<vmem>>) target_semaphore(%arg12 : memref<!tpu.dma_semaphore, #tpu.memory_space<semaphore_mem>>)
        %dma_start3A_607 = arith.constant 0 : i32
        %dma_start3A_608 = arith.constant 0 : i32
        %dma_start3A_609 = arith.constant 0 : i32
        %dma_start3A_610 = tpu.memref_slice %arg9[%dma_start3A_608, %dma_start3A_609] : memref<512x16xf32, #tpu.memory_space<vmem>> -> memref<128x16xf32, #tpu.memory_space<vmem>>
        %dma_start3A_611 = arith.constant 0 : i32
        %dma_start3A_612 = tpu.memref_slice %arg6[%dma_start3A_607, %dma_start3A_611] : memref<4x128xi32, #tpu.memory_space<vmem>> -> memref<1x128xi32, #tpu.memory_space<vmem>>
        %dma_start3A_613 = tpu.memref_squeeze %dma_start3A_612 : memref<1x128xi32, #tpu.memory_space<vmem>> -> memref<128xi32, #tpu.memory_space<vmem>>
        %dma_start3A_614 = arith.constant 0 : i32
        %dma_start3A_615 = arith.constant 0 : i32
        %dma_start3A_616 = tpu.memref_slice %arg4[%dma_start3A_614, %dma_start3A_615] : memref<100000x16xf32, #tpu.memory_space<hbm>> -> memref<100000x16xf32, #tpu.memory_space<hbm>>
        tpu.enqueue_indirect_dma source(%dma_start3A_616 : memref<100000x16xf32, #tpu.memory_space<hbm>>) target(%dma_start3A_610 : memref<128x16xf32, #tpu.memory_space<vmem>>) offsets(%dma_start3A_613 : memref<128xi32, #tpu.memory_space<vmem>>) semaphore(%arg12 : memref<!tpu.dma_semaphore, #tpu.memory_space<semaphore_mem>>)
        %dma_start3A_617 = arith.constant 0 : i32
        %dma_start3A_618 = arith.constant 0 : i32
        %dma_start3A_619 = arith.constant 0 : i32
        %dma_start3A_620 = tpu.memref_slice %arg10[%dma_start3A_618, %dma_start3A_619] : memref<512x16xf32, #tpu.memory_space<vmem>> -> memref<128x16xf32, #tpu.memory_space<vmem>>
        %dma_start3A_621 = arith.constant 0 : i32
        %dma_start3A_622 = tpu.memref_slice %arg7[%dma_start3A_617, %dma_start3A_621] : memref<4x128xi32, #tpu.memory_space<vmem>> -> memref<1x128xi32, #tpu.memory_space<vmem>>
        %dma_start3A_623 = tpu.memref_squeeze %dma_start3A_622 : memref<1x128xi32, #tpu.memory_space<vmem>> -> memref<128xi32, #tpu.memory_space<vmem>>
        %dma_start3A_624 = arith.constant 0 : i32
        %dma_start3A_625 = arith.constant 0 : i32
        %dma_start3A_626 = tpu.memref_slice %arg4[%dma_start3A_624, %dma_start3A_625] : memref<100000x16xf32, #tpu.memory_space<hbm>> -> memref<100000x16xf32, #tpu.memory_space<hbm>>
        tpu.enqueue_indirect_dma source(%dma_start3A_626 : memref<100000x16xf32, #tpu.memory_space<hbm>>) target(%dma_start3A_620 : memref<128x16xf32, #tpu.memory_space<vmem>>) offsets(%dma_start3A_623 : memref<128xi32, #tpu.memory_space<vmem>>) semaphore(%arg12 : memref<!tpu.dma_semaphore, #tpu.memory_space<semaphore_mem>>)
        %dma_start3A_627 = arith.constant 1 : i32
        %dma_start3A_628 = arith.constant 128 : i32
        %dma_start3A_629 = arith.constant 0 : i32
        %dma_start3A_630 = tpu.memref_slice %arg9[%dma_start3A_628, %dma_start3A_629] : memref<512x16xf32, #tpu.memory_space<vmem>> -> memref<128x16xf32, #tpu.memory_space<vmem>>
        %dma_start3A_631 = arith.constant 0 : i32
        %dma_start3A_632 = tpu.memref_slice %arg6[%dma_start3A_627, %dma_start3A_631] : memref<4x128xi32, #tpu.memory_space<vmem>> -> memref<1x128xi32, #tpu.memory_space<vmem>>
        %dma_start3A_633 = tpu.memref_squeeze %dma_start3A_632 : memref<1x128xi32, #tpu.memory_space<vmem>> -> memref<128xi32, #tpu.memory_space<vmem>>
        %dma_start3A_634 = arith.constant 0 : i32
        %dma_start3A_635 = arith.constant 0 : i32
        %dma_start3A_636 = tpu.memref_slice %arg4[%dma_start3A_634, %dma_start3A_635] : memref<100000x16xf32, #tpu.memory_space<hbm>> -> memref<100000x16xf32, #tpu.memory_space<hbm>>
        tpu.enqueue_indirect_dma source(%dma_start3A_636 : memref<100000x16xf32, #tpu.memory_space<hbm>>) target(%dma_start3A_630 : memref<128x16xf32, #tpu.memory_space<vmem>>) offsets(%dma_start3A_633 : memref<128xi32, #tpu.memory_space<vmem>>) semaphore(%arg12 : memref<!tpu.dma_semaphore, #tpu.memory_space<semaphore_mem>>)
        %dma_start3A_637 = arith.constant 1 : i32
        %dma_start3A_638 = arith.constant 128 : i32
        %dma_start3A_639 = arith.constant 0 : i32
        %dma_start3A_640 = tpu.memref_slice %arg10[%dma_start3A_638, %dma_start3A_639] : memref<512x16xf32, #tpu.memory_space<vmem>> -> memref<128x16xf32, #tpu.memory_space<vmem>>
        %dma_start3A_641 = arith.constant 0 : i32
        %dma_start3A_642 = tpu.memref_slice %arg7[%dma_start3A_637, %dma_start3A_641] : memref<4x128xi32, #tpu.memory_space<vmem>> -> memref<1x128xi32, #tpu.memory_space<vmem>>
        %dma_start3A_643 = tpu.memref_squeeze %dma_start3A_642 : memref<1x128xi32, #tpu.memory_space<vmem>> -> memref<128xi32, #tpu.memory_space<vmem>>
        %dma_start3A_644 = arith.constant 0 : i32
        %dma_start3A_645 = arith.constant 0 : i32
        %dma_start3A_646 = tpu.memref_slice %arg4[%dma_start3A_644, %dma_start3A_645] : memref<100000x16xf32, #tpu.memory_space<hbm>> -> memref<100000x16xf32, #tpu.memory_space<hbm>>
        tpu.enqueue_indirect_dma source(%dma_start3A_646 : memref<100000x16xf32, #tpu.memory_space<hbm>>) target(%dma_start3A_640 : memref<128x16xf32, #tpu.memory_space<vmem>>) offsets(%dma_start3A_643 : memref<128xi32, #tpu.memory_space<vmem>>) semaphore(%arg12 : memref<!tpu.dma_semaphore, #tpu.memory_space<semaphore_mem>>)
        %dma_start3A_647 = arith.constant 2 : i32
        %dma_start3A_648 = arith.constant 256 : i32
        %dma_start3A_649 = arith.constant 0 : i32
        %dma_start3A_650 = tpu.memref_slice %arg9[%dma_start3A_648, %dma_start3A_649] : memref<512x16xf32, #tpu.memory_space<vmem>> -> memref<128x16xf32, #tpu.memory_space<vmem>>
        %dma_start3A_651 = arith.constant 0 : i32
        %dma_start3A_652 = tpu.memref_slice %arg6[%dma_start3A_647, %dma_start3A_651] : memref<4x128xi32, #tpu.memory_space<vmem>> -> memref<1x128xi32, #tpu.memory_space<vmem>>
        %dma_start3A_653 = tpu.memref_squeeze %dma_start3A_652 : memref<1x128xi32, #tpu.memory_space<vmem>> -> memref<128xi32, #tpu.memory_space<vmem>>
        %dma_start3A_654 = arith.constant 0 : i32
        %dma_start3A_655 = arith.constant 0 : i32
        %dma_start3A_656 = tpu.memref_slice %arg4[%dma_start3A_654, %dma_start3A_655] : memref<100000x16xf32, #tpu.memory_space<hbm>> -> memref<100000x16xf32, #tpu.memory_space<hbm>>
        tpu.enqueue_indirect_dma source(%dma_start3A_656 : memref<100000x16xf32, #tpu.memory_space<hbm>>) target(%dma_start3A_650 : memref<128x16xf32, #tpu.memory_space<vmem>>) offsets(%dma_start3A_653 : memref<128xi32, #tpu.memory_space<vmem>>) semaphore(%arg12 : memref<!tpu.dma_semaphore, #tpu.memory_space<semaphore_mem>>)
        %dma_start3A_657 = arith.constant 2 : i32
        %dma_start3A_658 = arith.constant 256 : i32
        %dma_start3A_659 = arith.constant 0 : i32
        %dma_start3A_660 = tpu.memref_slice %arg10[%dma_start3A_658, %dma_start3A_659] : memref<512x16xf32, #tpu.memory_space<vmem>> -> memref<128x16xf32, #tpu.memory_space<vmem>>
        %dma_start3A_661 = arith.constant 0 : i32
        %dma_start3A_662 = tpu.memref_slice %arg7[%dma_start3A_657, %dma_start3A_661] : memref<4x128xi32, #tpu.memory_space<vmem>> -> memref<1x128xi32, #tpu.memory_space<vmem>>
        %dma_start3A_663 = tpu.memref_squeeze %dma_start3A_662 : memref<1x128xi32, #tpu.memory_space<vmem>> -> memref<128xi32, #tpu.memory_space<vmem>>
        %dma_start3A_664 = arith.constant 0 : i32
        %dma_start3A_665 = arith.constant 0 : i32
        %dma_start3A_666 = tpu.memref_slice %arg4[%dma_start3A_664, %dma_start3A_665] : memref<100000x16xf32, #tpu.memory_space<hbm>> -> memref<100000x16xf32, #tpu.memory_space<hbm>>
        tpu.enqueue_indirect_dma source(%dma_start3A_666 : memref<100000x16xf32, #tpu.memory_space<hbm>>) target(%dma_start3A_660 : memref<128x16xf32, #tpu.memory_space<vmem>>) offsets(%dma_start3A_663 : memref<128xi32, #tpu.memory_space<vmem>>) semaphore(%arg12 : memref<!tpu.dma_semaphore, #tpu.memory_space<semaphore_mem>>)
        %dma_start3A_667 = arith.constant 3 : i32
        %dma_start3A_668 = arith.constant 384 : i32
        %dma_start3A_669 = arith.constant 0 : i32
        %dma_start3A_670 = tpu.memref_slice %arg9[%dma_start3A_668, %dma_start3A_669] : memref<512x16xf32, #tpu.memory_space<vmem>> -> memref<128x16xf32, #tpu.memory_space<vmem>>
        %dma_start3A_671 = arith.constant 0 : i32
        %dma_start3A_672 = tpu.memref_slice %arg6[%dma_start3A_667, %dma_start3A_671] : memref<4x128xi32, #tpu.memory_space<vmem>> -> memref<1x128xi32, #tpu.memory_space<vmem>>
        %dma_start3A_673 = tpu.memref_squeeze %dma_start3A_672 : memref<1x128xi32, #tpu.memory_space<vmem>> -> memref<128xi32, #tpu.memory_space<vmem>>
        %dma_start3A_674 = arith.constant 0 : i32
        %dma_start3A_675 = arith.constant 0 : i32
        %dma_start3A_676 = tpu.memref_slice %arg4[%dma_start3A_674, %dma_start3A_675] : memref<100000x16xf32, #tpu.memory_space<hbm>> -> memref<100000x16xf32, #tpu.memory_space<hbm>>
        tpu.enqueue_indirect_dma source(%dma_start3A_676 : memref<100000x16xf32, #tpu.memory_space<hbm>>) target(%dma_start3A_670 : memref<128x16xf32, #tpu.memory_space<vmem>>) offsets(%dma_start3A_673 : memref<128xi32, #tpu.memory_space<vmem>>) semaphore(%arg12 : memref<!tpu.dma_semaphore, #tpu.memory_space<semaphore_mem>>)
        %dma_start3A_677 = arith.constant 3 : i32
        %dma_start3A_678 = arith.constant 384 : i32
        %dma_start3A_679 = arith.constant 0 : i32
        %dma_start3A_680 = tpu.memref_slice %arg10[%dma_start3A_678, %dma_start3A_679] : memref<512x16xf32, #tpu.memory_space<vmem>> -> memref<128x16xf32, #tpu.memory_space<vmem>>
        %dma_start3A_681 = arith.constant 0 : i32
        %dma_start3A_682 = tpu.memref_slice %arg7[%dma_start3A_677, %dma_start3A_681] : memref<4x128xi32, #tpu.memory_space<vmem>> -> memref<1x128xi32, #tpu.memory_space<vmem>>
        %dma_start3A_683 = tpu.memref_squeeze %dma_start3A_682 : memref<1x128xi32, #tpu.memory_space<vmem>> -> memref<128xi32, #tpu.memory_space<vmem>>
        %dma_start3A_684 = arith.constant 0 : i32
        %dma_start3A_685 = arith.constant 0 : i32
        %dma_start3A_686 = tpu.memref_slice %arg4[%dma_start3A_684, %dma_start3A_685] : memref<100000x16xf32, #tpu.memory_space<hbm>> -> memref<100000x16xf32, #tpu.memory_space<hbm>>
        tpu.enqueue_indirect_dma source(%dma_start3A_686 : memref<100000x16xf32, #tpu.memory_space<hbm>>) target(%dma_start3A_680 : memref<128x16xf32, #tpu.memory_space<vmem>>) offsets(%dma_start3A_683 : memref<128xi32, #tpu.memory_space<vmem>>) semaphore(%arg12 : memref<!tpu.dma_semaphore, #tpu.memory_space<semaphore_mem>>)
      } else {
      }
      %lt3A_404 = arith.constant 3125 : i32
      %lt3A_405 = arith.cmpi slt, %add3A_301, %lt3A_404 : i32
      %convert_element_type3A_406 = arith.extui %lt3A_405 : i1 to i32
      %cond3A_407 = arith.constant 0 : i32
      %cond3A_408 = arith.cmpi ne, %convert_element_type3A_406, %cond3A_407 : i32
      scf.if %cond3A_408 {
        %mul3A_409 = arith.constant 4 : i32
        %mul3A_410 = arith.muli %add3A_301, %mul3A_409 : i32
        %dma_wait3A_411 = arith.constant 0 : i32
        %dma_wait3A_412 = tpu.memref_slice %arg3[%mul3A_410, %dma_wait3A_411] : memref<12500x1024xf32, #tpu.memory_space<hbm>> -> memref<4x1024xf32, #tpu.memory_space<hbm>>
        %dma_wait3A_413 = arith.constant 0 : i32
        %dma_wait3A_414 = tpu.memref_slice %arg3[%mul3A_410, %dma_wait3A_413] : memref<12500x1024xf32, #tpu.memory_space<hbm>> -> memref<4x1024xf32, #tpu.memory_space<hbm>>
        tpu.wait_dma2 semaphore(%arg19 : memref<!tpu.dma_semaphore, #tpu.memory_space<semaphore_mem>>) src(%dma_wait3A_414 : memref<4x1024xf32, #tpu.memory_space<hbm>>) dst(%arg15 : memref<4x1024xf32, #tpu.memory_space<vmem>>)
        %dma_wait3A_415 = arith.constant 0 : i32
        %dma_wait3A_416 = arith.constant 0 : i32
        %dma_wait3A_417 = arith.constant 0 : i32
        %dma_wait3A_418 = tpu.memref_slice %arg16[%dma_wait3A_416, %dma_wait3A_417] : memref<512x16xf32, #tpu.memory_space<vmem>> -> memref<128x16xf32, #tpu.memory_space<vmem>>
        %dma_wait3A_419 = arith.constant 0 : i32
        %dma_wait3A_420 = tpu.memref_slice %arg13[%dma_wait3A_415, %dma_wait3A_419] : memref<4x128xi32, #tpu.memory_space<vmem>> -> memref<1x128xi32, #tpu.memory_space<vmem>>
        %dma_wait3A_421 = tpu.memref_squeeze %dma_wait3A_420 : memref<1x128xi32, #tpu.memory_space<vmem>> -> memref<128xi32, #tpu.memory_space<vmem>>
        %dma_wait3A_422 = arith.constant 0 : i32
        %dma_wait3A_423 = arith.constant 0 : i32
        %dma_wait3A_424 = tpu.memref_slice %arg4[%dma_wait3A_422, %dma_wait3A_423] : memref<100000x16xf32, #tpu.memory_space<hbm>> -> memref<100000x16xf32, #tpu.memory_space<hbm>>
        tpu.wait_indirect_dma semaphore(%arg19 : memref<!tpu.dma_semaphore, #tpu.memory_space<semaphore_mem>>) src(%dma_wait3A_424 : memref<100000x16xf32, #tpu.memory_space<hbm>>) dst(%dma_wait3A_418 : memref<128x16xf32, #tpu.memory_space<vmem>>)
        %dma_wait3A_425 = arith.constant 0 : i32
        %dma_wait3A_426 = arith.constant 0 : i32
        %dma_wait3A_427 = arith.constant 0 : i32
        %dma_wait3A_428 = tpu.memref_slice %arg17[%dma_wait3A_426, %dma_wait3A_427] : memref<512x16xf32, #tpu.memory_space<vmem>> -> memref<128x16xf32, #tpu.memory_space<vmem>>
        %dma_wait3A_429 = arith.constant 0 : i32
        %dma_wait3A_430 = tpu.memref_slice %arg14[%dma_wait3A_425, %dma_wait3A_429] : memref<4x128xi32, #tpu.memory_space<vmem>> -> memref<1x128xi32, #tpu.memory_space<vmem>>
        %dma_wait3A_431 = tpu.memref_squeeze %dma_wait3A_430 : memref<1x128xi32, #tpu.memory_space<vmem>> -> memref<128xi32, #tpu.memory_space<vmem>>
        %dma_wait3A_432 = arith.constant 0 : i32
        %dma_wait3A_433 = arith.constant 0 : i32
        %dma_wait3A_434 = tpu.memref_slice %arg4[%dma_wait3A_432, %dma_wait3A_433] : memref<100000x16xf32, #tpu.memory_space<hbm>> -> memref<100000x16xf32, #tpu.memory_space<hbm>>
        tpu.wait_indirect_dma semaphore(%arg19 : memref<!tpu.dma_semaphore, #tpu.memory_space<semaphore_mem>>) src(%dma_wait3A_434 : memref<100000x16xf32, #tpu.memory_space<hbm>>) dst(%dma_wait3A_428 : memref<128x16xf32, #tpu.memory_space<vmem>>)
        %dma_wait3A_435 = arith.constant 1 : i32
        %dma_wait3A_436 = arith.constant 128 : i32
        %dma_wait3A_437 = arith.constant 0 : i32
        %dma_wait3A_438 = tpu.memref_slice %arg16[%dma_wait3A_436, %dma_wait3A_437] : memref<512x16xf32, #tpu.memory_space<vmem>> -> memref<128x16xf32, #tpu.memory_space<vmem>>
        %dma_wait3A_439 = arith.constant 0 : i32
        %dma_wait3A_440 = tpu.memref_slice %arg13[%dma_wait3A_435, %dma_wait3A_439] : memref<4x128xi32, #tpu.memory_space<vmem>> -> memref<1x128xi32, #tpu.memory_space<vmem>>
        %dma_wait3A_441 = tpu.memref_squeeze %dma_wait3A_440 : memref<1x128xi32, #tpu.memory_space<vmem>> -> memref<128xi32, #tpu.memory_space<vmem>>
        %dma_wait3A_442 = arith.constant 0 : i32
        %dma_wait3A_443 = arith.constant 0 : i32
        %dma_wait3A_444 = tpu.memref_slice %arg4[%dma_wait3A_442, %dma_wait3A_443] : memref<100000x16xf32, #tpu.memory_space<hbm>> -> memref<100000x16xf32, #tpu.memory_space<hbm>>
        tpu.wait_indirect_dma semaphore(%arg19 : memref<!tpu.dma_semaphore, #tpu.memory_space<semaphore_mem>>) src(%dma_wait3A_444 : memref<100000x16xf32, #tpu.memory_space<hbm>>) dst(%dma_wait3A_438 : memref<128x16xf32, #tpu.memory_space<vmem>>)
        %dma_wait3A_445 = arith.constant 1 : i32
        %dma_wait3A_446 = arith.constant 128 : i32
        %dma_wait3A_447 = arith.constant 0 : i32
        %dma_wait3A_448 = tpu.memref_slice %arg17[%dma_wait3A_446, %dma_wait3A_447] : memref<512x16xf32, #tpu.memory_space<vmem>> -> memref<128x16xf32, #tpu.memory_space<vmem>>
        %dma_wait3A_449 = arith.constant 0 : i32
        %dma_wait3A_450 = tpu.memref_slice %arg14[%dma_wait3A_445, %dma_wait3A_449] : memref<4x128xi32, #tpu.memory_space<vmem>> -> memref<1x128xi32, #tpu.memory_space<vmem>>
        %dma_wait3A_451 = tpu.memref_squeeze %dma_wait3A_450 : memref<1x128xi32, #tpu.memory_space<vmem>> -> memref<128xi32, #tpu.memory_space<vmem>>
        %dma_wait3A_452 = arith.constant 0 : i32
        %dma_wait3A_453 = arith.constant 0 : i32
        %dma_wait3A_454 = tpu.memref_slice %arg4[%dma_wait3A_452, %dma_wait3A_453] : memref<100000x16xf32, #tpu.memory_space<hbm>> -> memref<100000x16xf32, #tpu.memory_space<hbm>>
        tpu.wait_indirect_dma semaphore(%arg19 : memref<!tpu.dma_semaphore, #tpu.memory_space<semaphore_mem>>) src(%dma_wait3A_454 : memref<100000x16xf32, #tpu.memory_space<hbm>>) dst(%dma_wait3A_448 : memref<128x16xf32, #tpu.memory_space<vmem>>)
        %dma_wait3A_455 = arith.constant 2 : i32
        %dma_wait3A_456 = arith.constant 256 : i32
        %dma_wait3A_457 = arith.constant 0 : i32
        %dma_wait3A_458 = tpu.memref_slice %arg16[%dma_wait3A_456, %dma_wait3A_457] : memref<512x16xf32, #tpu.memory_space<vmem>> -> memref<128x16xf32, #tpu.memory_space<vmem>>
        %dma_wait3A_459 = arith.constant 0 : i32
        %dma_wait3A_460 = tpu.memref_slice %arg13[%dma_wait3A_455, %dma_wait3A_459] : memref<4x128xi32, #tpu.memory_space<vmem>> -> memref<1x128xi32, #tpu.memory_space<vmem>>
        %dma_wait3A_461 = tpu.memref_squeeze %dma_wait3A_460 : memref<1x128xi32, #tpu.memory_space<vmem>> -> memref<128xi32, #tpu.memory_space<vmem>>
        %dma_wait3A_462 = arith.constant 0 : i32
        %dma_wait3A_463 = arith.constant 0 : i32
        %dma_wait3A_464 = tpu.memref_slice %arg4[%dma_wait3A_462, %dma_wait3A_463] : memref<100000x16xf32, #tpu.memory_space<hbm>> -> memref<100000x16xf32, #tpu.memory_space<hbm>>
        tpu.wait_indirect_dma semaphore(%arg19 : memref<!tpu.dma_semaphore, #tpu.memory_space<semaphore_mem>>) src(%dma_wait3A_464 : memref<100000x16xf32, #tpu.memory_space<hbm>>) dst(%dma_wait3A_458 : memref<128x16xf32, #tpu.memory_space<vmem>>)
        %dma_wait3A_465 = arith.constant 2 : i32
        %dma_wait3A_466 = arith.constant 256 : i32
        %dma_wait3A_467 = arith.constant 0 : i32
        %dma_wait3A_468 = tpu.memref_slice %arg17[%dma_wait3A_466, %dma_wait3A_467] : memref<512x16xf32, #tpu.memory_space<vmem>> -> memref<128x16xf32, #tpu.memory_space<vmem>>
        %dma_wait3A_469 = arith.constant 0 : i32
        %dma_wait3A_470 = tpu.memref_slice %arg14[%dma_wait3A_465, %dma_wait3A_469] : memref<4x128xi32, #tpu.memory_space<vmem>> -> memref<1x128xi32, #tpu.memory_space<vmem>>
        %dma_wait3A_471 = tpu.memref_squeeze %dma_wait3A_470 : memref<1x128xi32, #tpu.memory_space<vmem>> -> memref<128xi32, #tpu.memory_space<vmem>>
        %dma_wait3A_472 = arith.constant 0 : i32
        %dma_wait3A_473 = arith.constant 0 : i32
        %dma_wait3A_474 = tpu.memref_slice %arg4[%dma_wait3A_472, %dma_wait3A_473] : memref<100000x16xf32, #tpu.memory_space<hbm>> -> memref<100000x16xf32, #tpu.memory_space<hbm>>
        tpu.wait_indirect_dma semaphore(%arg19 : memref<!tpu.dma_semaphore, #tpu.memory_space<semaphore_mem>>) src(%dma_wait3A_474 : memref<100000x16xf32, #tpu.memory_space<hbm>>) dst(%dma_wait3A_468 : memref<128x16xf32, #tpu.memory_space<vmem>>)
        %dma_wait3A_475 = arith.constant 3 : i32
        %dma_wait3A_476 = arith.constant 384 : i32
        %dma_wait3A_477 = arith.constant 0 : i32
        %dma_wait3A_478 = tpu.memref_slice %arg16[%dma_wait3A_476, %dma_wait3A_477] : memref<512x16xf32, #tpu.memory_space<vmem>> -> memref<128x16xf32, #tpu.memory_space<vmem>>
        %dma_wait3A_479 = arith.constant 0 : i32
        %dma_wait3A_480 = tpu.memref_slice %arg13[%dma_wait3A_475, %dma_wait3A_479] : memref<4x128xi32, #tpu.memory_space<vmem>> -> memref<1x128xi32, #tpu.memory_space<vmem>>
        %dma_wait3A_481 = tpu.memref_squeeze %dma_wait3A_480 : memref<1x128xi32, #tpu.memory_space<vmem>> -> memref<128xi32, #tpu.memory_space<vmem>>
        %dma_wait3A_482 = arith.constant 0 : i32
        %dma_wait3A_483 = arith.constant 0 : i32
        %dma_wait3A_484 = tpu.memref_slice %arg4[%dma_wait3A_482, %dma_wait3A_483] : memref<100000x16xf32, #tpu.memory_space<hbm>> -> memref<100000x16xf32, #tpu.memory_space<hbm>>
        tpu.wait_indirect_dma semaphore(%arg19 : memref<!tpu.dma_semaphore, #tpu.memory_space<semaphore_mem>>) src(%dma_wait3A_484 : memref<100000x16xf32, #tpu.memory_space<hbm>>) dst(%dma_wait3A_478 : memref<128x16xf32, #tpu.memory_space<vmem>>)
        %dma_wait3A_485 = arith.constant 3 : i32
        %dma_wait3A_486 = arith.constant 384 : i32
        %dma_wait3A_487 = arith.constant 0 : i32
        %dma_wait3A_488 = tpu.memref_slice %arg17[%dma_wait3A_486, %dma_wait3A_487] : memref<512x16xf32, #tpu.memory_space<vmem>> -> memref<128x16xf32, #tpu.memory_space<vmem>>
        %dma_wait3A_489 = arith.constant 0 : i32
        %dma_wait3A_490 = tpu.memref_slice %arg14[%dma_wait3A_485, %dma_wait3A_489] : memref<4x128xi32, #tpu.memory_space<vmem>> -> memref<1x128xi32, #tpu.memory_space<vmem>>
        %dma_wait3A_491 = tpu.memref_squeeze %dma_wait3A_490 : memref<1x128xi32, #tpu.memory_space<vmem>> -> memref<128xi32, #tpu.memory_space<vmem>>
        %dma_wait3A_492 = arith.constant 0 : i32
        %dma_wait3A_493 = arith.constant 0 : i32
        %dma_wait3A_494 = tpu.memref_slice %arg4[%dma_wait3A_492, %dma_wait3A_493] : memref<100000x16xf32, #tpu.memory_space<hbm>> -> memref<100000x16xf32, #tpu.memory_space<hbm>>
        tpu.wait_indirect_dma semaphore(%arg19 : memref<!tpu.dma_semaphore, #tpu.memory_space<semaphore_mem>>) src(%dma_wait3A_494 : memref<100000x16xf32, #tpu.memory_space<hbm>>) dst(%dma_wait3A_488 : memref<128x16xf32, #tpu.memory_space<vmem>>)
        %scan3A_495 = arith.constant 0 : i32
        %scan3A_496 = arith.constant 32 : i32
        %scan3A_497 = arith.addi %scan3A_495, %scan3A_496 : i32
        %scan3A_498 = arith.constant 1 : i32
        scf.for %scan3A_502 = %scan3A_495 to %scan3A_497 step %scan3A_498  : i32 {
          %jit3A = arith.constant 8 : i32
          %div3A = arith.divsi %scan3A_502, %jit3A : i32
          %sign3A = arith.constant 0 : i32
          %sign3A_503 = arith.cmpi sgt, %scan3A_502, %sign3A : i32
          %sign3A_504 = arith.extui %sign3A_503 : i1 to i32
          %sign3A_505 = arith.constant 0 : i32
          %sign3A_506 = arith.cmpi slt, %scan3A_502, %sign3A_505 : i32
          %sign3A_507 = arith.extui %sign3A_506 : i1 to i32
          %sign3A_508 = arith.subi %sign3A_504, %sign3A_507 : i32
          %sign3A_509 = arith.constant 0 : i32
          %sign3A_510 = arith.cmpi sgt, %jit3A, %sign3A_509 : i32
          %sign3A_511 = arith.extui %sign3A_510 : i1 to i32
          %sign3A_512 = arith.constant 0 : i32
          %sign3A_513 = arith.cmpi slt, %jit3A, %sign3A_512 : i32
          %sign3A_514 = arith.extui %sign3A_513 : i1 to i32
          %sign3A_515 = arith.subi %sign3A_511, %sign3A_514 : i32
          %ne3A = arith.cmpi ne, %sign3A_508, %sign3A_515 : i32
          %rem3A = arith.remsi %scan3A_502, %jit3A : i32
          %ne3A_516 = arith.constant 0 : i32
          %ne3A_517 = arith.cmpi ne, %rem3A, %ne3A_516 : i32
          %and3A = arith.andi %ne3A, %ne3A_517 : i1
          %sub3A = arith.constant 1 : i32
          %sub3A_518 = arith.subi %div3A, %sub3A : i32
          %select_n3A = arith.select %and3A, %sub3A_518, %div3A : i32
          %jit3A_519 = arith.constant 8 : i32
          %eq3A = arith.constant 0 : i32
          %eq3A_520 = arith.cmpi eq, %jit3A_519, %eq3A : i32
          %jit3A_521 = arith.constant 1 : i32
          %select_n3A_522 = arith.select %eq3A_520, %jit3A_521, %jit3A_519 : i32
          %rem3A_523 = arith.remsi %scan3A_502, %select_n3A_522 : i32
          %ne3A_524 = arith.constant 0 : i32
          %ne3A_525 = arith.cmpi ne, %rem3A_523, %ne3A_524 : i32
          %lt3A_526 = arith.constant 0 : i32
          %lt3A_527 = arith.cmpi slt, %rem3A_523, %lt3A_526 : i32
          %lt3A_528 = arith.constant 0 : i32
          %lt3A_529 = arith.cmpi slt, %select_n3A_522, %lt3A_528 : i32
          %ne3A_530 = arith.xori %lt3A_527, %lt3A_529 : i1
          %and3A_531 = arith.andi %ne3A_530, %ne3A_525 : i1
          %add3A_532 = arith.addi %rem3A_523, %select_n3A_522 : i32
          %select_n3A_533 = arith.select %and3A_531, %add3A_532, %rem3A_523 : i32
          %mul3A_534 = arith.constant 16 : i32
          %mul3A_535 = arith.muli %select_n3A_533, %mul3A_534 : i32
          %mul3A_536 = arith.constant 16 : i32
          %mul3A_537 = arith.muli %scan3A_502, %mul3A_536 : i32
          %add3A_538 = vector.broadcast %mul3A_537 : i32 to vector<16xi32>
          %add3A_539 = arith.addi %iota3A, %add3A_538 : vector<16xi32>
          %add3A_540 = arith.constant 0 : i32
          %add3A_541 = arith.addi %add3A_540, %mul3A_535 : i32
          %get3A = arith.index_cast %select_n3A : i32 to index
          %get3A_542 = arith.index_cast %add3A_541 : i32 to index
          %get3A_543 = tpu.vector_load %arg15[%get3A, %get3A_542] {strides = array<i32>} : memref<4x1024xf32, #tpu.memory_space<vmem>>, vector<16xf32>,
          %add3A_544 = arith.constant 128 : i32
          %add3A_545 = arith.addi %add3A_544, %mul3A_535 : i32
          %get3A_546 = arith.index_cast %select_n3A : i32 to index
          %get3A_547 = arith.index_cast %add3A_545 : i32 to index
          %get3A_548 = tpu.vector_load %arg15[%get3A_546, %get3A_547] {strides = array<i32>} : memref<4x1024xf32, #tpu.memory_space<vmem>>, vector<16xf32>,
          %add3A_549 = arith.constant 256 : i32
          %add3A_550 = arith.addi %add3A_549, %mul3A_535 : i32
          %get3A_551 = arith.index_cast %select_n3A : i32 to index
          %get3A_552 = arith.index_cast %add3A_550 : i32 to index
          %get3A_553 = tpu.vector_load %arg15[%get3A_551, %get3A_552] {strides = array<i32>} : memref<4x1024xf32, #tpu.memory_space<vmem>>, vector<16xf32>,
          %add3A_554 = arith.constant 384 : i32
          %add3A_555 = arith.addi %add3A_554, %mul3A_535 : i32
          %get3A_556 = arith.index_cast %select_n3A : i32 to index
          %get3A_557 = arith.index_cast %add3A_555 : i32 to index
          %get3A_558 = tpu.vector_load %arg15[%get3A_556, %get3A_557] {strides = array<i32>} : memref<4x1024xf32, #tpu.memory_space<vmem>>, vector<16xf32>,
          %add3A_559 = arith.constant 512 : i32
          %add3A_560 = arith.addi %add3A_559, %mul3A_535 : i32
          %get3A_561 = arith.index_cast %select_n3A : i32 to index
          %get3A_562 = arith.index_cast %add3A_560 : i32 to index
          %get3A_563 = tpu.vector_load %arg15[%get3A_561, %get3A_562] {strides = array<i32>} : memref<4x1024xf32, #tpu.memory_space<vmem>>, vector<16xf32>,
          %add3A_564 = arith.constant 640 : i32
          %add3A_565 = arith.addi %add3A_564, %mul3A_535 : i32
          %get3A_566 = arith.index_cast %select_n3A : i32 to index
          %get3A_567 = arith.index_cast %add3A_565 : i32 to index
          %get3A_568 = tpu.vector_load %arg15[%get3A_566, %get3A_567] {strides = array<i32>} : memref<4x1024xf32, #tpu.memory_space<vmem>>, vector<16xf32>,
          %add3A_569 = arith.constant 768 : i32
          %add3A_570 = arith.addi %add3A_569, %mul3A_535 : i32
          %get3A_571 = arith.index_cast %select_n3A : i32 to index
          %get3A_572 = arith.index_cast %add3A_570 : i32 to index
          %get3A_573 = tpu.vector_load %arg15[%get3A_571, %get3A_572] {strides = array<i32>} : memref<4x1024xf32, #tpu.memory_space<vmem>>, vector<16xf32>,
          %gather3A = tpu.vector_load_idx %arg16[%add3A_539, %broadcast_in_dim3A_1] : memref<512x16xf32, #tpu.memory_space<vmem>>[vector<16xi32>, vector<16xi32>], vector<16xf32>,
          %gather3A_574 = tpu.vector_load_idx %arg16[%add3A_539, %broadcast_in_dim3A_3] : memref<512x16xf32, #tpu.memory_space<vmem>>[vector<16xi32>, vector<16xi32>], vector<16xf32>,
          %gather3A_575 = tpu.vector_load_idx %arg16[%add3A_539, %broadcast_in_dim3A_5] : memref<512x16xf32, #tpu.memory_space<vmem>>[vector<16xi32>, vector<16xi32>], vector<16xf32>,
          %gather3A_576 = tpu.vector_load_idx %arg16[%add3A_539, %broadcast_in_dim3A_7] : memref<512x16xf32, #tpu.memory_space<vmem>>[vector<16xi32>, vector<16xi32>], vector<16xf32>,
          %gather3A_577 = tpu.vector_load_idx %arg16[%add3A_539, %broadcast_in_dim3A_9] : memref<512x16xf32, #tpu.memory_space<vmem>>[vector<16xi32>, vector<16xi32>], vector<16xf32>,
          %gather3A_578 = tpu.vector_load_idx %arg16[%add3A_539, %broadcast_in_dim3A_11] : memref<512x16xf32, #tpu.memory_space<vmem>>[vector<16xi32>, vector<16xi32>], vector<16xf32>,
          %gather3A_579 = tpu.vector_load_idx %arg16[%add3A_539, %broadcast_in_dim3A_13] : memref<512x16xf32, #tpu.memory_space<vmem>>[vector<16xi32>, vector<16xi32>], vector<16xf32>,
          %gather3A_580 = tpu.vector_load_idx %arg17[%add3A_539, %broadcast_in_dim3A_1] : memref<512x16xf32, #tpu.memory_space<vmem>>[vector<16xi32>, vector<16xi32>], vector<16xf32>,
          %gather3A_581 = tpu.vector_load_idx %arg17[%add3A_539, %broadcast_in_dim3A_3] : memref<512x16xf32, #tpu.memory_space<vmem>>[vector<16xi32>, vector<16xi32>], vector<16xf32>,
          %gather3A_582 = tpu.vector_load_idx %arg17[%add3A_539, %broadcast_in_dim3A_5] : memref<512x16xf32, #tpu.memory_space<vmem>>[vector<16xi32>, vector<16xi32>], vector<16xf32>,
          %gather3A_583 = tpu.vector_load_idx %arg17[%add3A_539, %broadcast_in_dim3A_7] : memref<512x16xf32, #tpu.memory_space<vmem>>[vector<16xi32>, vector<16xi32>], vector<16xf32>,
          %gather3A_584 = tpu.vector_load_idx %arg17[%add3A_539, %broadcast_in_dim3A_9] : memref<512x16xf32, #tpu.memory_space<vmem>>[vector<16xi32>, vector<16xi32>], vector<16xf32>,
          %gather3A_585 = tpu.vector_load_idx %arg17[%add3A_539, %broadcast_in_dim3A_11] : memref<512x16xf32, #tpu.memory_space<vmem>>[vector<16xi32>, vector<16xi32>], vector<16xf32>,
          %gather3A_586 = tpu.vector_load_idx %arg17[%add3A_539, %broadcast_in_dim3A_13] : memref<512x16xf32, #tpu.memory_space<vmem>>[vector<16xi32>, vector<16xi32>], vector<16xf32>,
          %neg3A = arith.constant 0.000000e+00 : f32
          %neg3A_587 = vector.broadcast %neg3A : f32 to vector<16xf32>
          %neg3A_588 = arith.subf %neg3A_587, %get3A_558 : vector<16xf32>
          %neg3A_589 = arith.constant 0.000000e+00 : f32
          %neg3A_590 = vector.broadcast %neg3A_589 : f32 to vector<16xf32>
          %neg3A_591 = arith.subf %neg3A_590, %get3A_563 : vector<16xf32>
          %neg3A_592 = arith.constant 0.000000e+00 : f32
          %neg3A_593 = vector.broadcast %neg3A_592 : f32 to vector<16xf32>
          %neg3A_594 = arith.subf %neg3A_593, %get3A_568 : vector<16xf32>
          %neg3A_595 = arith.constant 0.000000e+00 : f32
          %neg3A_596 = vector.broadcast %neg3A_595 : f32 to vector<16xf32>
          %neg3A_597 = arith.subf %neg3A_596, %gather3A_576 : vector<16xf32>
          %neg3A_598 = arith.constant 0.000000e+00 : f32
          %neg3A_599 = vector.broadcast %neg3A_598 : f32 to vector<16xf32>
          %neg3A_600 = arith.subf %neg3A_599, %gather3A_577 : vector<16xf32>
          %neg3A_601 = arith.constant 0.000000e+00 : f32
          %neg3A_602 = vector.broadcast %neg3A_601 : f32 to vector<16xf32>
          %neg3A_603 = arith.subf %neg3A_602, %gather3A_578 : vector<16xf32>
          %sub3A_604 = arith.subf %gather3A_580, %gather3A : vector<16xf32>
          %sub3A_605 = arith.subf %gather3A_581, %gather3A_574 : vector<16xf32>
          %sub3A_606 = arith.subf %gather3A_582, %gather3A_575 : vector<16xf32>
          %mul3A_607 = arith.mulf %neg3A_600, %sub3A_606 : vector<16xf32>
          %mul3A_608 = arith.mulf %neg3A_603, %sub3A_605 : vector<16xf32>
          %sub3A_609 = arith.subf %mul3A_607, %mul3A_608 : vector<16xf32>
          %mul3A_610 = arith.mulf %neg3A_603, %sub3A_604 : vector<16xf32>
          %mul3A_611 = arith.mulf %neg3A_597, %sub3A_606 : vector<16xf32>
          %sub3A_612 = arith.subf %mul3A_610, %mul3A_611 : vector<16xf32>
          %mul3A_613 = arith.mulf %neg3A_597, %sub3A_605 : vector<16xf32>
          %mul3A_614 = arith.mulf %neg3A_600, %sub3A_604 : vector<16xf32>
          %sub3A_615 = arith.subf %mul3A_613, %mul3A_614 : vector<16xf32>
          %mul3A_616 = arith.mulf %neg3A_600, %sub3A_615 : vector<16xf32>
          %mul3A_617 = arith.mulf %neg3A_603, %sub3A_612 : vector<16xf32>
          %sub3A_618 = arith.subf %mul3A_616, %mul3A_617 : vector<16xf32>
          %mul3A_619 = arith.mulf %neg3A_603, %sub3A_609 : vector<16xf32>
          %mul3A_620 = arith.mulf %neg3A_597, %sub3A_615 : vector<16xf32>
          %sub3A_621 = arith.subf %mul3A_619, %mul3A_620 : vector<16xf32>
          %mul3A_622 = arith.mulf %neg3A_597, %sub3A_612 : vector<16xf32>
          %mul3A_623 = arith.mulf %neg3A_600, %sub3A_609 : vector<16xf32>
          %sub3A_624 = arith.subf %mul3A_622, %mul3A_623 : vector<16xf32>
          %mul3A_625 = arith.mulf %gather3A_579, %sub3A_609 : vector<16xf32>
          %add3A_626 = arith.addf %mul3A_625, %sub3A_618 : vector<16xf32>
          %mul3A_627 = arith.constant 2.000000e+00 : f32
          %mul3A_628 = vector.broadcast %mul3A_627 : f32 to vector<16xf32>
          %mul3A_629 = arith.mulf %mul3A_628, %add3A_626 : vector<16xf32>
          %add3A_630 = arith.addf %sub3A_604, %mul3A_629 : vector<16xf32>
          %mul3A_631 = arith.mulf %gather3A_579, %sub3A_612 : vector<16xf32>
          %add3A_632 = arith.addf %mul3A_631, %sub3A_621 : vector<16xf32>
          %mul3A_633 = arith.constant 2.000000e+00 : f32
          %mul3A_634 = vector.broadcast %mul3A_633 : f32 to vector<16xf32>
          %mul3A_635 = arith.mulf %mul3A_634, %add3A_632 : vector<16xf32>
          %add3A_636 = arith.addf %sub3A_605, %mul3A_635 : vector<16xf32>
          %mul3A_637 = arith.mulf %gather3A_579, %sub3A_615 : vector<16xf32>
          %add3A_638 = arith.addf %mul3A_637, %sub3A_624 : vector<16xf32>
          %mul3A_639 = arith.constant 2.000000e+00 : f32
          %mul3A_640 = vector.broadcast %mul3A_639 : f32 to vector<16xf32>
          %mul3A_641 = arith.mulf %mul3A_640, %add3A_638 : vector<16xf32>
          %add3A_642 = arith.addf %sub3A_606, %mul3A_641 : vector<16xf32>
          %sub3A_643 = arith.subf %add3A_630, %get3A_543 : vector<16xf32>
          %sub3A_644 = arith.subf %add3A_636, %get3A_548 : vector<16xf32>
          %sub3A_645 = arith.subf %add3A_642, %get3A_553 : vector<16xf32>
          %mul3A_646 = arith.mulf %neg3A_591, %sub3A_645 : vector<16xf32>
          %mul3A_647 = arith.mulf %neg3A_594, %sub3A_644 : vector<16xf32>
          %sub3A_648 = arith.subf %mul3A_646, %mul3A_647 : vector<16xf32>
          %mul3A_649 = arith.mulf %neg3A_594, %sub3A_643 : vector<16xf32>
          %mul3A_650 = arith.mulf %neg3A_588, %sub3A_645 : vector<16xf32>
          %sub3A_651 = arith.subf %mul3A_649, %mul3A_650 : vector<16xf32>
          %mul3A_652 = arith.mulf %neg3A_588, %sub3A_644 : vector<16xf32>
          %mul3A_653 = arith.mulf %neg3A_591, %sub3A_643 : vector<16xf32>
          %sub3A_654 = arith.subf %mul3A_652, %mul3A_653 : vector<16xf32>
          %mul3A_655 = arith.mulf %neg3A_591, %sub3A_654 : vector<16xf32>
          %mul3A_656 = arith.mulf %neg3A_594, %sub3A_651 : vector<16xf32>
          %sub3A_657 = arith.subf %mul3A_655, %mul3A_656 : vector<16xf32>
          %mul3A_658 = arith.mulf %neg3A_594, %sub3A_648 : vector<16xf32>
          %mul3A_659 = arith.mulf %neg3A_588, %sub3A_654 : vector<16xf32>
          %sub3A_660 = arith.subf %mul3A_658, %mul3A_659 : vector<16xf32>
          %mul3A_661 = arith.mulf %neg3A_588, %sub3A_651 : vector<16xf32>
          %mul3A_662 = arith.mulf %neg3A_591, %sub3A_648 : vector<16xf32>
          %sub3A_663 = arith.subf %mul3A_661, %mul3A_662 : vector<16xf32>
          %mul3A_664 = arith.mulf %get3A_573, %sub3A_648 : vector<16xf32>
          %add3A_665 = arith.addf %mul3A_664, %sub3A_657 : vector<16xf32>
          %mul3A_666 = arith.constant 2.000000e+00 : f32
          %mul3A_667 = vector.broadcast %mul3A_666 : f32 to vector<16xf32>
          %mul3A_668 = arith.mulf %mul3A_667, %add3A_665 : vector<16xf32>
          %add3A_669 = arith.addf %sub3A_643, %mul3A_668 : vector<16xf32>
          %mul3A_670 = arith.mulf %get3A_573, %sub3A_651 : vector<16xf32>
          %add3A_671 = arith.addf %mul3A_670, %sub3A_660 : vector<16xf32>
          %mul3A_672 = arith.constant 2.000000e+00 : f32
          %mul3A_673 = vector.broadcast %mul3A_672 : f32 to vector<16xf32>
          %mul3A_674 = arith.mulf %mul3A_673, %add3A_671 : vector<16xf32>
          %add3A_675 = arith.addf %sub3A_644, %mul3A_674 : vector<16xf32>
          %mul3A_676 = arith.mulf %get3A_573, %sub3A_654 : vector<16xf32>
          %add3A_677 = arith.addf %mul3A_676, %sub3A_663 : vector<16xf32>
          %mul3A_678 = arith.constant 2.000000e+00 : f32
          %mul3A_679 = vector.broadcast %mul3A_678 : f32 to vector<16xf32>
          %mul3A_680 = arith.mulf %mul3A_679, %add3A_677 : vector<16xf32>
          %add3A_681 = arith.addf %sub3A_645, %mul3A_680 : vector<16xf32>
          %mul3A_682 = arith.mulf %get3A_573, %neg3A_597 : vector<16xf32>
          %mul3A_683 = arith.mulf %neg3A_588, %gather3A_579 : vector<16xf32>
          %add3A_684 = arith.addf %mul3A_682, %mul3A_683 : vector<16xf32>
          %mul3A_685 = arith.mulf %neg3A_591, %neg3A_603 : vector<16xf32>
          %add3A_686 = arith.addf %add3A_684, %mul3A_685 : vector<16xf32>
          %mul3A_687 = arith.mulf %neg3A_594, %neg3A_600 : vector<16xf32>
          %sub3A_688 = arith.subf %add3A_686, %mul3A_687 : vector<16xf32>
          %mul3A_689 = arith.mulf %get3A_573, %neg3A_600 : vector<16xf32>
          %mul3A_690 = arith.mulf %neg3A_588, %neg3A_603 : vector<16xf32>
          %sub3A_691 = arith.subf %mul3A_689, %mul3A_690 : vector<16xf32>
          %mul3A_692 = arith.mulf %neg3A_591, %gather3A_579 : vector<16xf32>
          %add3A_693 = arith.addf %sub3A_691, %mul3A_692 : vector<16xf32>
          %mul3A_694 = arith.mulf %neg3A_594, %neg3A_597 : vector<16xf32>
          %add3A_695 = arith.addf %add3A_693, %mul3A_694 : vector<16xf32>
          %mul3A_696 = arith.mulf %get3A_573, %neg3A_603 : vector<16xf32>
          %mul3A_697 = arith.mulf %neg3A_588, %neg3A_600 : vector<16xf32>
          %add3A_698 = arith.addf %mul3A_696, %mul3A_697 : vector<16xf32>
          %mul3A_699 = arith.mulf %neg3A_591, %neg3A_597 : vector<16xf32>
          %sub3A_700 = arith.subf %add3A_698, %mul3A_699 : vector<16xf32>
          %mul3A_701 = arith.mulf %neg3A_594, %gather3A_579 : vector<16xf32>
          %add3A_702 = arith.addf %sub3A_700, %mul3A_701 : vector<16xf32>
          %mul3A_703 = arith.mulf %get3A_573, %gather3A_579 : vector<16xf32>
          %mul3A_704 = arith.mulf %neg3A_588, %neg3A_597 : vector<16xf32>
          %sub3A_705 = arith.subf %mul3A_703, %mul3A_704 : vector<16xf32>
          %mul3A_706 = arith.mulf %neg3A_591, %neg3A_600 : vector<16xf32>
          %sub3A_707 = arith.subf %sub3A_705, %mul3A_706 : vector<16xf32>
          %mul3A_708 = arith.mulf %neg3A_594, %neg3A_603 : vector<16xf32>
          %sub3A_709 = arith.subf %sub3A_707, %mul3A_708 : vector<16xf32>
          %mul3A_710 = arith.mulf %sub3A_709, %gather3A_583 : vector<16xf32>
          %mul3A_711 = arith.mulf %sub3A_688, %gather3A_586 : vector<16xf32>
          %add3A_712 = arith.addf %mul3A_710, %mul3A_711 : vector<16xf32>
          %mul3A_713 = arith.mulf %add3A_695, %gather3A_585 : vector<16xf32>
          %add3A_714 = arith.addf %add3A_712, %mul3A_713 : vector<16xf32>
          %mul3A_715 = arith.mulf %add3A_702, %gather3A_584 : vector<16xf32>
          %sub3A_716 = arith.subf %add3A_714, %mul3A_715 : vector<16xf32>
          %mul3A_717 = arith.mulf %sub3A_709, %gather3A_584 : vector<16xf32>
          %mul3A_718 = arith.mulf %sub3A_688, %gather3A_585 : vector<16xf32>
          %sub3A_719 = arith.subf %mul3A_717, %mul3A_718 : vector<16xf32>
          %mul3A_720 = arith.mulf %add3A_695, %gather3A_586 : vector<16xf32>
          %add3A_721 = arith.addf %sub3A_719, %mul3A_720 : vector<16xf32>
          %mul3A_722 = arith.mulf %add3A_702, %gather3A_583 : vector<16xf32>
          %add3A_723 = arith.addf %add3A_721, %mul3A_722 : vector<16xf32>
          %mul3A_724 = arith.mulf %sub3A_709, %gather3A_585 : vector<16xf32>
          %mul3A_725 = arith.mulf %sub3A_688, %gather3A_584 : vector<16xf32>
          %add3A_726 = arith.addf %mul3A_724, %mul3A_725 : vector<16xf32>
          %mul3A_727 = arith.mulf %add3A_695, %gather3A_583 : vector<16xf32>
          %sub3A_728 = arith.subf %add3A_726, %mul3A_727 : vector<16xf32>
          %mul3A_729 = arith.mulf %add3A_702, %gather3A_586 : vector<16xf32>
          %add3A_730 = arith.addf %sub3A_728, %mul3A_729 : vector<16xf32>
          %mul3A_731 = arith.mulf %sub3A_709, %gather3A_586 : vector<16xf32>
          %mul3A_732 = arith.mulf %sub3A_688, %gather3A_583 : vector<16xf32>
          %sub3A_733 = arith.subf %mul3A_731, %mul3A_732 : vector<16xf32>
          %mul3A_734 = arith.mulf %add3A_695, %gather3A_584 : vector<16xf32>
          %sub3A_735 = arith.subf %sub3A_733, %mul3A_734 : vector<16xf32>
          %mul3A_736 = arith.mulf %add3A_702, %gather3A_585 : vector<16xf32>
          %sub3A_737 = arith.subf %sub3A_735, %mul3A_736 : vector<16xf32>
          %lt3A_738 = arith.constant 0.000000e+00 : f32
          %lt3A_739 = vector.broadcast %lt3A_738 : f32 to vector<16xf32>
          %lt3A_740 = arith.cmpf olt, %sub3A_737, %lt3A_739 : vector<16xf32>
          %jit3A_741 = arith.constant -1.000000e+00 : f32
          %jit3A_742 = arith.constant 1.000000e+00 : f32
          %broadcast_in_dim3A_743 = vector.broadcast %jit3A_741 : f32 to vector<16xf32>
          %broadcast_in_dim3A_744 = vector.broadcast %jit3A_742 : f32 to vector<16xf32>
          %select_n3A_745 = arith.select %lt3A_740, %broadcast_in_dim3A_743, %broadcast_in_dim3A_744 : vector<16xi1>, vector<16xf32>
          %mul3A_746 = arith.mulf %sub3A_716, %select_n3A_745 : vector<16xf32>
          %mul3A_747 = arith.mulf %add3A_723, %select_n3A_745 : vector<16xf32>
          %mul3A_748 = arith.mulf %add3A_730, %select_n3A_745 : vector<16xf32>
          %mul3A_749 = arith.mulf %sub3A_737, %select_n3A_745 : vector<16xf32>
          %mul3A_750 = arith.mulf %mul3A_746, %mul3A_746 : vector<16xf32>
          %mul3A_751 = arith.mulf %mul3A_747, %mul3A_747 : vector<16xf32>
          %add3A_752 = arith.addf %mul3A_750, %mul3A_751 : vector<16xf32>
          %mul3A_753 = arith.mulf %mul3A_748, %mul3A_748 : vector<16xf32>
          %add3A_754 = arith.addf %add3A_752, %mul3A_753 : vector<16xf32>
          %add3A_755 = arith.constant 1.000000e-24 : f32
          %add3A_756 = vector.broadcast %add3A_755 : f32 to vector<16xf32>
          %add3A_757 = arith.addf %add3A_754, %add3A_756 : vector<16xf32>
          %bitcast3A = vector.bitcast %add3A_757 : vector<16xf32> to vector<16xi32>
          %shift_right_arithmetic3A = arith.constant 1 : i32
          %shift_right_arithmetic3A_758 = vector.broadcast %shift_right_arithmetic3A : i32 to vector<16xi32>
          %shift_right_arithmetic3A_759 = arith.shrsi %bitcast3A, %shift_right_arithmetic3A_758 : vector<16xi32>
          %sub3A_760 = arith.constant 1597463007 : i32
          %sub3A_761 = vector.broadcast %sub3A_760 : i32 to vector<16xi32>
          %sub3A_762 = arith.subi %sub3A_761, %shift_right_arithmetic3A_759 : vector<16xi32>
          %bitcast3A_763 = vector.bitcast %sub3A_762 : vector<16xi32> to vector<16xf32>
          %mul3A_764 = arith.constant 5.000000e-01 : f32
          %mul3A_765 = vector.broadcast %mul3A_764 : f32 to vector<16xf32>
          %mul3A_766 = arith.mulf %mul3A_765, %add3A_757 : vector<16xf32>
          %mul3A_767 = arith.mulf %mul3A_766, %bitcast3A_763 : vector<16xf32>
          %mul3A_768 = arith.mulf %mul3A_767, %bitcast3A_763 : vector<16xf32>
          %sub3A_769 = arith.constant 1.500000e+00 : f32
          %sub3A_770 = vector.broadcast %sub3A_769 : f32 to vector<16xf32>
          %sub3A_771 = arith.subf %sub3A_770, %mul3A_768 : vector<16xf32>
          %mul3A_772 = arith.mulf %bitcast3A_763, %sub3A_771 : vector<16xf32>
          %mul3A_773 = arith.constant 5.000000e-01 : f32
          %mul3A_774 = vector.broadcast %mul3A_773 : f32 to vector<16xf32>
          %mul3A_775 = arith.mulf %mul3A_774, %add3A_757 : vector<16xf32>
          %mul3A_776 = arith.mulf %mul3A_775, %mul3A_772 : vector<16xf32>
          %mul3A_777 = arith.mulf %mul3A_776, %mul3A_772 : vector<16xf32>
          %sub3A_778 = arith.constant 1.500000e+00 : f32
          %sub3A_779 = vector.broadcast %sub3A_778 : f32 to vector<16xf32>
          %sub3A_780 = arith.subf %sub3A_779, %mul3A_777 : vector<16xf32>
          %mul3A_781 = arith.mulf %mul3A_772, %sub3A_780 : vector<16xf32>
          %mul3A_782 = arith.constant 5.000000e-01 : f32
          %mul3A_783 = vector.broadcast %mul3A_782 : f32 to vector<16xf32>
          %mul3A_784 = arith.mulf %mul3A_783, %add3A_757 : vector<16xf32>
          %mul3A_785 = arith.mulf %mul3A_784, %mul3A_781 : vector<16xf32>
          %mul3A_786 = arith.mulf %mul3A_785, %mul3A_781 : vector<16xf32>
          %sub3A_787 = arith.constant 1.500000e+00 : f32
          %sub3A_788 = vector.broadcast %sub3A_787 : f32 to vector<16xf32>
          %sub3A_789 = arith.subf %sub3A_788, %mul3A_786 : vector<16xf32>
          %mul3A_790 = arith.mulf %mul3A_781, %sub3A_789 : vector<16xf32>
          %mul3A_791 = arith.mulf %add3A_757, %mul3A_790 : vector<16xf32>
          %min3A = arith.minimumf %mul3A_791, %mul3A_749 : vector<16xf32>
          %max3A = arith.maximumf %mul3A_791, %mul3A_749 : vector<16xf32>
          %bitcast3A_792 = vector.bitcast %max3A : vector<16xf32> to vector<16xi32>
          %sub3A_793 = arith.constant 2129859011 : i32
          %sub3A_794 = vector.broadcast %sub3A_793 : i32 to vector<16xi32>
          %sub3A_795 = arith.subi %sub3A_794, %bitcast3A_792 : vector<16xi32>
          %bitcast3A_796 = vector.bitcast %sub3A_795 : vector<16xi32> to vector<16xf32>
          %mul3A_797 = arith.mulf %max3A, %bitcast3A_796 : vector<16xf32>
          %sub3A_798 = arith.constant 2.000000e+00 : f32
          %sub3A_799 = vector.broadcast %sub3A_798 : f32 to vector<16xf32>
          %sub3A_800 = arith.subf %sub3A_799, %mul3A_797 : vector<16xf32>
          %mul3A_801 = arith.mulf %bitcast3A_796, %sub3A_800 : vector<16xf32>
          %mul3A_802 = arith.mulf %max3A, %mul3A_801 : vector<16xf32>
          %sub3A_803 = arith.constant 2.000000e+00 : f32
          %sub3A_804 = vector.broadcast %sub3A_803 : f32 to vector<16xf32>
          %sub3A_805 = arith.subf %sub3A_804, %mul3A_802 : vector<16xf32>
          %mul3A_806 = arith.mulf %mul3A_801, %sub3A_805 : vector<16xf32>
          %mul3A_807 = arith.mulf %max3A, %mul3A_806 : vector<16xf32>
          %sub3A_808 = arith.constant 2.000000e+00 : f32
          %sub3A_809 = vector.broadcast %sub3A_808 : f32 to vector<16xf32>
          %sub3A_810 = arith.subf %sub3A_809, %mul3A_807 : vector<16xf32>
          %mul3A_811 = arith.mulf %mul3A_806, %sub3A_810 : vector<16xf32>
          %mul3A_812 = arith.mulf %min3A, %mul3A_811 : vector<16xf32>
          %mul3A_813 = arith.mulf %mul3A_812, %mul3A_812 : vector<16xf32>
          %mul3A_814 = arith.constant 0.00293264654 : f32
          %mul3A_815 = vector.broadcast %mul3A_814 : f32 to vector<16xf32>
          %mul3A_816 = arith.mulf %mul3A_815, %mul3A_813 : vector<16xf32>
          %add3A_817 = arith.constant -0.0164127741 : f32
          %add3A_818 = vector.broadcast %add3A_817 : f32 to vector<16xf32>
          %add3A_819 = arith.addf %mul3A_816, %add3A_818 : vector<16xf32>
          %mul3A_820 = arith.mulf %add3A_819, %mul3A_813 : vector<16xf32>
          %add3A_821 = arith.constant 0.0432776436 : f32
          %add3A_822 = vector.broadcast %add3A_821 : f32 to vector<16xf32>
          %add3A_823 = arith.addf %mul3A_820, %add3A_822 : vector<16xf32>
          %mul3A_824 = arith.mulf %add3A_823, %mul3A_813 : vector<16xf32>
          %add3A_825 = arith.constant -0.0755685642 : f32
          %add3A_826 = vector.broadcast %add3A_825 : f32 to vector<16xf32>
          %add3A_827 = arith.addf %mul3A_824, %add3A_826 : vector<16xf32>
          %mul3A_828 = arith.mulf %add3A_827, %mul3A_813 : vector<16xf32>
          %add3A_829 = arith.constant 0.106674701 : f32
          %add3A_830 = vector.broadcast %add3A_829 : f32 to vector<16xf32>
          %add3A_831 = arith.addf %mul3A_828, %add3A_830 : vector<16xf32>
          %mul3A_832 = arith.mulf %add3A_831, %mul3A_813 : vector<16xf32>
          %add3A_833 = arith.constant -0.142111033 : f32
          %add3A_834 = vector.broadcast %add3A_833 : f32 to vector<16xf32>
          %add3A_835 = arith.addf %mul3A_832, %add3A_834 : vector<16xf32>
          %mul3A_836 = arith.mulf %add3A_835, %mul3A_813 : vector<16xf32>
          %add3A_837 = arith.constant 0.199936941 : f32
          %add3A_838 = vector.broadcast %add3A_837 : f32 to vector<16xf32>
          %add3A_839 = arith.addf %mul3A_836, %add3A_838 : vector<16xf32>
          %mul3A_840 = arith.mulf %add3A_839, %mul3A_813 : vector<16xf32>
          %add3A_841 = arith.constant -0.333331376 : f32
          %add3A_842 = vector.broadcast %add3A_841 : f32 to vector<16xf32>
          %add3A_843 = arith.addf %mul3A_840, %add3A_842 : vector<16xf32>
          %mul3A_844 = arith.mulf %add3A_843, %mul3A_813 : vector<16xf32>
          %add3A_845 = arith.constant 1.000000e+00 : f32
          %add3A_846 = vector.broadcast %add3A_845 : f32 to vector<16xf32>
          %add3A_847 = arith.addf %mul3A_844, %add3A_846 : vector<16xf32>
          %mul3A_848 = arith.mulf %add3A_847, %mul3A_812 : vector<16xf32>
          %gt3A = arith.cmpf ogt, %mul3A_791, %mul3A_749 : vector<16xf32>
          %sub3A_849 = arith.constant 1.57079637 : f32
          %sub3A_850 = vector.broadcast %sub3A_849 : f32 to vector<16xf32>
          %sub3A_851 = arith.subf %sub3A_850, %mul3A_848 : vector<16xf32>
          %select_n3A_852 = arith.select %gt3A, %sub3A_851, %mul3A_848 : vector<16xi1>, vector<16xf32>
          %mul3A_853 = arith.constant 2.000000e+00 : f32
          %mul3A_854 = vector.broadcast %mul3A_853 : f32 to vector<16xf32>
          %mul3A_855 = arith.mulf %mul3A_854, %select_n3A_852 : vector<16xf32>
          %lt3A_856 = arith.constant 1.000000e-07 : f32
          %lt3A_857 = vector.broadcast %lt3A_856 : f32 to vector<16xf32>
          %lt3A_858 = arith.cmpf olt, %mul3A_791, %lt3A_857 : vector<16xf32>
          %mul3A_859 = arith.mulf %mul3A_855, %mul3A_790 : vector<16xf32>
          %jit3A_860 = arith.constant 2.000000e+00 : f32
          %broadcast_in_dim3A_861 = vector.broadcast %jit3A_860 : f32 to vector<16xf32>
          %select_n3A_862 = arith.select %lt3A_858, %broadcast_in_dim3A_861, %mul3A_859 : vector<16xi1>, vector<16xf32>
          %mul3A_863 = arith.mulf %mul3A_746, %select_n3A_862 : vector<16xf32>
          %mul3A_864 = arith.mulf %mul3A_747, %select_n3A_862 : vector<16xf32>
          %mul3A_865 = arith.mulf %mul3A_748, %select_n3A_862 : vector<16xf32>
          %mul3A_866 = arith.mulf %mul3A_863, %mul3A_863 : vector<16xf32>
          %mul3A_867 = arith.mulf %mul3A_864, %mul3A_864 : vector<16xf32>
          %add3A_868 = arith.addf %mul3A_866, %mul3A_867 : vector<16xf32>
          %mul3A_869 = arith.mulf %mul3A_865, %mul3A_865 : vector<16xf32>
          %add3A_870 = arith.addf %add3A_868, %mul3A_869 : vector<16xf32>
          %lt3A_871 = arith.constant 9.99999997E-7 : f32
          %lt3A_872 = vector.broadcast %lt3A_871 : f32 to vector<16xf32>
          %lt3A_873 = arith.cmpf olt, %mul3A_855, %lt3A_872 : vector<16xf32>
          %jit3A_874 = arith.constant 1.000000e+00 : f32
          %broadcast_in_dim3A_875 = vector.broadcast %jit3A_874 : f32 to vector<16xf32>
          %select_n3A_876 = arith.select %lt3A_873, %broadcast_in_dim3A_875, %mul3A_855 : vector<16xi1>, vector<16xf32>
          %bitcast3A_877 = vector.bitcast %select_n3A_876 : vector<16xf32> to vector<16xi32>
          %sub3A_878 = arith.constant 2129859011 : i32
          %sub3A_879 = vector.broadcast %sub3A_878 : i32 to vector<16xi32>
          %sub3A_880 = arith.subi %sub3A_879, %bitcast3A_877 : vector<16xi32>
          %bitcast3A_881 = vector.bitcast %sub3A_880 : vector<16xi32> to vector<16xf32>
          %mul3A_882 = arith.mulf %select_n3A_876, %bitcast3A_881 : vector<16xf32>
          %sub3A_883 = arith.constant 2.000000e+00 : f32
          %sub3A_884 = vector.broadcast %sub3A_883 : f32 to vector<16xf32>
          %sub3A_885 = arith.subf %sub3A_884, %mul3A_882 : vector<16xf32>
          %mul3A_886 = arith.mulf %bitcast3A_881, %sub3A_885 : vector<16xf32>
          %mul3A_887 = arith.mulf %select_n3A_876, %mul3A_886 : vector<16xf32>
          %sub3A_888 = arith.constant 2.000000e+00 : f32
          %sub3A_889 = vector.broadcast %sub3A_888 : f32 to vector<16xf32>
          %sub3A_890 = arith.subf %sub3A_889, %mul3A_887 : vector<16xf32>
          %mul3A_891 = arith.mulf %mul3A_886, %sub3A_890 : vector<16xf32>
          %mul3A_892 = arith.mulf %select_n3A_876, %mul3A_891 : vector<16xf32>
          %sub3A_893 = arith.constant 2.000000e+00 : f32
          %sub3A_894 = vector.broadcast %sub3A_893 : f32 to vector<16xf32>
          %sub3A_895 = arith.subf %sub3A_894, %mul3A_892 : vector<16xf32>
          %mul3A_896 = arith.mulf %mul3A_891, %sub3A_895 : vector<16xf32>
          %mul3A_897 = arith.mulf %mul3A_896, %mul3A_896 : vector<16xf32>
          %mul3A_898 = arith.constant 5.000000e-01 : f32
          %mul3A_899 = vector.broadcast %mul3A_898 : f32 to vector<16xf32>
          %mul3A_900 = arith.mulf %mul3A_899, %mul3A_749 : vector<16xf32>
          %mul3A_901 = arith.mulf %mul3A_900, %mul3A_790 : vector<16xf32>
          %mul3A_902 = arith.mulf %mul3A_901, %mul3A_896 : vector<16xf32>
          %sub3A_903 = arith.subf %mul3A_897, %mul3A_902 : vector<16xf32>
          %jit3A_904 = arith.constant 0.0833333358 : f32
          %broadcast_in_dim3A_905 = vector.broadcast %jit3A_904 : f32 to vector<16xf32>
          %select_n3A_906 = arith.select %lt3A_873, %broadcast_in_dim3A_905, %sub3A_903 : vector<16xi1>, vector<16xf32>
          %mul3A_907 = arith.mulf %mul3A_863, %add3A_669 : vector<16xf32>
          %mul3A_908 = arith.mulf %mul3A_864, %add3A_675 : vector<16xf32>
          %add3A_909 = arith.addf %mul3A_907, %mul3A_908 : vector<16xf32>
          %mul3A_910 = arith.mulf %mul3A_865, %add3A_681 : vector<16xf32>
          %add3A_911 = arith.addf %add3A_909, %mul3A_910 : vector<16xf32>
          %mul3A_912 = arith.mulf %select_n3A_906, %add3A_870 : vector<16xf32>
          %sub3A_913 = arith.constant 1.000000e+00 : f32
          %sub3A_914 = vector.broadcast %sub3A_913 : f32 to vector<16xf32>
          %sub3A_915 = arith.subf %sub3A_914, %mul3A_912 : vector<16xf32>
          %mul3A_916 = arith.mulf %mul3A_864, %add3A_681 : vector<16xf32>
          %mul3A_917 = arith.mulf %mul3A_865, %add3A_675 : vector<16xf32>
          %sub3A_918 = arith.subf %mul3A_916, %mul3A_917 : vector<16xf32>
          %mul3A_919 = arith.mulf %mul3A_865, %add3A_669 : vector<16xf32>
          %mul3A_920 = arith.mulf %mul3A_863, %add3A_681 : vector<16xf32>
          %sub3A_921 = arith.subf %mul3A_919, %mul3A_920 : vector<16xf32>
          %mul3A_922 = arith.mulf %mul3A_863, %add3A_675 : vector<16xf32>
          %mul3A_923 = arith.mulf %mul3A_864, %add3A_669 : vector<16xf32>
          %sub3A_924 = arith.subf %mul3A_922, %mul3A_923 : vector<16xf32>
          %mul3A_925 = arith.mulf %select_n3A_906, %add3A_911 : vector<16xf32>
          %mul3A_926 = arith.mulf %add3A_669, %sub3A_915 : vector<16xf32>
          %mul3A_927 = arith.constant 5.000000e-01 : f32
          %mul3A_928 = vector.broadcast %mul3A_927 : f32 to vector<16xf32>
          %mul3A_929 = arith.mulf %mul3A_928, %sub3A_918 : vector<16xf32>
          %sub3A_930 = arith.subf %mul3A_926, %mul3A_929 : vector<16xf32>
          %mul3A_931 = arith.mulf %mul3A_925, %mul3A_863 : vector<16xf32>
          %add3A_932 = arith.addf %sub3A_930, %mul3A_931 : vector<16xf32>
          %mul3A_933 = arith.mulf %add3A_675, %sub3A_915 : vector<16xf32>
          %mul3A_934 = arith.constant 5.000000e-01 : f32
          %mul3A_935 = vector.broadcast %mul3A_934 : f32 to vector<16xf32>
          %mul3A_936 = arith.mulf %mul3A_935, %sub3A_921 : vector<16xf32>
          %sub3A_937 = arith.subf %mul3A_933, %mul3A_936 : vector<16xf32>
          %mul3A_938 = arith.mulf %mul3A_925, %mul3A_864 : vector<16xf32>
          %add3A_939 = arith.addf %sub3A_937, %mul3A_938 : vector<16xf32>
          %mul3A_940 = arith.mulf %add3A_681, %sub3A_915 : vector<16xf32>
          %mul3A_941 = arith.constant 5.000000e-01 : f32
          %mul3A_942 = vector.broadcast %mul3A_941 : f32 to vector<16xf32>
          %mul3A_943 = arith.mulf %mul3A_942, %sub3A_924 : vector<16xf32>
          %sub3A_944 = arith.subf %mul3A_940, %mul3A_943 : vector<16xf32>
          %mul3A_945 = arith.mulf %mul3A_925, %mul3A_865 : vector<16xf32>
          %add3A_946 = arith.addf %sub3A_944, %mul3A_945 : vector<16xf32>
          %add3A_947 = arith.constant 0 : i32
          %add3A_948 = arith.addi %add3A_947, %mul3A_535 : i32
          %swap3A = arith.index_cast %select_n3A : i32 to index
          %swap3A_949 = arith.index_cast %add3A_948 : i32 to index
          %swap3A_950 = tpu.vector_load %arg18[%swap3A, %swap3A_949] {strides = array<i32>} : memref<4x1024xf32, #tpu.memory_space<vmem>>, vector<16xf32>,
          tpu.vector_store %arg18[%swap3A, %swap3A_949], %add3A_932 {strides = array<i32>} : memref<4x1024xf32, #tpu.memory_space<vmem>>, vector<16xf32>,
          %add3A_951 = arith.constant 128 : i32
          %add3A_952 = arith.addi %add3A_951, %mul3A_535 : i32
          %swap3A_953 = arith.index_cast %select_n3A : i32 to index
          %swap3A_954 = arith.index_cast %add3A_952 : i32 to index
          %swap3A_955 = tpu.vector_load %arg18[%swap3A_953, %swap3A_954] {strides = array<i32>} : memref<4x1024xf32, #tpu.memory_space<vmem>>, vector<16xf32>,
          tpu.vector_store %arg18[%swap3A_953, %swap3A_954], %add3A_939 {strides = array<i32>} : memref<4x1024xf32, #tpu.memory_space<vmem>>, vector<16xf32>,
          %add3A_956 = arith.constant 256 : i32
          %add3A_957 = arith.addi %add3A_956, %mul3A_535 : i32
          %swap3A_958 = arith.index_cast %select_n3A : i32 to index
          %swap3A_959 = arith.index_cast %add3A_957 : i32 to index
          %swap3A_960 = tpu.vector_load %arg18[%swap3A_958, %swap3A_959] {strides = array<i32>} : memref<4x1024xf32, #tpu.memory_space<vmem>>, vector<16xf32>,
          tpu.vector_store %arg18[%swap3A_958, %swap3A_959], %add3A_946 {strides = array<i32>} : memref<4x1024xf32, #tpu.memory_space<vmem>>, vector<16xf32>,
          %add3A_961 = arith.constant 384 : i32
          %add3A_962 = arith.addi %add3A_961, %mul3A_535 : i32
          %swap3A_963 = arith.index_cast %select_n3A : i32 to index
          %swap3A_964 = arith.index_cast %add3A_962 : i32 to index
          %swap3A_965 = tpu.vector_load %arg18[%swap3A_963, %swap3A_964] {strides = array<i32>} : memref<4x1024xf32, #tpu.memory_space<vmem>>, vector<16xf32>,
          tpu.vector_store %arg18[%swap3A_963, %swap3A_964], %mul3A_863 {strides = array<i32>} : memref<4x1024xf32, #tpu.memory_space<vmem>>, vector<16xf32>,
          %add3A_966 = arith.constant 512 : i32
          %add3A_967 = arith.addi %add3A_966, %mul3A_535 : i32
          %swap3A_968 = arith.index_cast %select_n3A : i32 to index
          %swap3A_969 = arith.index_cast %add3A_967 : i32 to index
          %swap3A_970 = tpu.vector_load %arg18[%swap3A_968, %swap3A_969] {strides = array<i32>} : memref<4x1024xf32, #tpu.memory_space<vmem>>, vector<16xf32>,
          tpu.vector_store %arg18[%swap3A_968, %swap3A_969], %mul3A_864 {strides = array<i32>} : memref<4x1024xf32, #tpu.memory_space<vmem>>, vector<16xf32>,
          %add3A_971 = arith.constant 640 : i32
          %add3A_972 = arith.addi %add3A_971, %mul3A_535 : i32
          %swap3A_973 = arith.index_cast %select_n3A : i32 to index
          %swap3A_974 = arith.index_cast %add3A_972 : i32 to index
          %swap3A_975 = tpu.vector_load %arg18[%swap3A_973, %swap3A_974] {strides = array<i32>} : memref<4x1024xf32, #tpu.memory_space<vmem>>, vector<16xf32>,
          tpu.vector_store %arg18[%swap3A_973, %swap3A_974], %mul3A_865 {strides = array<i32>} : memref<4x1024xf32, #tpu.memory_space<vmem>>, vector<16xf32>,
        }
        %scan3A_499 = arith.constant 32 : i32
        %mul3A_500 = arith.constant 4 : i32
        %mul3A_501 = arith.muli %add3A_301, %mul3A_500 : i32
        "tpu.region"() ({
          %run_scoped3A = tpu.sem_alloc : memref<!tpu.dma_semaphore, #tpu.memory_space<semaphore_mem>>
          %dma_start3A_502 = arith.constant 0 : i32
          %dma_start3A_503 = tpu.memref_slice %arg5[%mul3A_501, %dma_start3A_502] : memref<12500x1024xf32, #tpu.memory_space<hbm>> -> memref<4x1024xf32, #tpu.memory_space<hbm>>
          %dma_start3A_504 = arith.constant 0 : i32
          %dma_start3A_505 = tpu.memref_slice %arg5[%mul3A_501, %dma_start3A_504] : memref<12500x1024xf32, #tpu.memory_space<hbm>> -> memref<4x1024xf32, #tpu.memory_space<hbm>>
          tpu.enqueue_dma source(%arg18 : memref<4x1024xf32, #tpu.memory_space<vmem>>) target(%dma_start3A_505 : memref<4x1024xf32, #tpu.memory_space<hbm>>) target_semaphore(%run_scoped3A : memref<!tpu.dma_semaphore, #tpu.memory_space<semaphore_mem>>)
          %dma_wait3A_506 = arith.constant 0 : i32
          %dma_wait3A_507 = tpu.memref_slice %arg5[%mul3A_501, %dma_wait3A_506] : memref<12500x1024xf32, #tpu.memory_space<hbm>> -> memref<4x1024xf32, #tpu.memory_space<hbm>>
          %dma_wait3A_508 = arith.constant 0 : i32
          %dma_wait3A_509 = tpu.memref_slice %arg5[%mul3A_501, %dma_wait3A_508] : memref<12500x1024xf32, #tpu.memory_space<hbm>> -> memref<4x1024xf32, #tpu.memory_space<hbm>>
          tpu.wait_dma2 semaphore(%run_scoped3A : memref<!tpu.dma_semaphore, #tpu.memory_space<semaphore_mem>>) src(%arg18 : memref<4x1024xf32, #tpu.memory_space<vmem>>) dst(%dma_wait3A_509 : memref<4x1024xf32, #tpu.memory_space<hbm>>)
          tpu.yield
        }) : () -> ()
      } else {
      }
    }
    %scan3A_293 = arith.constant 49 : i32
    return
  }
}

module attributes {stable_mosaic.version = 14 : i64} {
  func.func @_tc_matvec_body(%arg0: i32, %arg1: memref<6x6x1024xf32, #tpu.memory_space<vmem>>, %arg2: memref<8x1024xf32, #tpu.memory_space<vmem>>, %arg3: memref<6x1024xf32, #tpu.memory_space<vmem>>) attributes {dimension_semantics = [#tpu.dimension_semantics<arbitrary>], iteration_bounds = array<i64: 1563>, scalar_prefetch = 0 : i64, scratch_operands = 0 : i64, tpu.core_type = #tpu.core_type<tc>, window_params = [{transform_indices = @transform_0, window_bounds = array<i64: 6, 6, 1024>}, {transform_indices = @transform_1, window_bounds = array<i64: 8, 1024>}, {transform_indices = @transform_2, window_bounds = array<i64: 6, 1024>}]} {
    %get3A = arith.constant 0 : index
    %get3A_0 = arith.constant 0 : index
    %get3A_1 = arith.constant 0 : index
    %get3A_2 = vector.load %arg1[%get3A, %get3A_0, %get3A_1] : memref<6x6x1024xf32, #tpu.memory_space<vmem>>, vector<1x1x1024xf32>
    %get3A_3 = vector.shape_cast %get3A_2 : vector<1x1x1024xf32> to vector<1024xf32>
    %reshape3A = vector.shape_cast %get3A_3 : vector<1024xf32> to vector<8x128xf32>
    %get3A_4 = arith.constant 0 : index
    %get3A_5 = arith.constant 0 : index
    %get3A_6 = vector.load %arg2[%get3A_4, %get3A_5] : memref<8x1024xf32, #tpu.memory_space<vmem>>, vector<8x128xf32>
    %mul3A = arith.mulf %reshape3A, %get3A_6 : vector<8x128xf32>
    %get3A_7 = arith.constant 0 : index
    %get3A_8 = arith.constant 1 : index
    %get3A_9 = arith.constant 0 : index
    %get3A_10 = vector.load %arg1[%get3A_7, %get3A_8, %get3A_9] : memref<6x6x1024xf32, #tpu.memory_space<vmem>>, vector<1x1x1024xf32>
    %get3A_11 = vector.shape_cast %get3A_10 : vector<1x1x1024xf32> to vector<1024xf32>
    %reshape3A_12 = vector.shape_cast %get3A_11 : vector<1024xf32> to vector<8x128xf32>
    %get3A_13 = arith.constant 0 : index
    %get3A_14 = arith.constant 128 : index
    %get3A_15 = vector.load %arg2[%get3A_13, %get3A_14] : memref<8x1024xf32, #tpu.memory_space<vmem>>, vector<8x128xf32>
    %mul3A_16 = arith.mulf %reshape3A_12, %get3A_15 : vector<8x128xf32>
    %add3A = arith.addf %mul3A, %mul3A_16 : vector<8x128xf32>
    %get3A_17 = arith.constant 0 : index
    %get3A_18 = arith.constant 2 : index
    %get3A_19 = arith.constant 0 : index
    %get3A_20 = vector.load %arg1[%get3A_17, %get3A_18, %get3A_19] : memref<6x6x1024xf32, #tpu.memory_space<vmem>>, vector<1x1x1024xf32>
    %get3A_21 = vector.shape_cast %get3A_20 : vector<1x1x1024xf32> to vector<1024xf32>
    %reshape3A_22 = vector.shape_cast %get3A_21 : vector<1024xf32> to vector<8x128xf32>
    %get3A_23 = arith.constant 0 : index
    %get3A_24 = arith.constant 256 : index
    %get3A_25 = vector.load %arg2[%get3A_23, %get3A_24] : memref<8x1024xf32, #tpu.memory_space<vmem>>, vector<8x128xf32>
    %mul3A_26 = arith.mulf %reshape3A_22, %get3A_25 : vector<8x128xf32>
    %add3A_27 = arith.addf %add3A, %mul3A_26 : vector<8x128xf32>
    %get3A_28 = arith.constant 0 : index
    %get3A_29 = arith.constant 3 : index
    %get3A_30 = arith.constant 0 : index
    %get3A_31 = vector.load %arg1[%get3A_28, %get3A_29, %get3A_30] : memref<6x6x1024xf32, #tpu.memory_space<vmem>>, vector<1x1x1024xf32>
    %get3A_32 = vector.shape_cast %get3A_31 : vector<1x1x1024xf32> to vector<1024xf32>
    %reshape3A_33 = vector.shape_cast %get3A_32 : vector<1024xf32> to vector<8x128xf32>
    %get3A_34 = arith.constant 0 : index
    %get3A_35 = arith.constant 384 : index
    %get3A_36 = vector.load %arg2[%get3A_34, %get3A_35] : memref<8x1024xf32, #tpu.memory_space<vmem>>, vector<8x128xf32>
    %mul3A_37 = arith.mulf %reshape3A_33, %get3A_36 : vector<8x128xf32>
    %add3A_38 = arith.addf %add3A_27, %mul3A_37 : vector<8x128xf32>
    %get3A_39 = arith.constant 0 : index
    %get3A_40 = arith.constant 4 : index
    %get3A_41 = arith.constant 0 : index
    %get3A_42 = vector.load %arg1[%get3A_39, %get3A_40, %get3A_41] : memref<6x6x1024xf32, #tpu.memory_space<vmem>>, vector<1x1x1024xf32>
    %get3A_43 = vector.shape_cast %get3A_42 : vector<1x1x1024xf32> to vector<1024xf32>
    %reshape3A_44 = vector.shape_cast %get3A_43 : vector<1024xf32> to vector<8x128xf32>
    %get3A_45 = arith.constant 0 : index
    %get3A_46 = arith.constant 512 : index
    %get3A_47 = vector.load %arg2[%get3A_45, %get3A_46] : memref<8x1024xf32, #tpu.memory_space<vmem>>, vector<8x128xf32>
    %mul3A_48 = arith.mulf %reshape3A_44, %get3A_47 : vector<8x128xf32>
    %add3A_49 = arith.addf %add3A_38, %mul3A_48 : vector<8x128xf32>
    %get3A_50 = arith.constant 0 : index
    %get3A_51 = arith.constant 5 : index
    %get3A_52 = arith.constant 0 : index
    %get3A_53 = vector.load %arg1[%get3A_50, %get3A_51, %get3A_52] : memref<6x6x1024xf32, #tpu.memory_space<vmem>>, vector<1x1x1024xf32>
    %get3A_54 = vector.shape_cast %get3A_53 : vector<1x1x1024xf32> to vector<1024xf32>
    %reshape3A_55 = vector.shape_cast %get3A_54 : vector<1024xf32> to vector<8x128xf32>
    %get3A_56 = arith.constant 0 : index
    %get3A_57 = arith.constant 640 : index
    %get3A_58 = vector.load %arg2[%get3A_56, %get3A_57] : memref<8x1024xf32, #tpu.memory_space<vmem>>, vector<8x128xf32>
    %mul3A_59 = arith.mulf %reshape3A_55, %get3A_58 : vector<8x128xf32>
    %add3A_60 = arith.addf %add3A_49, %mul3A_59 : vector<8x128xf32>
    %reshape3A_61 = vector.shape_cast %add3A_60 : vector<8x128xf32> to vector<1x1024xf32>
    %get3A_62 = arith.constant 1 : index
    %get3A_63 = arith.constant 0 : index
    %get3A_64 = arith.constant 0 : index
    %get3A_65 = vector.load %arg1[%get3A_62, %get3A_63, %get3A_64] : memref<6x6x1024xf32, #tpu.memory_space<vmem>>, vector<1x1x1024xf32>
    %get3A_66 = vector.shape_cast %get3A_65 : vector<1x1x1024xf32> to vector<1024xf32>
    %reshape3A_67 = vector.shape_cast %get3A_66 : vector<1024xf32> to vector<8x128xf32>
    %get3A_68 = arith.constant 0 : index
    %get3A_69 = arith.constant 0 : index
    %get3A_70 = vector.load %arg2[%get3A_68, %get3A_69] : memref<8x1024xf32, #tpu.memory_space<vmem>>, vector<8x128xf32>
    %mul3A_71 = arith.mulf %reshape3A_67, %get3A_70 : vector<8x128xf32>
    %get3A_72 = arith.constant 1 : index
    %get3A_73 = arith.constant 1 : index
    %get3A_74 = arith.constant 0 : index
    %get3A_75 = vector.load %arg1[%get3A_72, %get3A_73, %get3A_74] : memref<6x6x1024xf32, #tpu.memory_space<vmem>>, vector<1x1x1024xf32>
    %get3A_76 = vector.shape_cast %get3A_75 : vector<1x1x1024xf32> to vector<1024xf32>
    %reshape3A_77 = vector.shape_cast %get3A_76 : vector<1024xf32> to vector<8x128xf32>
    %get3A_78 = arith.constant 0 : index
    %get3A_79 = arith.constant 128 : index
    %get3A_80 = vector.load %arg2[%get3A_78, %get3A_79] : memref<8x1024xf32, #tpu.memory_space<vmem>>, vector<8x128xf32>
    %mul3A_81 = arith.mulf %reshape3A_77, %get3A_80 : vector<8x128xf32>
    %add3A_82 = arith.addf %mul3A_71, %mul3A_81 : vector<8x128xf32>
    %get3A_83 = arith.constant 1 : index
    %get3A_84 = arith.constant 2 : index
    %get3A_85 = arith.constant 0 : index
    %get3A_86 = vector.load %arg1[%get3A_83, %get3A_84, %get3A_85] : memref<6x6x1024xf32, #tpu.memory_space<vmem>>, vector<1x1x1024xf32>
    %get3A_87 = vector.shape_cast %get3A_86 : vector<1x1x1024xf32> to vector<1024xf32>
    %reshape3A_88 = vector.shape_cast %get3A_87 : vector<1024xf32> to vector<8x128xf32>
    %get3A_89 = arith.constant 0 : index
    %get3A_90 = arith.constant 256 : index
    %get3A_91 = vector.load %arg2[%get3A_89, %get3A_90] : memref<8x1024xf32, #tpu.memory_space<vmem>>, vector<8x128xf32>
    %mul3A_92 = arith.mulf %reshape3A_88, %get3A_91 : vector<8x128xf32>
    %add3A_93 = arith.addf %add3A_82, %mul3A_92 : vector<8x128xf32>
    %get3A_94 = arith.constant 1 : index
    %get3A_95 = arith.constant 3 : index
    %get3A_96 = arith.constant 0 : index
    %get3A_97 = vector.load %arg1[%get3A_94, %get3A_95, %get3A_96] : memref<6x6x1024xf32, #tpu.memory_space<vmem>>, vector<1x1x1024xf32>
    %get3A_98 = vector.shape_cast %get3A_97 : vector<1x1x1024xf32> to vector<1024xf32>
    %reshape3A_99 = vector.shape_cast %get3A_98 : vector<1024xf32> to vector<8x128xf32>
    %get3A_100 = arith.constant 0 : index
    %get3A_101 = arith.constant 384 : index
    %get3A_102 = vector.load %arg2[%get3A_100, %get3A_101] : memref<8x1024xf32, #tpu.memory_space<vmem>>, vector<8x128xf32>
    %mul3A_103 = arith.mulf %reshape3A_99, %get3A_102 : vector<8x128xf32>
    %add3A_104 = arith.addf %add3A_93, %mul3A_103 : vector<8x128xf32>
    %get3A_105 = arith.constant 1 : index
    %get3A_106 = arith.constant 4 : index
    %get3A_107 = arith.constant 0 : index
    %get3A_108 = vector.load %arg1[%get3A_105, %get3A_106, %get3A_107] : memref<6x6x1024xf32, #tpu.memory_space<vmem>>, vector<1x1x1024xf32>
    %get3A_109 = vector.shape_cast %get3A_108 : vector<1x1x1024xf32> to vector<1024xf32>
    %reshape3A_110 = vector.shape_cast %get3A_109 : vector<1024xf32> to vector<8x128xf32>
    %get3A_111 = arith.constant 0 : index
    %get3A_112 = arith.constant 512 : index
    %get3A_113 = vector.load %arg2[%get3A_111, %get3A_112] : memref<8x1024xf32, #tpu.memory_space<vmem>>, vector<8x128xf32>
    %mul3A_114 = arith.mulf %reshape3A_110, %get3A_113 : vector<8x128xf32>
    %add3A_115 = arith.addf %add3A_104, %mul3A_114 : vector<8x128xf32>
    %get3A_116 = arith.constant 1 : index
    %get3A_117 = arith.constant 5 : index
    %get3A_118 = arith.constant 0 : index
    %get3A_119 = vector.load %arg1[%get3A_116, %get3A_117, %get3A_118] : memref<6x6x1024xf32, #tpu.memory_space<vmem>>, vector<1x1x1024xf32>
    %get3A_120 = vector.shape_cast %get3A_119 : vector<1x1x1024xf32> to vector<1024xf32>
    %reshape3A_121 = vector.shape_cast %get3A_120 : vector<1024xf32> to vector<8x128xf32>
    %get3A_122 = arith.constant 0 : index
    %get3A_123 = arith.constant 640 : index
    %get3A_124 = vector.load %arg2[%get3A_122, %get3A_123] : memref<8x1024xf32, #tpu.memory_space<vmem>>, vector<8x128xf32>
    %mul3A_125 = arith.mulf %reshape3A_121, %get3A_124 : vector<8x128xf32>
    %add3A_126 = arith.addf %add3A_115, %mul3A_125 : vector<8x128xf32>
    %reshape3A_127 = vector.shape_cast %add3A_126 : vector<8x128xf32> to vector<1x1024xf32>
    %get3A_128 = arith.constant 2 : index
    %get3A_129 = arith.constant 0 : index
    %get3A_130 = arith.constant 0 : index
    %get3A_131 = vector.load %arg1[%get3A_128, %get3A_129, %get3A_130] : memref<6x6x1024xf32, #tpu.memory_space<vmem>>, vector<1x1x1024xf32>
    %get3A_132 = vector.shape_cast %get3A_131 : vector<1x1x1024xf32> to vector<1024xf32>
    %reshape3A_133 = vector.shape_cast %get3A_132 : vector<1024xf32> to vector<8x128xf32>
    %get3A_134 = arith.constant 0 : index
    %get3A_135 = arith.constant 0 : index
    %get3A_136 = vector.load %arg2[%get3A_134, %get3A_135] : memref<8x1024xf32, #tpu.memory_space<vmem>>, vector<8x128xf32>
    %mul3A_137 = arith.mulf %reshape3A_133, %get3A_136 : vector<8x128xf32>
    %get3A_138 = arith.constant 2 : index
    %get3A_139 = arith.constant 1 : index
    %get3A_140 = arith.constant 0 : index
    %get3A_141 = vector.load %arg1[%get3A_138, %get3A_139, %get3A_140] : memref<6x6x1024xf32, #tpu.memory_space<vmem>>, vector<1x1x1024xf32>
    %get3A_142 = vector.shape_cast %get3A_141 : vector<1x1x1024xf32> to vector<1024xf32>
    %reshape3A_143 = vector.shape_cast %get3A_142 : vector<1024xf32> to vector<8x128xf32>
    %get3A_144 = arith.constant 0 : index
    %get3A_145 = arith.constant 128 : index
    %get3A_146 = vector.load %arg2[%get3A_144, %get3A_145] : memref<8x1024xf32, #tpu.memory_space<vmem>>, vector<8x128xf32>
    %mul3A_147 = arith.mulf %reshape3A_143, %get3A_146 : vector<8x128xf32>
    %add3A_148 = arith.addf %mul3A_137, %mul3A_147 : vector<8x128xf32>
    %get3A_149 = arith.constant 2 : index
    %get3A_150 = arith.constant 2 : index
    %get3A_151 = arith.constant 0 : index
    %get3A_152 = vector.load %arg1[%get3A_149, %get3A_150, %get3A_151] : memref<6x6x1024xf32, #tpu.memory_space<vmem>>, vector<1x1x1024xf32>
    %get3A_153 = vector.shape_cast %get3A_152 : vector<1x1x1024xf32> to vector<1024xf32>
    %reshape3A_154 = vector.shape_cast %get3A_153 : vector<1024xf32> to vector<8x128xf32>
    %get3A_155 = arith.constant 0 : index
    %get3A_156 = arith.constant 256 : index
    %get3A_157 = vector.load %arg2[%get3A_155, %get3A_156] : memref<8x1024xf32, #tpu.memory_space<vmem>>, vector<8x128xf32>
    %mul3A_158 = arith.mulf %reshape3A_154, %get3A_157 : vector<8x128xf32>
    %add3A_159 = arith.addf %add3A_148, %mul3A_158 : vector<8x128xf32>
    %get3A_160 = arith.constant 2 : index
    %get3A_161 = arith.constant 3 : index
    %get3A_162 = arith.constant 0 : index
    %get3A_163 = vector.load %arg1[%get3A_160, %get3A_161, %get3A_162] : memref<6x6x1024xf32, #tpu.memory_space<vmem>>, vector<1x1x1024xf32>
    %get3A_164 = vector.shape_cast %get3A_163 : vector<1x1x1024xf32> to vector<1024xf32>
    %reshape3A_165 = vector.shape_cast %get3A_164 : vector<1024xf32> to vector<8x128xf32>
    %get3A_166 = arith.constant 0 : index
    %get3A_167 = arith.constant 384 : index
    %get3A_168 = vector.load %arg2[%get3A_166, %get3A_167] : memref<8x1024xf32, #tpu.memory_space<vmem>>, vector<8x128xf32>
    %mul3A_169 = arith.mulf %reshape3A_165, %get3A_168 : vector<8x128xf32>
    %add3A_170 = arith.addf %add3A_159, %mul3A_169 : vector<8x128xf32>
    %get3A_171 = arith.constant 2 : index
    %get3A_172 = arith.constant 4 : index
    %get3A_173 = arith.constant 0 : index
    %get3A_174 = vector.load %arg1[%get3A_171, %get3A_172, %get3A_173] : memref<6x6x1024xf32, #tpu.memory_space<vmem>>, vector<1x1x1024xf32>
    %get3A_175 = vector.shape_cast %get3A_174 : vector<1x1x1024xf32> to vector<1024xf32>
    %reshape3A_176 = vector.shape_cast %get3A_175 : vector<1024xf32> to vector<8x128xf32>
    %get3A_177 = arith.constant 0 : index
    %get3A_178 = arith.constant 512 : index
    %get3A_179 = vector.load %arg2[%get3A_177, %get3A_178] : memref<8x1024xf32, #tpu.memory_space<vmem>>, vector<8x128xf32>
    %mul3A_180 = arith.mulf %reshape3A_176, %get3A_179 : vector<8x128xf32>
    %add3A_181 = arith.addf %add3A_170, %mul3A_180 : vector<8x128xf32>
    %get3A_182 = arith.constant 2 : index
    %get3A_183 = arith.constant 5 : index
    %get3A_184 = arith.constant 0 : index
    %get3A_185 = vector.load %arg1[%get3A_182, %get3A_183, %get3A_184] : memref<6x6x1024xf32, #tpu.memory_space<vmem>>, vector<1x1x1024xf32>
    %get3A_186 = vector.shape_cast %get3A_185 : vector<1x1x1024xf32> to vector<1024xf32>
    %reshape3A_187 = vector.shape_cast %get3A_186 : vector<1024xf32> to vector<8x128xf32>
    %get3A_188 = arith.constant 0 : index
    %get3A_189 = arith.constant 640 : index
    %get3A_190 = vector.load %arg2[%get3A_188, %get3A_189] : memref<8x1024xf32, #tpu.memory_space<vmem>>, vector<8x128xf32>
    %mul3A_191 = arith.mulf %reshape3A_187, %get3A_190 : vector<8x128xf32>
    %add3A_192 = arith.addf %add3A_181, %mul3A_191 : vector<8x128xf32>
    %reshape3A_193 = vector.shape_cast %add3A_192 : vector<8x128xf32> to vector<1x1024xf32>
    %get3A_194 = arith.constant 3 : index
    %get3A_195 = arith.constant 0 : index
    %get3A_196 = arith.constant 0 : index
    %get3A_197 = vector.load %arg1[%get3A_194, %get3A_195, %get3A_196] : memref<6x6x1024xf32, #tpu.memory_space<vmem>>, vector<1x1x1024xf32>
    %get3A_198 = vector.shape_cast %get3A_197 : vector<1x1x1024xf32> to vector<1024xf32>
    %reshape3A_199 = vector.shape_cast %get3A_198 : vector<1024xf32> to vector<8x128xf32>
    %get3A_200 = arith.constant 0 : index
    %get3A_201 = arith.constant 0 : index
    %get3A_202 = vector.load %arg2[%get3A_200, %get3A_201] : memref<8x1024xf32, #tpu.memory_space<vmem>>, vector<8x128xf32>
    %mul3A_203 = arith.mulf %reshape3A_199, %get3A_202 : vector<8x128xf32>
    %get3A_204 = arith.constant 3 : index
    %get3A_205 = arith.constant 1 : index
    %get3A_206 = arith.constant 0 : index
    %get3A_207 = vector.load %arg1[%get3A_204, %get3A_205, %get3A_206] : memref<6x6x1024xf32, #tpu.memory_space<vmem>>, vector<1x1x1024xf32>
    %get3A_208 = vector.shape_cast %get3A_207 : vector<1x1x1024xf32> to vector<1024xf32>
    %reshape3A_209 = vector.shape_cast %get3A_208 : vector<1024xf32> to vector<8x128xf32>
    %get3A_210 = arith.constant 0 : index
    %get3A_211 = arith.constant 128 : index
    %get3A_212 = vector.load %arg2[%get3A_210, %get3A_211] : memref<8x1024xf32, #tpu.memory_space<vmem>>, vector<8x128xf32>
    %mul3A_213 = arith.mulf %reshape3A_209, %get3A_212 : vector<8x128xf32>
    %add3A_214 = arith.addf %mul3A_203, %mul3A_213 : vector<8x128xf32>
    %get3A_215 = arith.constant 3 : index
    %get3A_216 = arith.constant 2 : index
    %get3A_217 = arith.constant 0 : index
    %get3A_218 = vector.load %arg1[%get3A_215, %get3A_216, %get3A_217] : memref<6x6x1024xf32, #tpu.memory_space<vmem>>, vector<1x1x1024xf32>
    %get3A_219 = vector.shape_cast %get3A_218 : vector<1x1x1024xf32> to vector<1024xf32>
    %reshape3A_220 = vector.shape_cast %get3A_219 : vector<1024xf32> to vector<8x128xf32>
    %get3A_221 = arith.constant 0 : index
    %get3A_222 = arith.constant 256 : index
    %get3A_223 = vector.load %arg2[%get3A_221, %get3A_222] : memref<8x1024xf32, #tpu.memory_space<vmem>>, vector<8x128xf32>
    %mul3A_224 = arith.mulf %reshape3A_220, %get3A_223 : vector<8x128xf32>
    %add3A_225 = arith.addf %add3A_214, %mul3A_224 : vector<8x128xf32>
    %get3A_226 = arith.constant 3 : index
    %get3A_227 = arith.constant 3 : index
    %get3A_228 = arith.constant 0 : index
    %get3A_229 = vector.load %arg1[%get3A_226, %get3A_227, %get3A_228] : memref<6x6x1024xf32, #tpu.memory_space<vmem>>, vector<1x1x1024xf32>
    %get3A_230 = vector.shape_cast %get3A_229 : vector<1x1x1024xf32> to vector<1024xf32>
    %reshape3A_231 = vector.shape_cast %get3A_230 : vector<1024xf32> to vector<8x128xf32>
    %get3A_232 = arith.constant 0 : index
    %get3A_233 = arith.constant 384 : index
    %get3A_234 = vector.load %arg2[%get3A_232, %get3A_233] : memref<8x1024xf32, #tpu.memory_space<vmem>>, vector<8x128xf32>
    %mul3A_235 = arith.mulf %reshape3A_231, %get3A_234 : vector<8x128xf32>
    %add3A_236 = arith.addf %add3A_225, %mul3A_235 : vector<8x128xf32>
    %get3A_237 = arith.constant 3 : index
    %get3A_238 = arith.constant 4 : index
    %get3A_239 = arith.constant 0 : index
    %get3A_240 = vector.load %arg1[%get3A_237, %get3A_238, %get3A_239] : memref<6x6x1024xf32, #tpu.memory_space<vmem>>, vector<1x1x1024xf32>
    %get3A_241 = vector.shape_cast %get3A_240 : vector<1x1x1024xf32> to vector<1024xf32>
    %reshape3A_242 = vector.shape_cast %get3A_241 : vector<1024xf32> to vector<8x128xf32>
    %get3A_243 = arith.constant 0 : index
    %get3A_244 = arith.constant 512 : index
    %get3A_245 = vector.load %arg2[%get3A_243, %get3A_244] : memref<8x1024xf32, #tpu.memory_space<vmem>>, vector<8x128xf32>
    %mul3A_246 = arith.mulf %reshape3A_242, %get3A_245 : vector<8x128xf32>
    %add3A_247 = arith.addf %add3A_236, %mul3A_246 : vector<8x128xf32>
    %get3A_248 = arith.constant 3 : index
    %get3A_249 = arith.constant 5 : index
    %get3A_250 = arith.constant 0 : index
    %get3A_251 = vector.load %arg1[%get3A_248, %get3A_249, %get3A_250] : memref<6x6x1024xf32, #tpu.memory_space<vmem>>, vector<1x1x1024xf32>
    %get3A_252 = vector.shape_cast %get3A_251 : vector<1x1x1024xf32> to vector<1024xf32>
    %reshape3A_253 = vector.shape_cast %get3A_252 : vector<1024xf32> to vector<8x128xf32>
    %get3A_254 = arith.constant 0 : index
    %get3A_255 = arith.constant 640 : index
    %get3A_256 = vector.load %arg2[%get3A_254, %get3A_255] : memref<8x1024xf32, #tpu.memory_space<vmem>>, vector<8x128xf32>
    %mul3A_257 = arith.mulf %reshape3A_253, %get3A_256 : vector<8x128xf32>
    %add3A_258 = arith.addf %add3A_247, %mul3A_257 : vector<8x128xf32>
    %reshape3A_259 = vector.shape_cast %add3A_258 : vector<8x128xf32> to vector<1x1024xf32>
    %get3A_260 = arith.constant 4 : index
    %get3A_261 = arith.constant 0 : index
    %get3A_262 = arith.constant 0 : index
    %get3A_263 = vector.load %arg1[%get3A_260, %get3A_261, %get3A_262] : memref<6x6x1024xf32, #tpu.memory_space<vmem>>, vector<1x1x1024xf32>
    %get3A_264 = vector.shape_cast %get3A_263 : vector<1x1x1024xf32> to vector<1024xf32>
    %reshape3A_265 = vector.shape_cast %get3A_264 : vector<1024xf32> to vector<8x128xf32>
    %get3A_266 = arith.constant 0 : index
    %get3A_267 = arith.constant 0 : index
    %get3A_268 = vector.load %arg2[%get3A_266, %get3A_267] : memref<8x1024xf32, #tpu.memory_space<vmem>>, vector<8x128xf32>
    %mul3A_269 = arith.mulf %reshape3A_265, %get3A_268 : vector<8x128xf32>
    %get3A_270 = arith.constant 4 : index
    %get3A_271 = arith.constant 1 : index
    %get3A_272 = arith.constant 0 : index
    %get3A_273 = vector.load %arg1[%get3A_270, %get3A_271, %get3A_272] : memref<6x6x1024xf32, #tpu.memory_space<vmem>>, vector<1x1x1024xf32>
    %get3A_274 = vector.shape_cast %get3A_273 : vector<1x1x1024xf32> to vector<1024xf32>
    %reshape3A_275 = vector.shape_cast %get3A_274 : vector<1024xf32> to vector<8x128xf32>
    %get3A_276 = arith.constant 0 : index
    %get3A_277 = arith.constant 128 : index
    %get3A_278 = vector.load %arg2[%get3A_276, %get3A_277] : memref<8x1024xf32, #tpu.memory_space<vmem>>, vector<8x128xf32>
    %mul3A_279 = arith.mulf %reshape3A_275, %get3A_278 : vector<8x128xf32>
    %add3A_280 = arith.addf %mul3A_269, %mul3A_279 : vector<8x128xf32>
    %get3A_281 = arith.constant 4 : index
    %get3A_282 = arith.constant 2 : index
    %get3A_283 = arith.constant 0 : index
    %get3A_284 = vector.load %arg1[%get3A_281, %get3A_282, %get3A_283] : memref<6x6x1024xf32, #tpu.memory_space<vmem>>, vector<1x1x1024xf32>
    %get3A_285 = vector.shape_cast %get3A_284 : vector<1x1x1024xf32> to vector<1024xf32>
    %reshape3A_286 = vector.shape_cast %get3A_285 : vector<1024xf32> to vector<8x128xf32>
    %get3A_287 = arith.constant 0 : index
    %get3A_288 = arith.constant 256 : index
    %get3A_289 = vector.load %arg2[%get3A_287, %get3A_288] : memref<8x1024xf32, #tpu.memory_space<vmem>>, vector<8x128xf32>
    %mul3A_290 = arith.mulf %reshape3A_286, %get3A_289 : vector<8x128xf32>
    %add3A_291 = arith.addf %add3A_280, %mul3A_290 : vector<8x128xf32>
    %get3A_292 = arith.constant 4 : index
    %get3A_293 = arith.constant 3 : index
    %get3A_294 = arith.constant 0 : index
    %get3A_295 = vector.load %arg1[%get3A_292, %get3A_293, %get3A_294] : memref<6x6x1024xf32, #tpu.memory_space<vmem>>, vector<1x1x1024xf32>
    %get3A_296 = vector.shape_cast %get3A_295 : vector<1x1x1024xf32> to vector<1024xf32>
    %reshape3A_297 = vector.shape_cast %get3A_296 : vector<1024xf32> to vector<8x128xf32>
    %get3A_298 = arith.constant 0 : index
    %get3A_299 = arith.constant 384 : index
    %get3A_300 = vector.load %arg2[%get3A_298, %get3A_299] : memref<8x1024xf32, #tpu.memory_space<vmem>>, vector<8x128xf32>
    %mul3A_301 = arith.mulf %reshape3A_297, %get3A_300 : vector<8x128xf32>
    %add3A_302 = arith.addf %add3A_291, %mul3A_301 : vector<8x128xf32>
    %get3A_303 = arith.constant 4 : index
    %get3A_304 = arith.constant 4 : index
    %get3A_305 = arith.constant 0 : index
    %get3A_306 = vector.load %arg1[%get3A_303, %get3A_304, %get3A_305] : memref<6x6x1024xf32, #tpu.memory_space<vmem>>, vector<1x1x1024xf32>
    %get3A_307 = vector.shape_cast %get3A_306 : vector<1x1x1024xf32> to vector<1024xf32>
    %reshape3A_308 = vector.shape_cast %get3A_307 : vector<1024xf32> to vector<8x128xf32>
    %get3A_309 = arith.constant 0 : index
    %get3A_310 = arith.constant 512 : index
    %get3A_311 = vector.load %arg2[%get3A_309, %get3A_310] : memref<8x1024xf32, #tpu.memory_space<vmem>>, vector<8x128xf32>
    %mul3A_312 = arith.mulf %reshape3A_308, %get3A_311 : vector<8x128xf32>
    %add3A_313 = arith.addf %add3A_302, %mul3A_312 : vector<8x128xf32>
    %get3A_314 = arith.constant 4 : index
    %get3A_315 = arith.constant 5 : index
    %get3A_316 = arith.constant 0 : index
    %get3A_317 = vector.load %arg1[%get3A_314, %get3A_315, %get3A_316] : memref<6x6x1024xf32, #tpu.memory_space<vmem>>, vector<1x1x1024xf32>
    %get3A_318 = vector.shape_cast %get3A_317 : vector<1x1x1024xf32> to vector<1024xf32>
    %reshape3A_319 = vector.shape_cast %get3A_318 : vector<1024xf32> to vector<8x128xf32>
    %get3A_320 = arith.constant 0 : index
    %get3A_321 = arith.constant 640 : index
    %get3A_322 = vector.load %arg2[%get3A_320, %get3A_321] : memref<8x1024xf32, #tpu.memory_space<vmem>>, vector<8x128xf32>
    %mul3A_323 = arith.mulf %reshape3A_319, %get3A_322 : vector<8x128xf32>
    %add3A_324 = arith.addf %add3A_313, %mul3A_323 : vector<8x128xf32>
    %reshape3A_325 = vector.shape_cast %add3A_324 : vector<8x128xf32> to vector<1x1024xf32>
    %get3A_326 = arith.constant 5 : index
    %get3A_327 = arith.constant 0 : index
    %get3A_328 = arith.constant 0 : index
    %get3A_329 = vector.load %arg1[%get3A_326, %get3A_327, %get3A_328] : memref<6x6x1024xf32, #tpu.memory_space<vmem>>, vector<1x1x1024xf32>
    %get3A_330 = vector.shape_cast %get3A_329 : vector<1x1x1024xf32> to vector<1024xf32>
    %reshape3A_331 = vector.shape_cast %get3A_330 : vector<1024xf32> to vector<8x128xf32>
    %get3A_332 = arith.constant 0 : index
    %get3A_333 = arith.constant 0 : index
    %get3A_334 = vector.load %arg2[%get3A_332, %get3A_333] : memref<8x1024xf32, #tpu.memory_space<vmem>>, vector<8x128xf32>
    %mul3A_335 = arith.mulf %reshape3A_331, %get3A_334 : vector<8x128xf32>
    %get3A_336 = arith.constant 5 : index
    %get3A_337 = arith.constant 1 : index
    %get3A_338 = arith.constant 0 : index
    %get3A_339 = vector.load %arg1[%get3A_336, %get3A_337, %get3A_338] : memref<6x6x1024xf32, #tpu.memory_space<vmem>>, vector<1x1x1024xf32>
    %get3A_340 = vector.shape_cast %get3A_339 : vector<1x1x1024xf32> to vector<1024xf32>
    %reshape3A_341 = vector.shape_cast %get3A_340 : vector<1024xf32> to vector<8x128xf32>
    %get3A_342 = arith.constant 0 : index
    %get3A_343 = arith.constant 128 : index
    %get3A_344 = vector.load %arg2[%get3A_342, %get3A_343] : memref<8x1024xf32, #tpu.memory_space<vmem>>, vector<8x128xf32>
    %mul3A_345 = arith.mulf %reshape3A_341, %get3A_344 : vector<8x128xf32>
    %add3A_346 = arith.addf %mul3A_335, %mul3A_345 : vector<8x128xf32>
    %get3A_347 = arith.constant 5 : index
    %get3A_348 = arith.constant 2 : index
    %get3A_349 = arith.constant 0 : index
    %get3A_350 = vector.load %arg1[%get3A_347, %get3A_348, %get3A_349] : memref<6x6x1024xf32, #tpu.memory_space<vmem>>, vector<1x1x1024xf32>
    %get3A_351 = vector.shape_cast %get3A_350 : vector<1x1x1024xf32> to vector<1024xf32>
    %reshape3A_352 = vector.shape_cast %get3A_351 : vector<1024xf32> to vector<8x128xf32>
    %get3A_353 = arith.constant 0 : index
    %get3A_354 = arith.constant 256 : index
    %get3A_355 = vector.load %arg2[%get3A_353, %get3A_354] : memref<8x1024xf32, #tpu.memory_space<vmem>>, vector<8x128xf32>
    %mul3A_356 = arith.mulf %reshape3A_352, %get3A_355 : vector<8x128xf32>
    %add3A_357 = arith.addf %add3A_346, %mul3A_356 : vector<8x128xf32>
    %get3A_358 = arith.constant 5 : index
    %get3A_359 = arith.constant 3 : index
    %get3A_360 = arith.constant 0 : index
    %get3A_361 = vector.load %arg1[%get3A_358, %get3A_359, %get3A_360] : memref<6x6x1024xf32, #tpu.memory_space<vmem>>, vector<1x1x1024xf32>
    %get3A_362 = vector.shape_cast %get3A_361 : vector<1x1x1024xf32> to vector<1024xf32>
    %reshape3A_363 = vector.shape_cast %get3A_362 : vector<1024xf32> to vector<8x128xf32>
    %get3A_364 = arith.constant 0 : index
    %get3A_365 = arith.constant 384 : index
    %get3A_366 = vector.load %arg2[%get3A_364, %get3A_365] : memref<8x1024xf32, #tpu.memory_space<vmem>>, vector<8x128xf32>
    %mul3A_367 = arith.mulf %reshape3A_363, %get3A_366 : vector<8x128xf32>
    %add3A_368 = arith.addf %add3A_357, %mul3A_367 : vector<8x128xf32>
    %get3A_369 = arith.constant 5 : index
    %get3A_370 = arith.constant 4 : index
    %get3A_371 = arith.constant 0 : index
    %get3A_372 = vector.load %arg1[%get3A_369, %get3A_370, %get3A_371] : memref<6x6x1024xf32, #tpu.memory_space<vmem>>, vector<1x1x1024xf32>
    %get3A_373 = vector.shape_cast %get3A_372 : vector<1x1x1024xf32> to vector<1024xf32>
    %reshape3A_374 = vector.shape_cast %get3A_373 : vector<1024xf32> to vector<8x128xf32>
    %get3A_375 = arith.constant 0 : index
    %get3A_376 = arith.constant 512 : index
    %get3A_377 = vector.load %arg2[%get3A_375, %get3A_376] : memref<8x1024xf32, #tpu.memory_space<vmem>>, vector<8x128xf32>
    %mul3A_378 = arith.mulf %reshape3A_374, %get3A_377 : vector<8x128xf32>
    %add3A_379 = arith.addf %add3A_368, %mul3A_378 : vector<8x128xf32>
    %get3A_380 = arith.constant 5 : index
    %get3A_381 = arith.constant 5 : index
    %get3A_382 = arith.constant 0 : index
    %get3A_383 = vector.load %arg1[%get3A_380, %get3A_381, %get3A_382] : memref<6x6x1024xf32, #tpu.memory_space<vmem>>, vector<1x1x1024xf32>
    %get3A_384 = vector.shape_cast %get3A_383 : vector<1x1x1024xf32> to vector<1024xf32>
    %reshape3A_385 = vector.shape_cast %get3A_384 : vector<1024xf32> to vector<8x128xf32>
    %get3A_386 = arith.constant 0 : index
    %get3A_387 = arith.constant 640 : index
    %get3A_388 = vector.load %arg2[%get3A_386, %get3A_387] : memref<8x1024xf32, #tpu.memory_space<vmem>>, vector<8x128xf32>
    %mul3A_389 = arith.mulf %reshape3A_385, %get3A_388 : vector<8x128xf32>
    %add3A_390 = arith.addf %add3A_379, %mul3A_389 : vector<8x128xf32>
    %reshape3A_391 = vector.shape_cast %add3A_390 : vector<8x128xf32> to vector<1x1024xf32>
    %concatenate3A = tpu.concatenate %reshape3A_61, %reshape3A_127, %reshape3A_193, %reshape3A_259, %reshape3A_325, %reshape3A_391 in 0 : vector<1x1024xf32>, vector<1x1024xf32>, vector<1x1024xf32>, vector<1x1024xf32>, vector<1x1024xf32>, vector<1x1024xf32> -> vector<6x1024xf32>
    %swap3A = arith.constant 0 : index
    %swap3A_392 = arith.constant 0 : index
    %swap3A_393 = vector.load %arg3[%swap3A, %swap3A_392] : memref<6x1024xf32, #tpu.memory_space<vmem>>, vector<6x1024xf32>
    tpu.vector_store %arg3[%swap3A, %swap3A_392], %concatenate3A {strides = array<i32>} : memref<6x1024xf32, #tpu.memory_space<vmem>>, vector<6x1024xf32>,
    return
  }
  func.func @transform_0(%arg0: i32) -> (i32, i32, i32) {
    %c0_i32 = arith.constant 0 : i32
    %c0_i32_0 = arith.constant 0 : i32
    %c0_i32_1 = arith.constant 0 : i32
    return %c0_i32, %c0_i32_0, %arg0 : i32, i32, i32
  }
  func.func @transform_1(%arg0: i32) -> (i32, i32) {
    %c0_i32 = arith.constant 0 : i32
    %c0_i32_0 = arith.constant 0 : i32
    return %arg0, %c0_i32 : i32, i32
  }
  func.func @transform_2(%arg0: i32) -> (i32, i32) {
    %c0_i32 = arith.constant 0 : i32
    %c0_i32_0 = arith.constant 0 : i32
    return %c0_i32, %arg0 : i32, i32
  }
}

</mosaic_0001>

<sc_bundles>
// kernel: kernel.4.cloned.1.call-start
scs
__scs_entry_jumppad:
0x0: {  	(pc) =	sbr.rel $0x88, $3  }
0x1: {  	(tag) =	ssettag $0x0;
	lr =	simm.s32 $0x1  }
0x2: {  	[smem:$0x3F9D] =	sst lr;
	_ =	strace $0xD0000000  }
0x3: {  	_ = 	snop  }
0x4: {  	_ = 	snop  }
0x5: {  	_ = 	snop  }
0x6: {  	_ = 	snop  }
0x7: {  	_ = 	snop  }
__scs_overlays_trampoline_lowered:
0x8: {  	[smem:$0x3FAC] =	sst s0  }
0x9: {  	[smem:$0x3FAD] =	sst s1  }
0xa: {  	[smem:$0x3FAE] =	sst s2  }
0xb: {  	[smem:$0x3FAF] =	sst s3  }
0xc: {  	[smem:$0x3FB0] =	sst s4  }
0xd: {  	[smem:$0x3FB1] =	sst s5  }
0xe: {  	[smem:$0x3FB2] =	sst s6  }
0xf: {  	[smem:$0x3FB3] =	sst s7  }
0x10: {  	[smem:$0x3FB4] =	sst s8  }
0x11: {  	[smem:$0x3FB5] =	sst s9;
	s0 =	simm.s32 @!p0 $0x0  }
0x12: {  	s1 =	sld [smem:$0x3F9B];
	s0 =	simm.s32 @p0 $0x1  }
0x13: {  	[smem:$0x3FB6] =	sst s0;
	s0 =	simm.s32 @!p1 $0x0  }
0x14: {  	s2 =	sld [smem:$0x3F9A];
	s0 =	simm.s32 @p1 $0x1  }
0x15: {  	[smem:$0x3FB7] =	sst s0;
	s0 =	simm.s32 @!p2 $0x0  }
0x16: {  	s3 =	sld [smem:$0x3FDB];
	s0 =	simm.s32 @p2 $0x1  }
0x17: {  	s4 =	simm.s32 $0x1BF5;
	[smem:$0x3FB9] =	sst s0  }
0x18: {  	s0 =	sld [smem:$0x3F9C];
	_ =	swait.ge [sflag:s4], $0x0  }
0x19: {  	s7 =	sld [smem:$0x3F9D]  }
0x1a: {  	s8 =	sadd.s32 $0xFFFFE003, lr  }
0x1b: {  	s9 =	sadd.s32 $0xFFFFFEF7, lr;
	s5 =	simm.s32 $0xFFFFFFFF;
	p2 =	slt.u32 s8, $0xFFFFF086  }
0x1c: {  	p1 =	slt.u32 s9, $0xF7A;
	s5 =	simm.s32 @!p2 $0x0  }
0x1d: {  	s5 =	simm.s32 @p1 $0x1;
	p0 =	seq.s32 s7, s2  }
0x1e: {  	s7 =	smul.u32 @!p0 $0xF7A, s2;
	p2 =	seq.s32 @!p0 s5, $0x0  }
0x1f: {  	s9 =	smul.u32 $0xF7A, s1;
	s8 =	simm.s32 @!p0 $0x1BF5;
	p2 =	por !p2, p0  }
0x20: {  	[sflag:s8] =	ssyncset.s32 @!p0 $0xFFFFF086;
	s6 =	sadd.s32 @!p0 s3, s7;
	s7 =	simm.s32 @!p0 $0x108  }
0x21: {  	s3 =	sadd.s32 s3, s9;
	s6 =	sadd.s32 @!p0 $0x88, s6;
	s7 =	simm.s32 @p2 $0x1082  }
0x22: {  	[simem:s7], [sflag:s8] =	dma.local @!p0 [hbm:s6], $0xF7A  }
0x23: {  	s9 =	sor.u32 $0xD0000000, s2;
	s6 =	simm.s32 $0x108;
	_ =	swait.ge @!p0 [sflag:s8], $0x0  }
0x24: {  	s3 =	sadd.s32 $0x88, s3;
	s6 =	simm.s32 @!p1 $0x1082;
	[sflag:s4] =	ssyncset.s32 $0xFFFFF086  }
0x25: {  	[simem:s6], [sflag:s4] =	dma.local [hbm:s3], $0xF7A  }
0x26: {  	[smem:$0x3F9D] =	sst s1;
	(tag) =	ssettag s2;
	_ =	strace s9  }
0x27: {  	s1 =	sld [smem:$0x3FAD]  }
0x28: {  	s2 =	sld [smem:$0x3FAE]  }
0x29: {  	s4 =	sld [smem:$0x3FB0]  }
0x2a: {  	p0 =	seq.s32 s5, $0x0;
	s5 =	sld [smem:$0x3FB1]  }
0x2b: {  	s6 =	sld [smem:$0x3FB2]  }
0x2c: {  	s7 =	sld [smem:$0x3FB3]  }
0x2d: {  	s3 =	simm.s32 $0x108;
	s8 =	sld [smem:$0x3FB4]  }
0x2e: {  	s3 =	simm.s32 @!p0 $0x1082;
	s9 =	sld [smem:$0x3FB5]  }
0x2f: {  	lr =	sadd.s32 s0, s3;
	s0 =	sld [smem:$0x3FAC]  }
0x30: {  	s3 =	sld [smem:$0x3FAF]  }
0x31: {  	[smem:$0x3FB8] =	sst s10  }
0x32: {  	s10 =	sld [smem:$0x3FB6];
	_ =	sdelay $0x3  }
0x33: {  	p0 =	seq.s32 s10, $0x1;
	s10 =	sld [smem:$0x3FB8];
	_ =	sdelay $0x3  }
0x34: {  	[smem:$0x3FB8] =	sst s10  }
0x35: {  	s10 =	sld [smem:$0x3FB7];
	_ =	sdelay $0x3  }
0x36: {  	p1 =	seq.s32 s10, $0x1;
	s10 =	sld [smem:$0x3FB8];
	_ =	sdelay $0x3  }
0x37: {  	[smem:$0x3FB8] =	sst s10  }
0x38: {  	s10 =	sld [smem:$0x3FB9]  }
0x39: {  	_ = 	snop;
	(pc) =	sbr.ind lr, $3  }
0x3a: {  	_ = 	snop  }
0x3b: {  	_ = 	snop  }
0x3c: {  	p2 =	seq.s32 s10, $0x1;
	s10 =	sld [smem:$0x3FB8]  }
0x3d: {  	_ =	shalt  }
0x3e: {  	_ =	shalt  }
0x3f: {  	_ =	shalt  }
0x40: {  	_ =	shalt  }
0x41: {  	_ =	shalt  }
0x42: {  	_ =	shalt  }
0x43: {  	_ =	shalt  }
0x44: {  	_ =	shalt  }
0x45: {  	_ =	shalt  }
0x46: {  	_ =	shalt  }
0x47: {  	_ =	shalt  }
0x48: {  	_ =	shalt  }
0x49: {  	_ =	shalt  }
0x4a: {  	_ =	shalt  }
0x4b: {  	_ =	shalt  }
0x4c: {  	_ =	shalt  }
0x4d: {  	_ =	shalt  }
0x4e: {  	_ =	shalt  }
0x4f: {  	_ =	shalt  }
0x50: {  	_ =	shalt  }
0x51: {  	_ =	shalt  }
0x52: {  	_ =	shalt  }
0x53: {  	_ =	shalt  }
0x54: {  	_ =	shalt  }
0x55: {  	_ =	shalt  }
0x56: {  	_ =	shalt  }
0x57: {  	_ =	shalt  }
0x58: {  	_ =	shalt  }
0x59: {  	_ =	shalt  }
0x5a: {  	_ =	shalt  }
0x5b: {  	_ =	shalt  }
0x5c: {  	_ =	shalt  }
0x5d: {  	_ =	shalt  }
0x5e: {  	_ =	shalt  }
0x5f: {  	_ =	shalt  }
0x60: {  	_ =	shalt  }
0x61: {  	_ =	shalt  }
0x62: {  	_ =	shalt  }
0x63: {  	_ =	shalt  }
0x64: {  	_ =	shalt  }
0x65: {  	_ =	shalt  }
0x66: {  	_ =	shalt  }
0x67: {  	_ =	shalt  }
0x68: {  	_ =	shalt  }
0x69: {  	_ =	shalt  }
0x6a: {  	_ =	shalt  }
0x6b: {  	_ =	shalt  }
0x6c: {  	_ =	shalt  }
0x6d: {  	_ =	shalt  }
0x6e: {  	_ =	shalt  }
0x6f: {  	_ =	shalt  }
0x70: {  	_ =	shalt  }
0x71: {  	_ =	shalt  }
0x72: {  	_ =	shalt  }
0x73: {  	_ =	shalt  }
0x74: {  	_ =	shalt  }
0x75: {  	_ =	shalt  }
0x76: {  	_ =	shalt  }
0x77: {  	_ =	shalt  }
0x78: {  	_ =	shalt  }
0x79: {  	_ =	shalt  }
0x7a: {  	_ =	shalt  }
0x7b: {  	_ =	shalt  }
0x7c: {  	_ =	shalt  }
0x7d: {  	_ =	shalt  }
0x7e: {  	_ =	shalt  }
0x7f: {  	_ =	shalt  }
0x80: {  	_ =	shalt  }
0x81: {  	_ =	shalt  }
0x82: {  	_ =	shalt  }
0x83: {  	_ =	shalt  }
0x84: {  	_ =	shalt  }
0x85: {  	_ =	shalt  }
0x86: {  	_ =	shalt  }
0x87: {  	_ =	shalt  }
.Lfunc_end0:
.L_simem_size_0:
called_computation_lowered:
.L_overlay_start_0:
0x88: {  	s2 =	sld [smem:$0x3FD9]  }
0x89: {  	s3 =	sld [smem:$0x3FFE];
	_ =	sdelay $0x1  }
0x8a: {  	s1 =	srdreg.scid  }
0x8b: {  	s0 =	sand.u32 $0x1, s1  }
0x8c: {  	s17 =	sshll.u32 s0, $0xA;
	s2 =	sadd.s32 s3, s2  }
0x8d: {  	s2 =	sadd.s32 s2, s17  }
0x8e: {  	[smem:$0x3FC4] =	sst s2  }
0x8f: {  	_ = 	snop  }
0x90: {  	s2 =	sld [smem:$0x3FD0];
	(tm) =	ssettm $0x1  }
0x91: {  	s18 =	sld [smem:$0x3FFB];
	_ =	sdelay $0x3  }
0x92: {  	_ =	strace s18  }
0x93: {  	s3 =	sld [smem:$0x3FFC];
	_ =	sdelay $0x3  }
0x94: {  	_ =	strace s3  }
0x95: {  	s3 =	sld [smem:$0x3FFD];
	_ =	sdelay $0x3  }
0x96: {  	_ =	strace s3  }
0x97: {  	_ =	strace $0x8FFFFFFF  }
0x98: {  	s19 =	sld [smem:$0x3FDB];
	_ =	sdelay $0x1  }
0x99: {  	s4 =	simm.s32 $_scs_section_size  }
0x9a: {  	s5 =	simm.s32 $_size__tile_overlayer_lowered;
	s6 =	simm.s32 $_tile_overlayer_lowered  }
0x9b: {  	s22 =	simm.s32 $0x1BFF;
	s21 =	sshll.u32 s6, $0x1;
	s3 =	sadd.s32 s4, s19  }
0x9c: {  	s7 =	simm.s32 $0x0;
	s20 =	sshll.u32 s5, $0x1;
	s5 =	sadd.s32 s21, s3  }
0x9d: {  	[timem:s7], [sflag:s22] =	dma.local [hbm:s5], s20  }
0x9e: {  	_ =	swait.ge [sflag:s22], s20  }
0x9f: {  	s4 =	ssub.s32 $0x0, s20;
	[sflag:s22] =	ssyncset.done $0x0  }
0xa0: {  	[sflag:s22] =	ssyncadd.s32 s4;
	_ =	sdelay $0x1  }
0xa1: {  	s23 =	simm.s32 $0x1B8B  }
0xa2: {  	_ =	swait.ge [sflag:s23], $0x1  }
0xa3: {  	[sflag:s23] =	ssyncset.done $0x0  }
0xa4: {  	s25 =	simm.s32 $0x1B8E;
	s24 =	sld [smem:$0x3FFE];
	[sflag:s23] =	ssyncadd.s32 $0xFFFFFFFF  }
0xa5: {  	s26 =	simm.s32 $execute0_lowered;
	[smem:$0x3FD2] =	sst s25  }
0xa6: {  	s5 =	sshll.u32 s26, $0x1;
	_ =	strace $0x80000046;
	[dreg:$0x1] =	wrdreg $0xFFFFFFFF  }
0xa7: {  	s28 =	simm.s32 $_size_execute0_lowered;
	s3 =	sadd.s32 s3, s5;
	[dreg:$0x0] =	wrdreg $0x0  }
0xa8: {  	s5 =	sshll.u32 s28, $0x1;
	[dreg:$0x2] =	wrdreg s3  }
0xa9: {  	[dreg:$0x3] =	wrdreg s5  }
0xaa: {  	[dreg:$0x4] =	wrdreg $0xC0  }
0xab: {  	_ =	task [dreg:s7], $0x5FFFF  }
0xac: {  	[dreg:$0x1] =	wrdreg $0xFFFFFFFF  }
0xad: {  	[dreg:$0x0] =	wrdreg $0x60  }
0xae: {  	[dreg:$0x2] =	wrdreg s24  }
0xaf: {  	[dreg:$0x3] =	wrdreg s2  }
0xb0: {  	[dreg:$0x4] =	wrdreg $0x9  }
0xb1: {  	_ =	task.clear_ibuf [dreg:s7], $0x5FFFF;
	_ =	strace $0x90000046  }
0xb2: {  	s29 =	simm.s32 $0x9;
	_ =	strace $0x80000048  }
0xb3: {  	_ =	swait.ge [sflag:s29], $0x1  }
0xb4: {  	[sflag:s29] =	ssyncadd.s32 $0xFFFFFFFF  }
0xb5: {  	_ =	strace $0x90000048  }
0xb6: {  	_ =	sfence  }
0xb7: {  	s30 =	sld [smem:$0x0];
	_ =	sdelay $0x2  }
0xb8: {  	s31 =	sshll.u32 s1, $0xD;
	s1 =	sshrl.u32 s1, $0x2  }
0xb9: {  	s3 =	sand.u32 $0x4000, s31;
	s1 =	sadd.s32 s1, s30  }
0xba: {  	s0 =	sor.u32 s3, s0;
	s1 =	sshll.u32 s1, $0x11  }
0xbb: {  	s0 =	sor.u32 s1, s0  }
0xbc: {  	s0 =	sadd.s32 $0x8F2B, s0  }
0xbd: {  	[sflag:s0] =	ssyncadd.remote.s32 $0x1  }
0xbe: {  	_ =	sfence.sel $0xFFFF  }
0xbf: {  	[dreg:$0x0] =	wrdreg $0xFFFFFFFF;
	(pc) =	sbr.abs _section_cstart, $3  }
0xc0: {  	[dreg:$0x1] =	wrdreg $0xFFFFFFFF  }
0xc1: {  	_ =	task.clear_ibuf [dreg:s7], $0x2FFFF;
	_ =	strace $0x9FFFFFFF  }
0xc2: {  	(tm) =	ssettm $0x7FFFFFFF  }
0xc3: {  	_ =	shalt  }
tec
execute0_lowered:
.L_overlay_start_1:
0x0: {  	(tag) =	ssettag $0x1  }
0x1: {  	s0 =	rddreg [dreg:$0x0]  }
0x2: {  	s9 =	rddreg [dreg:$0x1];
	s2 =	simm.s32 $0x0;
	s1 =	srdreg.scid  }
0x3: {  	s6 =	stileid.u32;
	s16 =	simm.s32 $0x4;
	s18 =	simm.s32 $0x3  }
0x4: {  	s15 =	simm.s32 $0x0;
	[smem:$0x7FF] =	sst s2;
	s4 =	sadd.s32 $0x1400, s0  }
0x5: {  	s1 =	sand.u32 $0x1, s1;
	s5 =	sadd.s32 $0x187E00, s0;
	s7 =	sshll.u32 s6, $0x1  }
0x6: {  	s6 =	sadd.s32 $0x1B8C00, s0;
	s11 =	sadd.s32 $0x1420, s0;
	s13 =	sadd.s32 $0x1430, s0  }
0x7: {  	s14 =	sadd.s32 $0x1440, s0;
	s25 =	sadd.s32 $0x1450, s0;
	s26 =	sadd.s32 $0x1460, s0  }
0x8: {  	s12 =	sadd.s32 $0x1470, s0;
	_ =	strace $0x80000047;
	[dreg:$0xd] =	wrdreg s25  }
0x9: {  	s3 =	ssub.s32 $0x2, s1;
	s7 =	sor.u32 s1, s7;
	[dreg:$0xe] =	wrdreg s26  }
0xa: {  	[dreg:$0xf] =	wrdreg s12;
	s1 =	simm.s32 $0x2;
	s20 =	sshll.u32 s7, $0x7  }
0xb: {  	s8 =	sshrl.u32 s3, $0x1;
	s30 =	sshll.u32 s7, $0x9;
	s10 =	sadd.s32 s4, s20  }
0xc: {  	s19 =	ssub.s32 s3, s8;
	s22 =	sadd.s32 s20, s11;
	[dreg:$0x3] =	wrdreg s10  }
0xd: {  	s8 =	sadd.s32 $0x1410, s0;
	s23 =	sadd.s32 s20, s13;
	[dreg:$0x5] =	wrdreg s22  }
0xe: {  	s24 =	sadd.s32 s20, s14;
	s28 =	sadd.s32 s20, s26;
	[dreg:$0x6] =	wrdreg s23  }
0xf: {  	s29 =	sadd.s32 s20, s12;
	s0 =	sadd.s32 s9, s30;
	[dreg:$0x7] =	wrdreg s24  }
0x10: {  	s26 =	simm.s32 $0x80;
	s3 =	simm.s32 $0x1;
	[dreg:$0x9] =	wrdreg s28  }
.Ltmp0:
0x11: {  	s12 =	simm.s32 $0x3400;
	[dreg:$0xa] =	wrdreg s29;
	(pc) =	sbr.rel .LBB2_1-.Ltmp0, $4  }
0x12: {  	s9 =	simm.s32 $0x9800;
	s21 =	sadd.s32 s20, s8;
	[dreg:$0xb] =	wrdreg s0  }
0x13: {  	s10 =	sadd.s32 s20, s25;
	s31 =	smax.u32 s19, $0x1;
	[dreg:$0x4] =	wrdreg s21  }
0x14: {  	v0 =	vlaneseq.u32;
	s24 =	simm.s32 $0x7800;
	s19 =	simm.s32 $0x5400;
	[dreg:$0x8] =	wrdreg s10  }
0x15: {  	v1 =	vimm.f32 $1.000000000e+00;
	v0 =	vmul.u32 $0x10, v0;
	s20 =	simm.s32 $0x6700;
	[dreg:$0xc] =	wrdreg s31;
	s10 =	simm.s32 $0x1400  }
.LBB2_13:
0x16: {  	s15 =	rddreg [dreg:$0x10]  }
0x17: {  	s0 =	rddreg [dreg:$0xc];
	s15 =	sadd.s32 $0x1, s15  }
0x18: {  	p0 =	sne.s32 s15, s0  }
.Ltmp1:
0x19: {  	_ = 	snop;
	(pc) =	sbr.rel @!p0 .LBB2_14-.Ltmp1, $1  }
0x1a: {  	_ =	sdelay $0x3  }
.LBB2_1:
0x1b: {  	[dreg:$0x10] =	wrdreg s15  }
0x1c: {  	s0 =	rddreg [dreg:$0x3]  }
0x1d: {  	[tilespmem:s2], [sflag:$0x1] =	stream.linear.gather [hbm4b:s0+s2], $0x80, $0x38;
	[tilespmem:$0xC800] =	vst v63  }
0x1e: {  	s15 =	rddreg [dreg:$0x4];
	s17 =	simm.s32 $0x200  }
0x1f: {  	[tilespmem:s17], [sflag:$0x1] =	stream.linear.gather [hbm4b:s15+s2], $0x80, $0x38;
	[tilespmem:$0xC800] =	vst v63  }
0x20: {  	s22 =	rddreg [dreg:$0x5]  }
0x21: {  	[tilespmem:s26], [sflag:$0x1] =	stream.linear.gather [hbm4b:s22+s2], $0x80, $0x38;
	[tilespmem:$0xC800] =	vst v63  }
0x22: {  	s23 =	rddreg [dreg:$0x6];
	s21 =	simm.s32 $0x280  }
0x23: {  	[tilespmem:s21], [sflag:$0x1] =	stream.linear.gather [hbm4b:s23+s2], $0x80, $0x38;
	[tilespmem:$0xC800] =	vst v63  }
0x24: {  	s25 =	rddreg [dreg:$0x7];
	s22 =	simm.s32 $0x100  }
0x25: {  	[tilespmem:s22], [sflag:$0x1] =	stream.linear.gather [hbm4b:s25+s2], $0x80, $0x38;
	[tilespmem:$0xC800] =	vst v63  }
0x26: {  	s28 =	rddreg [dreg:$0x8];
	s23 =	simm.s32 $0x300  }
0x27: {  	[tilespmem:s23], [sflag:$0x1] =	stream.linear.gather [hbm4b:s28+s2], $0x80, $0x38;
	[tilespmem:$0xC800] =	vst v63  }
0x28: {  	s29 =	rddreg [dreg:$0x9];
	s25 =	simm.s32 $0x180  }
0x29: {  	[tilespmem:s25], [sflag:$0x1] =	stream.linear.gather [hbm4b:s29+s2], $0x80, $0x38;
	[tilespmem:$0xC800] =	vst v63  }
0x2a: {  	s30 =	rddreg [dreg:$0xa];
	s28 =	simm.s32 $0x380  }
0x2b: {  	[tilespmem:s28], [sflag:$0x1] =	stream.linear.gather [hbm4b:s30+s2], $0x80, $0x38;
	[tilespmem:$0xC800] =	vst v63  }
0x2c: {  	_ =	swait.ge [sflag:s3], $0x80  }
0x2d: {  	[sflag:s3] =	ssyncset.done $0x0  }
0x2e: {  	[sflag:s3] =	ssyncadd.s32 $0xFFFFFF80  }
0x2f: {  	_ =	swait.ge [sflag:s3], $0x80  }
0x30: {  	[sflag:s3] =	ssyncset.done $0x0  }
0x31: {  	[sflag:s3] =	ssyncadd.s32 $0xFFFFFF80  }
0x32: {  	_ =	swait.ge [sflag:s3], $0x80  }
0x33: {  	[sflag:s3] =	ssyncset.done $0x0  }
0x34: {  	[sflag:s3] =	ssyncadd.s32 $0xFFFFFF80  }
0x35: {  	_ =	swait.ge [sflag:s3], $0x80  }
0x36: {  	[sflag:s3] =	ssyncset.done $0x0  }
0x37: {  	[sflag:s3] =	ssyncadd.s32 $0xFFFFFF80  }
0x38: {  	_ =	swait.ge [sflag:s3], $0x80  }
0x39: {  	[sflag:s3] =	ssyncset.done $0x0  }
0x3a: {  	[sflag:s3] =	ssyncadd.s32 $0xFFFFFF80  }
0x3b: {  	_ =	swait.ge [sflag:s3], $0x80  }
0x3c: {  	[sflag:s3] =	ssyncset.done $0x0  }
0x3d: {  	[sflag:s3] =	ssyncadd.s32 $0xFFFFFF80  }
0x3e: {  	_ =	swait.ge [sflag:s3], $0x80  }
0x3f: {  	[sflag:s3] =	ssyncset.done $0x0  }
0x40: {  	[sflag:s3] =	ssyncadd.s32 $0xFFFFFF80  }
0x41: {  	_ =	swait.ge [sflag:s3], $0x80  }
0x42: {  	[sflag:s3] =	ssyncset.done $0x0  }
0x43: {  	s29 =	simm.s32 $0x400;
	s31 =	rddreg [dreg:$0xb];
	[sflag:s3] =	ssyncadd.s32 $0xFFFFFF80  }
0x44: {  	[tilespmem:s29], [sflag:$0x1] =	stream.linear.gather [hbm4b:s31+s2], $0x1000, $0x38;
	[tilespmem:$0xC800] =	vst v63  }
0x45: {  	_ = 	snop  }
0x46: {  	[tilespmem:s10], [sflag:$0x1] =	stream.indirect.gather [hbm4b:s5+s26], $0x10, s2, s26, $0xb8;
	[tilespmem:$0xC800] =	vst v63  }
0x47: {  	_ = 	snop  }
0x48: {  	[tilespmem:s12], [sflag:$0x1] =	stream.indirect.gather [hbm4b:s5+s26], $0x10, s17, s26, $0xb8;
	[tilespmem:$0xC800] =	vst v63  }
0x49: {  	s15 =	simm.s32 $0x1C00  }
0x4a: {  	[tilespmem:s15], [sflag:$0x1] =	stream.indirect.gather [hbm4b:s5+s26], $0x10, s26, s26, $0xb8;
	[tilespmem:$0xC800] =	vst v63  }
0x4b: {  	s17 =	simm.s32 $0x3C00  }
0x4c: {  	[tilespmem:s17], [sflag:$0x1] =	stream.indirect.gather [hbm4b:s5+s26], $0x10, s21, s26, $0xb8;
	[tilespmem:$0xC800] =	vst v63  }
0x4d: {  	s21 =	simm.s32 $0x2400  }
0x4e: {  	[tilespmem:s21], [sflag:$0x1] =	stream.indirect.gather [hbm4b:s5+s26], $0x10, s22, s26, $0xb8;
	[tilespmem:$0xC800] =	vst v63  }
0x4f: {  	s29 =	simm.s32 $0x4400  }
0x50: {  	[tilespmem:s29], [sflag:$0x1] =	stream.indirect.gather [hbm4b:s5+s26], $0x10, s23, s26, $0xb8;
	[tilespmem:$0xC800] =	vst v63  }
.Ltmp2:
0x51: {  	_ = 	snop;
	(pc) =	sbr.rel .LBB2_2-.Ltmp2, $4  }
0x52: {  	s30 =	simm.s32 $0x2C00  }
0x53: {  	[tilespmem:s30], [sflag:$0x1] =	stream.indirect.gather [hbm4b:s5+s26], $0x10, s25, s26, $0xb8;
	[tilespmem:$0xC800] =	vst v63  }
0x54: {  	s31 =	simm.s32 $0x4C00;
	s21 =	simm.s32 $0x0  }
0x55: {  	[tilespmem:s31], [sflag:$0x1] =	stream.indirect.gather [hbm4b:s5+s26], $0x10, s28, s26, $0xb8;
	[tilespmem:$0xC800] =	vst v63  }
.LBB2_12:
0x56: {  	s21 =	sadd.s32 $0x1, s21  }
0x57: {  	p0 =	sne.s32 s21, $0x31  }
.Ltmp3:
0x58: {  	_ = 	snop;
	(pc) =	sbr.rel @!p0 .LBB2_13-.Ltmp3, $1  }
0x59: {  	_ =	sdelay $0x3  }
.LBB2_2:
0x5a: {  	s15 =	sshll.u32 s21, $0x6  }
0x5b: {  	s23 =	sor.u32 s7, s15  }
0x5c: {  	s22 =	sor.u32 $0x20, s23  }
0x5d: {  	p0 =	sgt.u32 s22, $0xC34  }
.Ltmp4:
0x5e: {  	_ = 	snop;
	(pc) =	sbr.rel @p0 .LBB2_4-.Ltmp4, $1  }
0x5f: {  	_ =	sdelay $0x3  }
0x60: {  	s15 =	sshll.u32 s22, $0x7  }
0x61: {  	s28 =	simm.s32 $0x6400;
	s25 =	sadd.s32 s4, s15  }
0x62: {  	[tilespmem:s28], [sflag:$0x2] =	stream.linear.gather [hbm4b:s25+s2], $0x80, $0x38;
	[tilespmem:$0xC800] =	vst v63  }
0x63: {  	s29 =	simm.s32 $0x6600;
	s0 =	sadd.s32 s15, s8  }
0x64: {  	[tilespmem:s29], [sflag:$0x2] =	stream.linear.gather [hbm4b:s0+s2], $0x80, $0x38;
	[tilespmem:$0xC800] =	vst v63  }
0x65: {  	s30 =	simm.s32 $0x6480;
	s17 =	sadd.s32 s15, s11  }
0x66: {  	[tilespmem:s30], [sflag:$0x2] =	stream.linear.gather [hbm4b:s17+s2], $0x80, $0x38;
	[tilespmem:$0xC800] =	vst v63  }
0x67: {  	s31 =	simm.s32 $0x6680;
	s19 =	sadd.s32 s15, s13  }
0x68: {  	[tilespmem:s31], [sflag:$0x2] =	stream.linear.gather [hbm4b:s19+s2], $0x80, $0x38;
	[tilespmem:$0xC800] =	vst v63  }
0x69: {  	s0 =	sadd.s32 s15, s14;
	s17 =	simm.s32 $0x6500  }
0x6a: {  	[tilespmem:s17], [sflag:$0x2] =	stream.linear.gather [hbm4b:s0+s2], $0x80, $0x38;
	[tilespmem:$0xC800] =	vst v63  }
0x6b: {  	s0 =	rddreg [dreg:$0xd]  }
0x6c: {  	s25 =	rddreg [dreg:$0xe];
	s19 =	sadd.s32 s15, s0  }
0x6d: {  	[tilespmem:s20], [sflag:$0x2] =	stream.linear.gather [hbm4b:s19+s2], $0x80, $0x38;
	[tilespmem:$0xC800] =	vst v63  }
0x6e: {  	s0 =	sadd.s32 s15, s25;
	s25 =	rddreg [dreg:$0xf];
	s19 =	simm.s32 $0x6580  }
0x6f: {  	[tilespmem:s19], [sflag:$0x2] =	stream.linear.gather [hbm4b:s0+s2], $0x80, $0x38;
	[tilespmem:$0xC800] =	vst v63  }
0x70: {  	s15 =	sadd.s32 s15, s25;
	s25 =	simm.s32 $0x6780  }
0x71: {  	[tilespmem:s25], [sflag:$0x2] =	stream.linear.gather [hbm4b:s15+s2], $0x80, $0x38;
	[tilespmem:$0xC800] =	vst v63  }
0x72: {  	_ =	swait.ge [sflag:s1], $0x80  }
0x73: {  	[sflag:s1] =	ssyncset.done $0x0  }
0x74: {  	[sflag:s1] =	ssyncadd.s32 $0xFFFFFF80  }
0x75: {  	_ =	swait.ge [sflag:s1], $0x80  }
0x76: {  	[sflag:s1] =	ssyncset.done $0x0  }
0x77: {  	[sflag:s1] =	ssyncadd.s32 $0xFFFFFF80  }
0x78: {  	_ =	swait.ge [sflag:s1], $0x80  }
0x79: {  	[sflag:s1] =	ssyncset.done $0x0  }
0x7a: {  	[sflag:s1] =	ssyncadd.s32 $0xFFFFFF80  }
0x7b: {  	_ =	swait.ge [sflag:s1], $0x80  }
0x7c: {  	[sflag:s1] =	ssyncset.done $0x0  }
0x7d: {  	[sflag:s1] =	ssyncadd.s32 $0xFFFFFF80  }
0x7e: {  	_ =	swait.ge [sflag:s1], $0x80  }
0x7f: {  	[sflag:s1] =	ssyncset.done $0x0  }
0x80: {  	[sflag:s1] =	ssyncadd.s32 $0xFFFFFF80  }
0x81: {  	_ =	swait.ge [sflag:s1], $0x80  }
0x82: {  	[sflag:s1] =	ssyncset.done $0x0  }
0x83: {  	[sflag:s1] =	ssyncadd.s32 $0xFFFFFF80  }
0x84: {  	_ =	swait.ge [sflag:s1], $0x80  }
0x85: {  	[sflag:s1] =	ssyncset.done $0x0  }
0x86: {  	[sflag:s1] =	ssyncadd.s32 $0xFFFFFF80  }
0x87: {  	_ =	swait.ge [sflag:s1], $0x80  }
0x88: {  	[sflag:s1] =	ssyncset.done $0x0  }
0x89: {  	[sflag:s1] =	ssyncadd.s32 $0xFFFFFF80  }
0x8a: {  	s15 =	sshll.u32 s22, $0x9;
	s0 =	rddreg [dreg:$0x1]  }
0x8b: {  	s15 =	sadd.s32 s0, s15;
	s0 =	simm.s32 $0x6800  }
0x8c: {  	[tilespmem:s0], [sflag:$0x2] =	stream.linear.gather [hbm4b:s15+s2], $0x1000, $0x38;
	[tilespmem:$0xC800] =	vst v63  }
0x8d: {  	_ = 	snop  }
0x8e: {  	[tilespmem:s24], [sflag:$0x2] =	stream.indirect.gather [hbm4b:s5+s26], $0x10, s28, s26, $0xb8;
	[tilespmem:$0xC800] =	vst v63  }
0x8f: {  	_ = 	snop  }
0x90: {  	[tilespmem:s9], [sflag:$0x2] =	stream.indirect.gather [hbm4b:s5+s26], $0x10, s29, s26, $0xb8;
	[tilespmem:$0xC800] =	vst v63  }
0x91: {  	s29 =	simm.s32 $0x8000  }
0x92: {  	[tilespmem:s29], [sflag:$0x2] =	stream.indirect.gather [hbm4b:s5+s26], $0x10, s30, s26, $0xb8;
	[tilespmem:$0xC800] =	vst v63  }
0x93: {  	s15 =	simm.s32 $0xA000  }
0x94: {  	[tilespmem:s15], [sflag:$0x2] =	stream.indirect.gather [hbm4b:s5+s26], $0x10, s31, s26, $0xb8;
	[tilespmem:$0xC800] =	vst v63  }
0x95: {  	s28 =	simm.s32 $0x8800  }
0x96: {  	[tilespmem:s28], [sflag:$0x2] =	stream.indirect.gather [hbm4b:s5+s26], $0x10, s17, s26, $0xb8;
	[tilespmem:$0xC800] =	vst v63  }
0x97: {  	s29 =	simm.s32 $0xA800  }
0x98: {  	[tilespmem:s29], [sflag:$0x2] =	stream.indirect.gather [hbm4b:s5+s26], $0x10, s20, s26, $0xb8;
	[tilespmem:$0xC800] =	vst v63  }
0x99: {  	s30 =	simm.s32 $0x9000  }
0x9a: {  	[tilespmem:s30], [sflag:$0x2] =	stream.indirect.gather [hbm4b:s5+s26], $0x10, s19, s26, $0xb8;
	[tilespmem:$0xC800] =	vst v63  }
0x9b: {  	s31 =	simm.s32 $0xB000;
	s19 =	simm.s32 $0x5400  }
0x9c: {  	[tilespmem:s31], [sflag:$0x2] =	stream.indirect.gather [hbm4b:s5+s26], $0x10, s25, s26, $0xb8;
	[tilespmem:$0xC800] =	vst v63  }
.LBB2_4:
0x9d: {  	_ =	swait.ge [sflag:s3], $0x1000  }
0x9e: {  	[sflag:s3] =	ssyncset.done $0x0  }
0x9f: {  	[sflag:s3] =	ssyncadd.s32 $0xFFFFF000  }
0xa0: {  	_ =	swait.ge [sflag:s3], $0x800  }
0xa1: {  	[sflag:s3] =	ssyncset.done $0x0  }
0xa2: {  	[sflag:s3] =	ssyncadd.s32 $0xFFFFF800  }
0xa3: {  	_ =	swait.ge [sflag:s3], $0x800  }
0xa4: {  	[sflag:s3] =	ssyncset.done $0x0  }
0xa5: {  	[sflag:s3] =	ssyncadd.s32 $0xFFFFF800  }
0xa6: {  	_ =	swait.ge [sflag:s3], $0x800  }
0xa7: {  	[sflag:s3] =	ssyncset.done $0x0  }
0xa8: {  	[sflag:s3] =	ssyncadd.s32 $0xFFFFF800  }
0xa9: {  	_ =	swait.ge [sflag:s3], $0x800  }
0xaa: {  	[sflag:s3] =	ssyncset.done $0x0  }
0xab: {  	[sflag:s3] =	ssyncadd.s32 $0xFFFFF800  }
0xac: {  	_ =	swait.ge [sflag:s3], $0x800  }
0xad: {  	[sflag:s3] =	ssyncset.done $0x0  }
0xae: {  	[sflag:s3] =	ssyncadd.s32 $0xFFFFF800  }
0xaf: {  	_ =	swait.ge [sflag:s3], $0x800  }
0xb0: {  	[sflag:s3] =	ssyncset.done $0x0  }
0xb1: {  	[sflag:s3] =	ssyncadd.s32 $0xFFFFF800  }
0xb2: {  	_ =	swait.ge [sflag:s3], $0x800  }
0xb3: {  	[sflag:s3] =	ssyncset.done $0x0  }
0xb4: {  	[sflag:s3] =	ssyncadd.s32 $0xFFFFF800  }
0xb5: {  	_ =	swait.ge [sflag:s3], $0x800  }
0xb6: {  	s15 =	sadd.s32 $0x40, s23;
	[sflag:s3] =	ssyncset.done $0x0  }
0xb7: {  	s25 =	simm.s32 $0x0;
	s28 =	simm.s32 $0x0;
	[sflag:s3] =	ssyncadd.s32 $0xFFFFF800  }
.LBB2_5:
0xb8: {  	v2 =	vmov s25  }
0xb9: {  	v2 =	vshll.u32 v2, $0x4  }
0xba: {  	v13 =	vor.u32 v0, v2  }
0xbb: {  	s31 =	sand.u32 $0x70, s25;
	s0 =	sand.u32 $0xC00, s28;
	v8 =	vor.u32 $0x3, v13  }
0xbc: {  	s29 =	sand.u32 $0xFFFFFC00, s28;
	s31 =	sor.u32 s31, s0;
	v9 =	vor.u32 $0x5, v13  }
0xbd: {  	s29 =	sadd.s32 s29, s25;
	v4 =	vld [tilespmem:s31+$0x600];
	v11 =	vor.u32 $0x6, v13  }
0xbe: {  	s30 =	sor.u32 $0x180, s29;
	v2 =	vld [tilespmem:s31+$0x700];
	v14 =	vor.u32 $0x4, v13  }
0xbf: {  	v3 =	vld [tilespmem:s30+$0x400]  }
0xc0: {  	v5 =	vld.idx.msk [tilespmem:v8+s10+$0x0], $0xffff  }
0xc1: {  	v10 =	vld.idx.msk [tilespmem:v9+s10+$0x0], $0xffff  }
0xc2: {  	v6 =	vld.idx.msk [tilespmem:v11+s10+$0x0], $0xffff  }
0xc3: {  	v12 =	vld.idx.msk [tilespmem:v14+s10+$0x0], $0xffff;
	_ =	sdelay $0x1  }
0xc4: {  	v3 =	vsub.f32 $0.0e+00, v3  }
0xc5: {  	v15 =	vld [tilespmem:s31+$0x680];
	v4 =	vsub.f32 $0.0e+00, v4;
	v7 =	vsub.f32 $0.0e+00, v5  }
0xc6: {  	v10 =	vsub.f32 $0.0e+00, v10;
	v16 =	vmul.f32 v6, v3;
	v18 =	vmul.f32 v6, v2  }
0xc7: {  	v12 =	vsub.f32 $0.0e+00, v12;
	v53 =	vmul.f32 v6, v4;
	v5 =	vmul.f32 v7, v2  }
0xc8: {  	v17 =	vmul.f32 v10, v4;
	v19 =	vmul.f32 v7, v3  }
0xc9: {  	v49 =	vmul.f32 v12, v2;
	v20 =	vmul.f32 v10, v3;
	v16 =	vadd.f32 v16, v5  }
0xca: {  	v8 =	vld.idx.msk [tilespmem:v8+s12+$0x0], $0xffff;
	v51 =	vmul.f32 v12, v4;
	v5 =	vsub.f32 $0.0e+00, v15;
	v50 =	vsub.f32 v18, v19  }
0xcb: {  	v11 =	vld.idx.msk [tilespmem:v11+s12+$0x0], $0xffff;
	v55 =	vmul.f32 v10, v2;
	v15 =	vsub.f32 v49, v20;
	v16 =	vadd.f32 v16, v17  }
0xcc: {  	v9 =	vld.idx.msk [tilespmem:v9+s12+$0x0], $0xffff;
	v52 =	vmul.f32 v12, v5;
	v17 =	vsub.f32 v50, v51;
	v54 =	vmul.f32 v10, v5  }
0xcd: {  	v14 =	vld.idx.msk [tilespmem:v14+s12+$0x0], $0xffff;
	v22 =	vmul.f32 v12, v3;
	v21 =	vmul.f32 v7, v5;
	v15 =	vadd.f32 v15, v53  }
0xce: {  	v57 =	vmul.f32 v7, v4;
	v16 =	vsub.f32 v16, v52;
	v17 =	vsub.f32 v17, v54  }
0xcf: {  	v56 =	vadd.f32 v55, v22;
	v60 =	vmul.f32 v6, v5;
	v15 =	vadd.f32 v15, v21  }
0xd0: {  	v58 =	vmul.f32 v8, v17;
	v59 =	vmul.f32 v11, v16  }
0xd1: {  	v18 =	vsub.f32 v56, v57;
	v61 =	vmul.f32 v9, v15;
	v62 =	vmul.f32 v11, v17  }
0xd2: {  	v23 =	vmul.f32 v8, v16;
	v63 =	vmul.f32 v14, v17  }
0xd3: {  	v18 =	vadd.f32 v18, v60;
	v24 =	vmul.f32 v9, v16;
	v27 =	vmul.f32 v14, v15  }
0xd4: {  	v17 =	vmul.f32 v9, v17;
	v16 =	vmul.f32 v14, v16;
	v21 =	vsub.f32 v62, v23  }
0xd5: {  	v28 =	vmul.f32 v11, v15;
	v9 =	vmul.f32 v9, v18;
	v20 =	vadd.f32 v59, v58  }
0xd6: {  	v14 =	vmul.f32 v14, v18;
	v19 =	vsub.f32 v63, v24;
	v21 =	vsub.f32 v21, v27  }
0xd7: {  	v15 =	vmul.f32 v8, v15;
	v16 =	vadd.f32 v17, v16;
	v20 =	vadd.f32 v20, v61  }
0xd8: {  	v8 =	vmul.f32 v8, v18;
	v29 =	vadd.f32 v28, v19;
	v30 =	vsub.f32 v21, v9  }
0xd9: {  	v11 =	vmul.f32 v11, v18;
	v31 =	vsub.f32 v16, v15  }
0xda: {  	v14 =	vsub.f32 v20, v14;
	v8 =	vadd.f32 v29, v8;
	vm0 =	vlt.f32 v30, $0.0e+00  }
0xdb: {  	v9 =	vadd.f32 v31, v11;
	v32 =	vsel vm0, $0xBF800000, v1  }
0xdc: {  	v11 =	vmul.f32 v32, v14;
	v8 =	vmul.f32 v32, v8  }
0xdd: {  	v9 =	vmul.f32 v32, v9  }
0xde: {  	v14 =	vmul.f32 v11, v11;
	v33 =	vmul.f32 v8, v8;
	_ =	sdelay $0x1  }
0xdf: {  	v34 =	vmul.f32 v9, v9;
	v14 =	vadd.f32 v33, v14;
	_ =	sdelay $0x1  }
0xe0: {  	v14 =	vadd.f32 v14, v34;
	_ =	sdelay $0x1  }
0xe1: {  	v16 =	vadd.f32 $1.000000020e-24, v14;
	_ =	sdelay $0x1  }
0xe2: {  	v14 =	vshra.s32 v16, $0x1;
	v35 =	vmul.f32 $5.000000000e-01, v16  }
0xe3: {  	v14 =	vsub.s32 $0x5F3759DF, v14  }
0xe4: {  	v36 =	vmul.f32 v14, v35;
	_ =	sdelay $0x1  }
0xe5: {  	v18 =	vmul.f32 v14, v36;
	_ =	sdelay $0x1  }
0xe6: {  	v18 =	vsub.f32 $1.500000000e+00, v18;
	_ =	sdelay $0x1  }
0xe7: {  	v14 =	vmul.f32 v14, v18;
	_ =	sdelay $0x1  }
0xe8: {  	v18 =	vmul.f32 v14, v35;
	_ =	sdelay $0x1  }
0xe9: {  	v18 =	vmul.f32 v18, v14;
	_ =	sdelay $0x1  }
0xea: {  	v18 =	vsub.f32 $1.500000000e+00, v18;
	_ =	sdelay $0x1  }
0xeb: {  	v14 =	vmul.f32 v18, v14;
	_ =	sdelay $0x1  }
0xec: {  	v17 =	vmul.f32 v14, v35;
	_ =	sdelay $0x1  }
0xed: {  	v17 =	vmul.f32 v17, v14;
	_ =	sdelay $0x1  }
0xee: {  	v17 =	vsub.f32 $1.500000000e+00, v17;
	_ =	sdelay $0x1  }
0xef: {  	v14 =	vmul.f32 v17, v14;
	_ =	sdelay $0x1  }
0xf0: {  	v15 =	vmul.f32 v32, v30;
	v16 =	vmul.f32 v14, v16;
	_ =	sdelay $0x1  }
0xf1: {  	v37 =	vmax.f32 v16, v15  }
0xf2: {  	v38 =	vsub.s32 $0x7EF311C3, v37  }
0xf3: {  	v39 =	vmul.f32 v38, v37;
	_ =	sdelay $0x1  }
0xf4: {  	v19 =	vsub.f32 $2.000000000e+00, v39;
	_ =	sdelay $0x1  }
0xf5: {  	v18 =	vmul.f32 v38, v19;
	_ =	sdelay $0x1  }
0xf6: {  	v19 =	vmul.f32 v18, v37;
	_ =	sdelay $0x1  }
0xf7: {  	v19 =	vsub.f32 $2.000000000e+00, v19;
	_ =	sdelay $0x1  }
0xf8: {  	v18 =	vmul.f32 v19, v18;
	_ =	sdelay $0x1  }
0xf9: {  	v17 =	vmul.f32 v18, v37;
	_ =	sdelay $0x1  }
0xfa: {  	v17 =	vsub.f32 $2.000000000e+00, v17;
	_ =	sdelay $0x1  }
0xfb: {  	v17 =	vmul.f32 v17, v18  }
0xfc: {  	v40 =	vmin.f32 v16, v15  }
0xfd: {  	v17 =	vmul.f32 v17, v40;
	_ =	sdelay $0x1  }
0xfe: {  	v18 =	vmul.f32 v17, v17;
	_ =	sdelay $0x1  }
0xff: {  	v41 =	vmul.f32 $2.932646540e-03, v18;
	_ =	sdelay $0x1  }
0x100: {  	v19 =	vadd.f32 $-1.641277410e-02, v41;
	_ =	sdelay $0x1  }
0x101: {  	v19 =	vmul.f32 v19, v18;
	_ =	sdelay $0x1  }
0x102: {  	v19 =	vadd.f32 $4.327764360e-02, v19;
	_ =	sdelay $0x1  }
0x103: {  	v42 =	vor.u32 $0x1, v13;
	v19 =	vmul.f32 v19, v18  }
0x104: {  	v43 =	vor.u32 $0x2, v13  }
0x105: {  	v19 =	vadd.f32 $-7.556856420e-02, v19  }
0x106: {  	v44 =	vld.idx.msk [tilespmem:v13+s10+$0x0], $0xffff  }
0x107: {  	v13 =	vld.idx.msk [tilespmem:v13+s12+$0x0], $0xffff;
	v19 =	vmul.f32 v19, v18  }
0x108: {  	v45 =	vld.idx.msk [tilespmem:v42+s10+$0x0], $0xffff  }
0x109: {  	v46 =	vld.idx.msk [tilespmem:v43+s10+$0x0], $0xffff;
	v19 =	vadd.f32 $1.066747010e-01, v19  }
0x10a: {  	v21 =	vld.idx.msk [tilespmem:v43+s12+$0x0], $0xffff  }
0x10b: {  	v20 =	vld.idx.msk [tilespmem:v42+s12+$0x0], $0xffff;
	v19 =	vmul.f32 v19, v18;
	_ =	sdelay $0x1  }
0x10c: {  	v19 =	vadd.f32 $-1.421110330e-01, v19  }
0x10d: {  	v13 =	vsub.f32 v13, v44  }
0x10e: {  	v21 =	vsub.f32 v21, v46;
	v19 =	vmul.f32 v19, v18  }
0x10f: {  	v25 =	vmul.f32 v13, v12;
	v20 =	vsub.f32 v20, v45  }
0x110: {  	v22 =	vmul.f32 v13, v10;
	v47 =	vmul.f32 v21, v7;
	v19 =	vadd.f32 $1.999369410e-01, v19  }
0x111: {  	v48 =	vmul.f32 v20, v7;
	v26 =	vmul.f32 v21, v12  }
0x112: {  	v49 =	vmul.f32 v20, v10;
	v19 =	vmul.f32 v19, v18  }
0x113: {  	v22 =	vsub.f32 v22, v47;
	v24 =	vsub.f32 v48, v25  }
0x114: {  	v23 =	vsub.f32 v26, v49;
	v19 =	vadd.f32 $-3.333313760e-01, v19  }
0x115: {  	v25 =	vmul.f32 v24, v12;
	v50 =	vmul.f32 v22, v10  }
0x116: {  	v52 =	vmul.f32 v23, v6;
	v18 =	vmul.f32 v19, v18  }
0x117: {  	v53 =	vmul.f32 v22, v7;
	v12 =	vmul.f32 v23, v12  }
0x118: {  	v10 =	vmul.f32 v23, v10;
	v7 =	vmul.f32 v24, v7;
	v18 =	vadd.f32 $1.000000000e+00, v18  }
0x119: {  	v54 =	vmul.f32 v24, v6;
	v51 =	vsub.f32 v25, v50;
	v12 =	vsub.f32 v53, v12  }
0x11a: {  	v6 =	vmul.f32 v22, v6;
	v7 =	vsub.f32 v10, v7;
	v17 =	vmul.f32 v18, v17  }
0x11b: {  	v12 =	vadd.f32 v12, v54;
	v19 =	vadd.f32 v51, v52  }
0x11c: {  	v6 =	vadd.f32 v7, v6;
	v57 =	vsub.f32 $1.570796370e+00, v17  }
0x11d: {  	v58 =	vld [tilespmem:s31+$0x500];
	vm14 =	vgt.f32 v16, v15;
	v55 =	vadd.f32 v19, v19  }
0x11e: {  	v59 =	vld [tilespmem:s31+$0x480];
	v12 =	vadd.f32 v12, v12;
	v6 =	vadd.f32 v6, v6;
	v60 =	vsel vm14, v57, v17  }
0x11f: {  	v56 =	vld [tilespmem:s31+$0x400];
	v10 =	vadd.f32 v55, v13;
	v13 =	vadd.f32 v60, v60;
	_ =	sdelay $0x1  }
0x120: {  	v12 =	vadd.f32 v12, v21;
	v6 =	vadd.f32 v6, v20;
	vm15 =	vlt.f32 v13, $9.999999970e-07  }
0x121: {  	v61 =	vsel vm15, $0x3F800000, v13  }
0x122: {  	v12 =	vsub.f32 v12, v58;
	v6 =	vsub.f32 v6, v59;
	v63 =	vsub.s32 $0x7EF311C3, v61  }
0x123: {  	v43 =	vmul.f32 $5.000000000e-01, v15;
	v10 =	vsub.f32 v10, v56;
	v29 =	vmul.f32 v63, v61  }
0x124: {  	v32 =	vmul.f32 v12, v4;
	v33 =	vmul.f32 v6, v5  }
0x125: {  	v30 =	vmul.f32 v6, v3;
	v31 =	vmul.f32 v10, v4;
	v20 =	vsub.f32 $2.000000000e+00, v29  }
0x126: {  	v28 =	vmul.f32 v12, v3;
	v35 =	vsub.f32 v32, v33;
	v62 =	vmul.f32 v10, v5  }
0x127: {  	v34 =	vsub.f32 v30, v31;
	v18 =	vmul.f32 v63, v20  }
0x128: {  	v45 =	vmul.f32 v14, v43;
	v38 =	vmul.f32 v35, v2;
	v7 =	vsub.f32 v62, v28  }
0x129: {  	v21 =	vmul.f32 v34, v4;
	v37 =	vmul.f32 v18, v61  }
0x12a: {  	v36 =	vmul.f32 v7, v5;
	v5 =	vmul.f32 v35, v5  }
0x12b: {  	v39 =	vmul.f32 v34, v3;
	v3 =	vmul.f32 v7, v3;
	v23 =	vsub.f32 $2.000000000e+00, v37  }
0x12c: {  	v4 =	vmul.f32 v35, v4;
	v13 =	vmul.f32 v13, v14  }
0x12d: {  	vm1 =	vlt.f32 v16, $1.000000010e-07;
	v7 =	vmul.f32 v7, v2;
	v18 =	vmul.f32 v23, v18  }
0x12e: {  	v2 =	vmul.f32 v34, v2;
	v21 =	vsub.f32 v21, v36;
	v5 =	vsub.f32 v5, v39  }
0x12f: {  	v13 =	vsel vm1, $0x40000000, v13;
	v3 =	vsub.f32 v3, v4;
	v41 =	vmul.f32 v18, v61  }
0x130: {  	v42 =	vmul.f32 v13, v11;
	v40 =	vadd.f32 v21, v38;
	v5 =	vadd.f32 v5, v7  }
0x131: {  	v44 =	vmul.f32 v13, v9;
	v2 =	vadd.f32 v3, v2;
	v4 =	vsub.f32 $2.000000000e+00, v41  }
0x132: {  	v3 =	vmul.f32 v13, v8;
	v20 =	vadd.f32 v40, v40;
	v5 =	vadd.f32 v5, v5  }
0x133: {  	v46 =	vmul.f32 v42, v42;
	v2 =	vadd.f32 v2, v2;
	v4 =	vmul.f32 v4, v18  }
0x134: {  	v47 =	vmul.f32 v3, v3;
	v10 =	vadd.f32 v20, v10;
	v5 =	vadd.f32 v5, v6  }
0x135: {  	v2 =	vadd.f32 v2, v12;
	v48 =	vmul.f32 v4, v4;
	v4 =	vmul.f32 v4, v45  }
0x136: {  	v50 =	vmul.f32 v44, v44;
	v49 =	vadd.f32 v47, v46;
	v51 =	vmul.f32 v42, v10  }
0x137: {  	v52 =	vmul.f32 v3, v5;
	v53 =	vmul.f32 v44, v2;
	v4 =	vsub.f32 v48, v4  }
0x138: {  	v9 =	vadd.f32 v49, v50;
	v54 =	vmul.f32 v3, v2;
	v55 =	vmul.f32 v44, v5  }
0x139: {  	v58 =	vmul.f32 v42, v5;
	v59 =	vmul.f32 v3, v10;
	v4 =	vsel vm15, $0x3DAAAAAB, v4  }
0x13a: {  	v56 =	vmul.f32 v44, v10;
	v6 =	vadd.f32 v52, v51;
	v9 =	vmul.f32 v4, v9  }
0x13b: {  	v57 =	vmul.f32 v42, v2;
	v11 =	vsub.f32 v54, v55;
	v12 =	vsub.f32 v58, v59  }
0x13c: {  	v6 =	vadd.f32 v6, v53;
	v9 =	vsub.f32 $1.000000000e+00, v9  }
0x13d: {  	v60 =	vsub.f32 v56, v57;
	v11 =	vmul.f32 $5.000000000e-01, v11;
	v62 =	vmul.f32 $5.000000000e-01, v12  }
0x13e: {  	v4 =	vmul.f32 v4, v6;
	v10 =	vmul.f32 v9, v10  }
0x13f: {  	v6 =	vmul.f32 $5.000000000e-01, v60;
	v5 =	vmul.f32 v9, v5  }
0x140: {  	v61 =	vmul.f32 v4, v42;
	v2 =	vmul.f32 v9, v2;
	v10 =	vsub.f32 v10, v11  }
0x141: {  	v63 =	vmul.f32 v4, v3;
	v5 =	vsub.f32 v5, v6  }
0x142: {  	v4 =	vmul.f32 v4, v44;
	v2 =	vsub.f32 v2, v62;
	v10 =	vadd.f32 v10, v61  }
0x143: {  	v5 =	vadd.f32 v5, v63  }
0x144: {  	p1 =	sne.s32 s28, $0xF80;
	v2 =	vadd.f32 v2, v4;
	[tilespmem:s31+$0x5400] =	vst v10  }
.Ltmp5:
0x145: {  	[tilespmem:s31+$0x5480] =	vst v5;
	(pc) =	sbr.rel @p1 .LBB2_5-.Ltmp5, $4  }
0x146: {  	[tilespmem:s31+$0x5500] =	vst v2  }
0x147: {  	[tilespmem:s30+$0x5400] =	vst v42  }
0x148: {  	[tilespmem:s31+$0x5600] =	vst v3  }
0x149: {  	s28 =	sadd.s32 $0x80, s28;
	s25 =	sadd.s32 $0x10, s25;
	[tilespmem:s31+$0x5680] =	vst v44  }
0x14a: {  	s0 =	sshll.u32 s23, $0x9;
	p1 =	sgt.u32 s23, $0xBF4  }
.Ltmp6:
0x14b: {  	s0 =	sadd.s32 s6, s0;
	(pc) =	sbr.rel @p1 .LBB2_8-.Ltmp6, $4  }
0x14c: {  	[hbm4b:s0+s2] =	stream.linear.scatter [tilespmem:s19], [sflag:$0x4], $0x1000, $0x38;
	[tilespmem:$0xC800] =	vst v63  }
0x14d: {  	_ =	swait.ge [sflag:s16], $0x1000  }
0x14e: {  	[sflag:s16] =	ssyncset.done $0x0  }
0x14f: {  	[sflag:s16] =	ssyncadd.s32 $0xFFFFF000  }
0x150: {  	s0 =	sshll.u32 s15, $0x7  }
0x151: {  	s23 =	sadd.s32 s4, s0  }
0x152: {  	[tilespmem:s2], [sflag:$0x1] =	stream.linear.gather [hbm4b:s23+s2], $0x80, $0x38;
	[tilespmem:$0xC800] =	vst v63  }
0x153: {  	s25 =	simm.s32 $0x200;
	s28 =	sadd.s32 s0, s8  }
0x154: {  	[tilespmem:s25], [sflag:$0x1] =	stream.linear.gather [hbm4b:s28+s2], $0x80, $0x38;
	[tilespmem:$0xC800] =	vst v63  }
0x155: {  	s29 =	sadd.s32 s0, s11  }
0x156: {  	[tilespmem:s26], [sflag:$0x1] =	stream.linear.gather [hbm4b:s29+s2], $0x80, $0x38;
	[tilespmem:$0xC800] =	vst v63  }
0x157: {  	s30 =	sadd.s32 s0, s13;
	s28 =	simm.s32 $0x280  }
0x158: {  	[tilespmem:s28], [sflag:$0x1] =	stream.linear.gather [hbm4b:s30+s2], $0x80, $0x38;
	[tilespmem:$0xC800] =	vst v63  }
0x159: {  	s17 =	rddreg [dreg:$0xd];
	s31 =	sadd.s32 s0, s14;
	s29 =	simm.s32 $0x100  }
0x15a: {  	[tilespmem:s29], [sflag:$0x1] =	stream.linear.gather [hbm4b:s31+s2], $0x80, $0x38;
	[tilespmem:$0xC800] =	vst v63  }
0x15b: {  	s17 =	sadd.s32 s0, s17;
	s30 =	simm.s32 $0x300;
	s31 =	rddreg [dreg:$0xe]  }
0x15c: {  	[tilespmem:s30], [sflag:$0x1] =	stream.linear.gather [hbm4b:s17+s2], $0x80, $0x38;
	[tilespmem:$0xC800] =	vst v63  }
0x15d: {  	s23 =	rddreg [dreg:$0xf];
	s17 =	sadd.s32 s0, s31;
	s31 =	simm.s32 $0x180  }
0x15e: {  	[tilespmem:s31], [sflag:$0x1] =	stream.linear.gather [hbm4b:s17+s2], $0x80, $0x38;
	[tilespmem:$0xC800] =	vst v63  }
0x15f: {  	s0 =	sadd.s32 s0, s23;
	s23 =	simm.s32 $0x380  }
0x160: {  	[tilespmem:s23], [sflag:$0x1] =	stream.linear.gather [hbm4b:s0+s2], $0x80, $0x38;
	[tilespmem:$0xC800] =	vst v63  }
0x161: {  	_ =	swait.ge [sflag:s3], $0x80  }
0x162: {  	[sflag:s3] =	ssyncset.done $0x0  }
0x163: {  	[sflag:s3] =	ssyncadd.s32 $0xFFFFFF80  }
0x164: {  	_ =	swait.ge [sflag:s3], $0x80  }
0x165: {  	[sflag:s3] =	ssyncset.done $0x0  }
0x166: {  	[sflag:s3] =	ssyncadd.s32 $0xFFFFFF80  }
0x167: {  	_ =	swait.ge [sflag:s3], $0x80  }
0x168: {  	[sflag:s3] =	ssyncset.done $0x0  }
0x169: {  	[sflag:s3] =	ssyncadd.s32 $0xFFFFFF80  }
0x16a: {  	_ =	swait.ge [sflag:s3], $0x80  }
0x16b: {  	[sflag:s3] =	ssyncset.done $0x0  }
0x16c: {  	[sflag:s3] =	ssyncadd.s32 $0xFFFFFF80  }
0x16d: {  	_ =	swait.ge [sflag:s3], $0x80  }
0x16e: {  	[sflag:s3] =	ssyncset.done $0x0  }
0x16f: {  	[sflag:s3] =	ssyncadd.s32 $0xFFFFFF80  }
0x170: {  	_ =	swait.ge [sflag:s3], $0x80  }
0x171: {  	[sflag:s3] =	ssyncset.done $0x0  }
0x172: {  	[sflag:s3] =	ssyncadd.s32 $0xFFFFFF80  }
0x173: {  	_ =	swait.ge [sflag:s3], $0x80  }
0x174: {  	[sflag:s3] =	ssyncset.done $0x0  }
0x175: {  	[sflag:s3] =	ssyncadd.s32 $0xFFFFFF80  }
0x176: {  	_ =	swait.ge [sflag:s3], $0x80  }
0x177: {  	[sflag:s3] =	ssyncset.done $0x0  }
0x178: {  	[sflag:s3] =	ssyncadd.s32 $0xFFFFFF80  }
0x179: {  	s15 =	sshll.u32 s15, $0x9;
	s17 =	rddreg [dreg:$0x1]  }
0x17a: {  	s0 =	sadd.s32 s17, s15;
	s17 =	simm.s32 $0x400  }
0x17b: {  	[tilespmem:s17], [sflag:$0x1] =	stream.linear.gather [hbm4b:s0+s2], $0x1000, $0x38;
	[tilespmem:$0xC800] =	vst v63  }
0x17c: {  	_ = 	snop  }
0x17d: {  	[tilespmem:s10], [sflag:$0x1] =	stream.indirect.gather [hbm4b:s5+s26], $0x10, s2, s26, $0xb8;
	[tilespmem:$0xC800] =	vst v63  }
0x17e: {  	_ = 	snop  }
0x17f: {  	[tilespmem:s12], [sflag:$0x1] =	stream.indirect.gather [hbm4b:s5+s26], $0x10, s25, s26, $0xb8;
	[tilespmem:$0xC800] =	vst v63  }
0x180: {  	s17 =	simm.s32 $0x1C00  }
0x181: {  	[tilespmem:s17], [sflag:$0x1] =	stream.indirect.gather [hbm4b:s5+s26], $0x10, s26, s26, $0xb8;
	[tilespmem:$0xC800] =	vst v63  }
0x182: {  	s25 =	simm.s32 $0x3C00  }
0x183: {  	[tilespmem:s25], [sflag:$0x1] =	stream.indirect.gather [hbm4b:s5+s26], $0x10, s28, s26, $0xb8;
	[tilespmem:$0xC800] =	vst v63  }
0x184: {  	s28 =	simm.s32 $0x2400  }
0x185: {  	[tilespmem:s28], [sflag:$0x1] =	stream.indirect.gather [hbm4b:s5+s26], $0x10, s29, s26, $0xb8;
	[tilespmem:$0xC800] =	vst v63  }
0x186: {  	s29 =	simm.s32 $0x4400  }
0x187: {  	[tilespmem:s29], [sflag:$0x1] =	stream.indirect.gather [hbm4b:s5+s26], $0x10, s30, s26, $0xb8;
	[tilespmem:$0xC800] =	vst v63  }
.Ltmp7:
0x188: {  	_ = 	snop;
	(pc) =	sbr.rel .LBB2_9-.Ltmp7, $4  }
0x189: {  	s30 =	simm.s32 $0x2C00  }
0x18a: {  	[tilespmem:s30], [sflag:$0x1] =	stream.indirect.gather [hbm4b:s5+s26], $0x10, s31, s26, $0xb8;
	[tilespmem:$0xC800] =	vst v63  }
0x18b: {  	s31 =	simm.s32 $0x4C00  }
0x18c: {  	[tilespmem:s31], [sflag:$0x1] =	stream.indirect.gather [hbm4b:s5+s26], $0x10, s23, s26, $0xb8;
	[tilespmem:$0xC800] =	vst v63  }
.LBB2_8:
.Ltmp8:
0x18d: {  	(pc) =	sbr.rel @p0 .LBB2_12-.Ltmp8, $1  }
0x18e: {  	_ =	sdelay $0x3  }
.LBB2_9:
0x18f: {  	_ =	swait.ge [sflag:s1], $0x1000  }
0x190: {  	[sflag:s1] =	ssyncset.done $0x0  }
0x191: {  	[sflag:s1] =	ssyncadd.s32 $0xFFFFF000  }
0x192: {  	_ =	swait.ge [sflag:s1], $0x800  }
0x193: {  	[sflag:s1] =	ssyncset.done $0x0  }
0x194: {  	[sflag:s1] =	ssyncadd.s32 $0xFFFFF800  }
0x195: {  	_ =	swait.ge [sflag:s1], $0x800  }
0x196: {  	[sflag:s1] =	ssyncset.done $0x0  }
0x197: {  	[sflag:s1] =	ssyncadd.s32 $0xFFFFF800  }
0x198: {  	_ =	swait.ge [sflag:s1], $0x800  }
0x199: {  	[sflag:s1] =	ssyncset.done $0x0  }
0x19a: {  	[sflag:s1] =	ssyncadd.s32 $0xFFFFF800  }
0x19b: {  	_ =	swait.ge [sflag:s1], $0x800  }
0x19c: {  	[sflag:s1] =	ssyncset.done $0x0  }
0x19d: {  	[sflag:s1] =	ssyncadd.s32 $0xFFFFF800  }
0x19e: {  	_ =	swait.ge [sflag:s1], $0x800  }
0x19f: {  	[sflag:s1] =	ssyncset.done $0x0  }
0x1a0: {  	[sflag:s1] =	ssyncadd.s32 $0xFFFFF800  }
0x1a1: {  	_ =	swait.ge [sflag:s1], $0x800  }
0x1a2: {  	[sflag:s1] =	ssyncset.done $0x0  }
0x1a3: {  	[sflag:s1] =	ssyncadd.s32 $0xFFFFF800  }
0x1a4: {  	_ =	swait.ge [sflag:s1], $0x800  }
0x1a5: {  	[sflag:s1] =	ssyncset.done $0x0  }
0x1a6: {  	[sflag:s1] =	ssyncadd.s32 $0xFFFFF800  }
0x1a7: {  	_ =	swait.ge [sflag:s1], $0x800  }
0x1a8: {  	[sflag:s1] =	ssyncset.done $0x0  }
0x1a9: {  	s15 =	simm.s32 $0x0;
	s23 =	simm.s32 $0x0;
	[sflag:s1] =	ssyncadd.s32 $0xFFFFF800  }
.LBB2_10:
0x1aa: {  	v2 =	vmov s15  }
0x1ab: {  	v2 =	vshll.u32 v2, $0x4  }
0x1ac: {  	v13 =	vor.u32 v0, v2  }
0x1ad: {  	s25 =	sand.u32 $0x70, s15;
	s29 =	sand.u32 $0xC00, s23;
	v8 =	vor.u32 $0x3, v13  }
0x1ae: {  	s0 =	sand.u32 $0xFFFFFC00, s23;
	s25 =	sor.u32 s25, s29;
	v9 =	vor.u32 $0x5, v13  }
0x1af: {  	s0 =	sadd.s32 s0, s15;
	v4 =	vld [tilespmem:s25+$0x6A00];
	v11 =	vor.u32 $0x6, v13  }
0x1b0: {  	s28 =	sor.u32 $0x180, s0;
	v2 =	vld [tilespmem:s25+$0x6B00];
	v14 =	vor.u32 $0x4, v13  }
0x1b1: {  	v3 =	vld [tilespmem:s28+$0x6800]  }
0x1b2: {  	v5 =	vld.idx.msk [tilespmem:v8+s24+$0x0], $0xffff  }
0x1b3: {  	v10 =	vld.idx.msk [tilespmem:v9+s24+$0x0], $0xffff  }
0x1b4: {  	v6 =	vld.idx.msk [tilespmem:v11+s24+$0x0], $0xffff  }
0x1b5: {  	v12 =	vld.idx.msk [tilespmem:v14+s24+$0x0], $0xffff;
	_ =	sdelay $0x1  }
0x1b6: {  	v3 =	vsub.f32 $0.0e+00, v3  }
0x1b7: {  	v15 =	vld [tilespmem:s25+$0x6A80];
	v4 =	vsub.f32 $0.0e+00, v4;
	v7 =	vsub.f32 $0.0e+00, v5  }
0x1b8: {  	v10 =	vsub.f32 $0.0e+00, v10;
	v16 =	vmul.f32 v6, v3;
	v18 =	vmul.f32 v6, v2  }
0x1b9: {  	v12 =	vsub.f32 $0.0e+00, v12;
	v53 =	vmul.f32 v6, v4;
	v5 =	vmul.f32 v7, v2  }
0x1ba: {  	v17 =	vmul.f32 v10, v4;
	v19 =	vmul.f32 v7, v3  }
0x1bb: {  	v49 =	vmul.f32 v12, v2;
	v20 =	vmul.f32 v10, v3;
	v16 =	vadd.f32 v16, v5  }
0x1bc: {  	v8 =	vld.idx.msk [tilespmem:v8+s9+$0x0], $0xffff;
	v51 =	vmul.f32 v12, v4;
	v5 =	vsub.f32 $0.0e+00, v15;
	v50 =	vsub.f32 v18, v19  }
0x1bd: {  	v11 =	vld.idx.msk [tilespmem:v11+s9+$0x0], $0xffff;
	v55 =	vmul.f32 v10, v2;
	v15 =	vsub.f32 v49, v20;
	v16 =	vadd.f32 v16, v17  }
0x1be: {  	v9 =	vld.idx.msk [tilespmem:v9+s9+$0x0], $0xffff;
	v52 =	vmul.f32 v12, v5;
	v17 =	vsub.f32 v50, v51;
	v54 =	vmul.f32 v10, v5  }
0x1bf: {  	v14 =	vld.idx.msk [tilespmem:v14+s9+$0x0], $0xffff;
	v22 =	vmul.f32 v12, v3;
	v21 =	vmul.f32 v7, v5;
	v15 =	vadd.f32 v15, v53  }
0x1c0: {  	v57 =	vmul.f32 v7, v4;
	v16 =	vsub.f32 v16, v52;
	v17 =	vsub.f32 v17, v54  }
0x1c1: {  	v56 =	vadd.f32 v55, v22;
	v60 =	vmul.f32 v6, v5;
	v15 =	vadd.f32 v15, v21  }
0x1c2: {  	v58 =	vmul.f32 v8, v17;
	v59 =	vmul.f32 v11, v16  }
0x1c3: {  	v18 =	vsub.f32 v56, v57;
	v61 =	vmul.f32 v9, v15;
	v62 =	vmul.f32 v11, v17  }
0x1c4: {  	v23 =	vmul.f32 v8, v16;
	v63 =	vmul.f32 v14, v17  }
0x1c5: {  	v18 =	vadd.f32 v18, v60;
	v24 =	vmul.f32 v9, v16;
	v27 =	vmul.f32 v14, v15  }
0x1c6: {  	v17 =	vmul.f32 v9, v17;
	v16 =	vmul.f32 v14, v16;
	v21 =	vsub.f32 v62, v23  }
0x1c7: {  	v28 =	vmul.f32 v11, v15;
	v9 =	vmul.f32 v9, v18;
	v20 =	vadd.f32 v59, v58  }
0x1c8: {  	v14 =	vmul.f32 v14, v18;
	v19 =	vsub.f32 v63, v24;
	v21 =	vsub.f32 v21, v27  }
0x1c9: {  	v15 =	vmul.f32 v8, v15;
	v16 =	vadd.f32 v17, v16;
	v20 =	vadd.f32 v20, v61  }
0x1ca: {  	v8 =	vmul.f32 v8, v18;
	v29 =	vadd.f32 v28, v19;
	v30 =	vsub.f32 v21, v9  }
0x1cb: {  	v11 =	vmul.f32 v11, v18;
	v31 =	vsub.f32 v16, v15  }
0x1cc: {  	v14 =	vsub.f32 v20, v14;
	v8 =	vadd.f32 v29, v8;
	vm0 =	vlt.f32 v30, $0.0e+00  }
0x1cd: {  	v9 =	vadd.f32 v31, v11;
	v32 =	vsel vm0, $0xBF800000, v1  }
0x1ce: {  	v11 =	vmul.f32 v32, v14;
	v8 =	vmul.f32 v32, v8  }
0x1cf: {  	v9 =	vmul.f32 v32, v9  }
0x1d0: {  	v14 =	vmul.f32 v11, v11;
	v33 =	vmul.f32 v8, v8;
	_ =	sdelay $0x1  }
0x1d1: {  	v34 =	vmul.f32 v9, v9;
	v14 =	vadd.f32 v33, v14;
	_ =	sdelay $0x1  }
0x1d2: {  	v14 =	vadd.f32 v14, v34;
	_ =	sdelay $0x1  }
0x1d3: {  	v16 =	vadd.f32 $1.000000020e-24, v14;
	_ =	sdelay $0x1  }
0x1d4: {  	v14 =	vshra.s32 v16, $0x1;
	v35 =	vmul.f32 $5.000000000e-01, v16  }
0x1d5: {  	v14 =	vsub.s32 $0x5F3759DF, v14  }
0x1d6: {  	v36 =	vmul.f32 v14, v35;
	_ =	sdelay $0x1  }
0x1d7: {  	v18 =	vmul.f32 v14, v36;
	_ =	sdelay $0x1  }
0x1d8: {  	v18 =	vsub.f32 $1.500000000e+00, v18;
	_ =	sdelay $0x1  }
0x1d9: {  	v14 =	vmul.f32 v14, v18;
	_ =	sdelay $0x1  }
0x1da: {  	v18 =	vmul.f32 v14, v35;
	_ =	sdelay $0x1  }
0x1db: {  	v18 =	vmul.f32 v18, v14;
	_ =	sdelay $0x1  }
0x1dc: {  	v18 =	vsub.f32 $1.500000000e+00, v18;
	_ =	sdelay $0x1  }
0x1dd: {  	v14 =	vmul.f32 v18, v14;
	_ =	sdelay $0x1  }
0x1de: {  	v17 =	vmul.f32 v14, v35;
	_ =	sdelay $0x1  }
0x1df: {  	v17 =	vmul.f32 v17, v14;
	_ =	sdelay $0x1  }
0x1e0: {  	v17 =	vsub.f32 $1.500000000e+00, v17;
	_ =	sdelay $0x1  }
0x1e1: {  	v14 =	vmul.f32 v17, v14;
	_ =	sdelay $0x1  }
0x1e2: {  	v15 =	vmul.f32 v32, v30;
	v16 =	vmul.f32 v14, v16;
	_ =	sdelay $0x1  }
0x1e3: {  	v37 =	vmax.f32 v16, v15  }
0x1e4: {  	v38 =	vsub.s32 $0x7EF311C3, v37  }
0x1e5: {  	v39 =	vmul.f32 v38, v37;
	_ =	sdelay $0x1  }
0x1e6: {  	v19 =	vsub.f32 $2.000000000e+00, v39;
	_ =	sdelay $0x1  }
0x1e7: {  	v18 =	vmul.f32 v38, v19;
	_ =	sdelay $0x1  }
0x1e8: {  	v19 =	vmul.f32 v18, v37;
	_ =	sdelay $0x1  }
0x1e9: {  	v19 =	vsub.f32 $2.000000000e+00, v19;
	_ =	sdelay $0x1  }
0x1ea: {  	v18 =	vmul.f32 v19, v18;
	_ =	sdelay $0x1  }
0x1eb: {  	v17 =	vmul.f32 v18, v37;
	_ =	sdelay $0x1  }
0x1ec: {  	v17 =	vsub.f32 $2.000000000e+00, v17;
	_ =	sdelay $0x1  }
0x1ed: {  	v17 =	vmul.f32 v17, v18  }
0x1ee: {  	v40 =	vmin.f32 v16, v15  }
0x1ef: {  	v17 =	vmul.f32 v17, v40;
	_ =	sdelay $0x1  }
0x1f0: {  	v18 =	vmul.f32 v17, v17;
	_ =	sdelay $0x1  }
0x1f1: {  	v41 =	vmul.f32 $2.932646540e-03, v18;
	_ =	sdelay $0x1  }
0x1f2: {  	v19 =	vadd.f32 $-1.641277410e-02, v41;
	_ =	sdelay $0x1  }
0x1f3: {  	v19 =	vmul.f32 v19, v18;
	_ =	sdelay $0x1  }
0x1f4: {  	v19 =	vadd.f32 $4.327764360e-02, v19;
	_ =	sdelay $0x1  }
0x1f5: {  	v42 =	vor.u32 $0x1, v13;
	v19 =	vmul.f32 v19, v18  }
0x1f6: {  	v43 =	vor.u32 $0x2, v13  }
0x1f7: {  	v19 =	vadd.f32 $-7.556856420e-02, v19  }
0x1f8: {  	v44 =	vld.idx.msk [tilespmem:v13+s24+$0x0], $0xffff  }
0x1f9: {  	v13 =	vld.idx.msk [tilespmem:v13+s9+$0x0], $0xffff;
	v19 =	vmul.f32 v19, v18  }
0x1fa: {  	v45 =	vld.idx.msk [tilespmem:v42+s24+$0x0], $0xffff  }
0x1fb: {  	v46 =	vld.idx.msk [tilespmem:v43+s24+$0x0], $0xffff;
	v19 =	vadd.f32 $1.066747010e-01, v19  }
0x1fc: {  	v21 =	vld.idx.msk [tilespmem:v43+s9+$0x0], $0xffff  }
0x1fd: {  	v20 =	vld.idx.msk [tilespmem:v42+s9+$0x0], $0xffff;
	v19 =	vmul.f32 v19, v18;
	_ =	sdelay $0x1  }
0x1fe: {  	v19 =	vadd.f32 $-1.421110330e-01, v19  }
0x1ff: {  	v13 =	vsub.f32 v13, v44  }
0x200: {  	v21 =	vsub.f32 v21, v46;
	v19 =	vmul.f32 v19, v18  }
0x201: {  	v25 =	vmul.f32 v13, v12;
	v20 =	vsub.f32 v20, v45  }
0x202: {  	v22 =	vmul.f32 v13, v10;
	v47 =	vmul.f32 v21, v7;
	v19 =	vadd.f32 $1.999369410e-01, v19  }
0x203: {  	v48 =	vmul.f32 v20, v7;
	v26 =	vmul.f32 v21, v12  }
0x204: {  	v49 =	vmul.f32 v20, v10;
	v19 =	vmul.f32 v19, v18  }
0x205: {  	v22 =	vsub.f32 v22, v47;
	v24 =	vsub.f32 v48, v25  }
0x206: {  	v23 =	vsub.f32 v26, v49;
	v19 =	vadd.f32 $-3.333313760e-01, v19  }
0x207: {  	v25 =	vmul.f32 v24, v12;
	v50 =	vmul.f32 v22, v10  }
0x208: {  	v52 =	vmul.f32 v23, v6;
	v18 =	vmul.f32 v19, v18  }
0x209: {  	v53 =	vmul.f32 v22, v7;
	v12 =	vmul.f32 v23, v12  }
0x20a: {  	v10 =	vmul.f32 v23, v10;
	v7 =	vmul.f32 v24, v7;
	v18 =	vadd.f32 $1.000000000e+00, v18  }
0x20b: {  	v54 =	vmul.f32 v24, v6;
	v51 =	vsub.f32 v25, v50;
	v12 =	vsub.f32 v53, v12  }
0x20c: {  	v6 =	vmul.f32 v22, v6;
	v7 =	vsub.f32 v10, v7;
	v17 =	vmul.f32 v18, v17  }
0x20d: {  	v12 =	vadd.f32 v12, v54;
	v19 =	vadd.f32 v51, v52  }
0x20e: {  	v6 =	vadd.f32 v7, v6;
	v57 =	vsub.f32 $1.570796370e+00, v17  }
0x20f: {  	v58 =	vld [tilespmem:s25+$0x6900];
	vm14 =	vgt.f32 v16, v15;
	v55 =	vadd.f32 v19, v19  }
0x210: {  	v59 =	vld [tilespmem:s25+$0x6880];
	v12 =	vadd.f32 v12, v12;
	v6 =	vadd.f32 v6, v6;
	v60 =	vsel vm14, v57, v17  }
0x211: {  	v56 =	vld [tilespmem:s25+$0x6800];
	v10 =	vadd.f32 v55, v13;
	v13 =	vadd.f32 v60, v60;
	_ =	sdelay $0x1  }
0x212: {  	v12 =	vadd.f32 v12, v21;
	v6 =	vadd.f32 v6, v20;
	vm15 =	vlt.f32 v13, $9.999999970e-07  }
0x213: {  	v61 =	vsel vm15, $0x3F800000, v13  }
0x214: {  	v12 =	vsub.f32 v12, v58;
	v6 =	vsub.f32 v6, v59;
	v63 =	vsub.s32 $0x7EF311C3, v61  }
0x215: {  	v43 =	vmul.f32 $5.000000000e-01, v15;
	v10 =	vsub.f32 v10, v56;
	v29 =	vmul.f32 v63, v61  }
0x216: {  	v32 =	vmul.f32 v12, v4;
	v33 =	vmul.f32 v6, v5  }
0x217: {  	v30 =	vmul.f32 v6, v3;
	v31 =	vmul.f32 v10, v4;
	v20 =	vsub.f32 $2.000000000e+00, v29  }
0x218: {  	v28 =	vmul.f32 v12, v3;
	v35 =	vsub.f32 v32, v33;
	v62 =	vmul.f32 v10, v5  }
0x219: {  	v34 =	vsub.f32 v30, v31;
	v18 =	vmul.f32 v63, v20  }
0x21a: {  	v45 =	vmul.f32 v14, v43;
	v38 =	vmul.f32 v35, v2;
	v7 =	vsub.f32 v62, v28  }
0x21b: {  	v21 =	vmul.f32 v34, v4;
	v37 =	vmul.f32 v18, v61  }
0x21c: {  	v36 =	vmul.f32 v7, v5;
	v5 =	vmul.f32 v35, v5  }
0x21d: {  	v39 =	vmul.f32 v34, v3;
	v3 =	vmul.f32 v7, v3;
	v23 =	vsub.f32 $2.000000000e+00, v37  }
0x21e: {  	v4 =	vmul.f32 v35, v4;
	v13 =	vmul.f32 v13, v14  }
0x21f: {  	vm1 =	vlt.f32 v16, $1.000000010e-07;
	v7 =	vmul.f32 v7, v2;
	v18 =	vmul.f32 v23, v18  }
0x220: {  	v2 =	vmul.f32 v34, v2;
	v21 =	vsub.f32 v21, v36;
	v5 =	vsub.f32 v5, v39  }
0x221: {  	v13 =	vsel vm1, $0x40000000, v13;
	v3 =	vsub.f32 v3, v4;
	v41 =	vmul.f32 v18, v61  }
0x222: {  	v42 =	vmul.f32 v13, v11;
	v40 =	vadd.f32 v21, v38;
	v5 =	vadd.f32 v5, v7  }
0x223: {  	v44 =	vmul.f32 v13, v9;
	v2 =	vadd.f32 v3, v2;
	v4 =	vsub.f32 $2.000000000e+00, v41  }
0x224: {  	v3 =	vmul.f32 v13, v8;
	v20 =	vadd.f32 v40, v40;
	v5 =	vadd.f32 v5, v5  }
0x225: {  	v46 =	vmul.f32 v42, v42;
	v2 =	vadd.f32 v2, v2;
	v4 =	vmul.f32 v4, v18  }
0x226: {  	v47 =	vmul.f32 v3, v3;
	v10 =	vadd.f32 v20, v10;
	v5 =	vadd.f32 v5, v6  }
0x227: {  	v2 =	vadd.f32 v2, v12;
	v48 =	vmul.f32 v4, v4;
	v4 =	vmul.f32 v4, v45  }
0x228: {  	v50 =	vmul.f32 v44, v44;
	v49 =	vadd.f32 v47, v46;
	v51 =	vmul.f32 v42, v10  }
0x229: {  	v52 =	vmul.f32 v3, v5;
	v53 =	vmul.f32 v44, v2;
	v4 =	vsub.f32 v48, v4  }
0x22a: {  	v9 =	vadd.f32 v49, v50;
	v54 =	vmul.f32 v3, v2;
	v55 =	vmul.f32 v44, v5  }
0x22b: {  	v58 =	vmul.f32 v42, v5;
	v59 =	vmul.f32 v3, v10;
	v4 =	vsel vm15, $0x3DAAAAAB, v4  }
0x22c: {  	v56 =	vmul.f32 v44, v10;
	v6 =	vadd.f32 v52, v51;
	v9 =	vmul.f32 v4, v9  }
0x22d: {  	v57 =	vmul.f32 v42, v2;
	v11 =	vsub.f32 v54, v55;
	v12 =	vsub.f32 v58, v59  }
0x22e: {  	v6 =	vadd.f32 v6, v53;
	v9 =	vsub.f32 $1.000000000e+00, v9  }
0x22f: {  	v60 =	vsub.f32 v56, v57;
	v11 =	vmul.f32 $5.000000000e-01, v11;
	v62 =	vmul.f32 $5.000000000e-01, v12  }
0x230: {  	v4 =	vmul.f32 v4, v6;
	v10 =	vmul.f32 v9, v10  }
0x231: {  	v6 =	vmul.f32 $5.000000000e-01, v60;
	v5 =	vmul.f32 v9, v5  }
0x232: {  	v61 =	vmul.f32 v4, v42;
	v2 =	vmul.f32 v9, v2;
	v10 =	vsub.f32 v10, v11  }
0x233: {  	v63 =	vmul.f32 v4, v3;
	v5 =	vsub.f32 v5, v6  }
0x234: {  	v4 =	vmul.f32 v4, v44;
	v2 =	vsub.f32 v2, v62;
	v10 =	vadd.f32 v10, v61  }
0x235: {  	v5 =	vadd.f32 v5, v63  }
0x236: {  	p0 =	sne.s32 s23, $0xF80;
	v2 =	vadd.f32 v2, v4;
	[tilespmem:s25+$0xB800] =	vst v10  }
.Ltmp9:
0x237: {  	[tilespmem:s25+$0xB880] =	vst v5;
	(pc) =	sbr.rel @p0 .LBB2_10-.Ltmp9, $4  }
0x238: {  	[tilespmem:s25+$0xB900] =	vst v2  }
0x239: {  	[tilespmem:s28+$0xB800] =	vst v42  }
0x23a: {  	[tilespmem:s25+$0xBA00] =	vst v3  }
0x23b: {  	s23 =	sadd.s32 $0x80, s23;
	s15 =	sadd.s32 $0x10, s15;
	[tilespmem:s25+$0xBA80] =	vst v44  }
0x23c: {  	s0 =	sshll.u32 s22, $0x9  }
.Ltmp10:
0x23d: {  	s15 =	simm.s32 $0xB800;
	s0 =	sadd.s32 s6, s0;
	(pc) =	sbr.rel .LBB2_12-.Ltmp10, $4  }
0x23e: {  	[hbm4b:s0+s2] =	stream.linear.scatter [tilespmem:s15], [sflag:$0x3], $0x1000, $0x38;
	[tilespmem:$0xC800] =	vst v63  }
0x23f: {  	_ =	swait.ge [sflag:s18], $0x1000  }
0x240: {  	[sflag:s18] =	ssyncset.done $0x0  }
0x241: {  	[sflag:s18] =	ssyncadd.s32 $0xFFFFF000  }
.LBB2_14:
0x242: {  	_ =	sfence.sel $0x180000  }
0x243: {  	[bflag:$0x0] =	sbarrier.arrive $0xFFFF  }
0x244: {  	_ =	strace $0x90000047  }
0x245: {  	s0 =	stileid.u32;
	[bflag:$0x2] =	sbarrier.arrive $0xFFFF  }
0x246: {  	p0 =	sne.s32 s0, $0x0;
	s0 =	rddreg [dreg:$0x2]  }
0x247: {  	s0 =	sadd.s32 @!p0 $0x100000, s0  }
0x248: {  	[sflag:s0] =	ssyncadd.tile.s32 @!p0 $0x1;
	_ =	shalt  }
.Lfunc_end2:
_tile_overlayer_lowered:
.L_overlay_start_2:
0x249: {  	(tag) =	ssettag $0x2  }
0x24a: {  	s0 =	rddreg [dreg:$0x0];
	s2 =	stileid.u32  }
0x24b: {  	s1 =	rddreg [dreg:$0x1];
	p0 =	sne.s32 s2, $0x0  }
0x24c: {  	s3 =	rddreg [dreg:$0x2];
	[bflag:$0x3] =	sbarrier.arrive $0xFFFF;
	s2 =	simm.s32 @!p0 $0x1C03  }
0x24d: {  	[timem:s3], [sflag:s2] =	dma.local @!p0 [hbm:s0], s1  }
0x24e: {  	s0 =	simm.s32 @!p0 $0x3  }
0x24f: {  	_ =	swait.ge @!p0 [sflag:s0], s1  }
0x250: {  	s1 =	ssub.s32 @!p0 $0x0, s1;
	[sflag:s0] =	ssyncset.done @!p0 $0x0  }
0x251: {  	[sflag:s0] =	ssyncadd.s32 @!p0 s1  }
0x252: {  	[bflag:$0x3] =	sbarrier.arrive $0xFFFF  }
0x253: {  	_ =	shalt  }

</sc_bundles>
